<compile_context>
chip_gen: v7x
topology: tpu7x:2x2x1
jax: 0.10.2.dev20260603
libtpu: 0.0.44.dev20260713+nightly
codegen_flags: <defaults>
</compile_context>

<pallas_src>
import functools

import jax
import jax.numpy as jnp
from jax import lax
from jax.experimental import pallas as pl
from jax.experimental.pallas import tpu as pltpu
from jax.experimental.pallas import tpu_sc as plsc

NC = 2
NS = 16
NW = NC * NS
D = 64
SEQ = 200
SPC = 2
CHUNK = SPC * SEQ
M = 4
LAG = 2


def _make_lookup(n_seq):
    assert (n_seq * SEQ) % (NW * CHUNK) == 0
    b_per_w = n_seq * SEQ // NW
    n_steps = b_per_w // CHUNK
    n_groups = n_steps // M
    assert n_groups >= 3 and n_steps % M == 0
    mesh = plsc.VectorSubcoreMesh(
        core_axis_name="c", subcore_axis_name="s",
        num_cores=NC, num_subcores=NS)

    @functools.partial(
        pl.kernel,
        mesh=mesh,
        compiler_params=pltpu.CompilerParams(use_tc_tiling_on_sc=False),
        out_type=jax.ShapeDtypeStruct((n_seq, SEQ, D), jnp.float32),
        scratch_types=[
            pltpu.VMEM((M, CHUNK), jnp.int32),
            pltpu.VMEM((M, CHUNK, D), jnp.float32),
            pltpu.SemaphoreType.DMA((M,)),
            pltpu.SemaphoreType.DMA((M,)),
            pltpu.SemaphoreType.DMA((M,)),
        ],
    )
    def lookup(table_hbm, idx_hbm, out_hbm, idx_v, rows_v, sem_i, sem_g, sem_o):
        wid = lax.axis_index("s") * NC + lax.axis_index("c")
        base = wid * b_per_w
        seq_base = wid * (b_per_w // SEQ)

        def load(step, slot):
            pltpu.async_copy(
                idx_hbm.at[pl.ds(base + step * CHUNK, CHUNK)],
                idx_v.at[slot], sem_i.at[slot])

        def gather(step, slot):
            pltpu.async_copy(
                table_hbm.at[idx_v.at[slot]], rows_v.at[slot], sem_g.at[slot])

        def store(step, slot):
            s0 = seq_base + step * SPC
            for k in range(SPC):
                pltpu.async_copy(
                    rows_v.at[slot, pl.ds(k * SEQ, SEQ)],
                    out_hbm.at[s0 + k], sem_o.at[slot])

        def wait_rows(sem, slot):
            pltpu.make_async_copy(table_hbm.at[pl.ds(0, CHUNK)],
                                  rows_v.at[slot], sem.at[slot]).wait()

        def wait_idx(slot):
            pltpu.make_async_copy(idx_hbm.at[pl.ds(0, CHUNK)],
                                  idx_v.at[slot], sem_i.at[slot]).wait()

        for b in range(LAG):
            load(b, b)
        for b in range(M):
            i = b
            if i >= LAG:
                p = (b - LAG) % M
                wait_rows(sem_g, p)
                store(i - LAG, p)
                load(i - LAG + M, p)
            else:
                load(i + LAG, (i + LAG) % M)
            wait_idx(b)
            gather(i, b)

        def group_body(g, carry):
            i0 = g * M
            for b in range(M):
                i = i0 + b
                p = (b - LAG) % M
                wait_rows(sem_g, p)
                store(i - LAG, p)
                load(i - LAG + M, p)
                wait_idx(b)
                wait_rows(sem_o, b)
                gather(i, b)
            return carry

        lax.fori_loop(1, n_groups - 1, group_body, 0)

        i0 = (n_groups - 1) * M
        for b in range(M):
            i = i0 + b
            p = (b - LAG) % M
            wait_rows(sem_g, p)
            store(i - LAG, p)
            if i - LAG + M < n_steps:
                load(i - LAG + M, p)
            wait_idx(b)
            wait_rows(sem_o, b)
            gather(i, b)

        for i in range(n_steps - LAG, n_steps):
            wait_rows(sem_g, i % M)
            store(i, i % M)
        for b in range(M):
            wait_rows(sem_o, b)

    return lookup


@jax.jit
def _impl(pos_ids, table):
    flat = pos_ids.reshape(-1).astype(jnp.int32)
    return _make_lookup(pos_ids.shape[0])(table, flat)


def kernel(pos_ids, position_encoding):
    return _impl(pos_ids, position_encoding)

# --- scband reference (transcript-rebuilt; emitter-appended) ---
"""Pipeline reference for scband-position-encoding1-d-24292335026267 (READ-ONLY COPY).

The authoritative reference and input builder live on the scoring server;
editing this copy changes nothing except your own understanding.
"""

import jax, jax.numpy as jnp
import numpy as np

NUM_POS = 8192
OUT_CHANNELS = 64
MAX_WAVE_LEN = 10000.0


def _build_sin_table():
    position = np.arange(0, NUM_POS, dtype=np.float32)[:, None]
    frequency = 1.0 / (MAX_WAVE_LEN ** (np.arange(0, OUT_CHANNELS, 2, dtype=np.float32) / OUT_CHANNELS))
    x = position * frequency
    pe = np.zeros((NUM_POS, OUT_CHANNELS), dtype=np.float32)
    pe[:, 0::2] = np.sin(x)
    pe[:, 1::2] = np.cos(x)
    return jnp.asarray(pe)


def setup_inputs(seed: int = 0) -> dict:
    key = jax.random.key(seed)
    k1, _ = jax.random.split(key)
    pos_ids = jax.random.randint(k1, (16384, 200), 0, NUM_POS, dtype=jnp.int64 if jax.config.read('jax_enable_x64') else jnp.int32)
    position_encoding = _build_sin_table()
    return {"pos_ids": pos_ids, "position_encoding": position_encoding}


def reference(pos_ids, position_encoding):
    # F.embedding(pos_ids, position_encoding) -> gather rows
    return jnp.take(position_encoding, pos_ids, axis=0)

if __name__ == "__main__":
    import jax
    _d = setup_inputs()
    print(jax.jit(kernel)(*tuple(_d.values())))

</pallas_src>

<mosaic_0001>
#map = affine_map<(d0, d1) -> (0, 0)>
#map1 = affine_map<(d0, d1) -> (0)>
#map2 = affine_map<(d0, d1) -> (0, 0, 0)>
module attributes {stable_mosaic.version = 14 : i64} {
  func.func @lookup(%arg0: i32, %arg1: i32, %arg2: memref<8192x64xf32, #tpu.memory_space<hbm>>, %arg3: memref<3276800xi32, #tpu.memory_space<hbm>>, %arg4: memref<16384x200x64xf32, #tpu.memory_space<hbm>>, %arg5: memref<4x400xi32, #tpu.memory_space<vmem>>, %arg6: memref<4x400x64xf32, #tpu.memory_space<vmem>>, %arg7: memref<4x!tpu.dma_semaphore, #tpu.memory_space<semaphore_mem>>, %arg8: memref<4x!tpu.dma_semaphore, #tpu.memory_space<semaphore_mem>>, %arg9: memref<4x!tpu.dma_semaphore, #tpu.memory_space<semaphore_mem>>) attributes {dimension_semantics = [#tpu.dimension_semantics<core_parallel>, #tpu.dimension_semantics<subcore_parallel>], iteration_bounds = array<i64: 2, 16>, scalar_prefetch = 0 : i64, scratch_operands = 5 : i64, tpu.core_type = #tpu.core_type<sc_vector_subcore>, window_params = [{transform_indices = #map}, {transform_indices = #map1}, {transform_indices = #map2}]} {
    %mul3A = arith.constant 2 : i32
    %mul3A_0 = arith.muli %arg1, %mul3A : i32
    %add3A = arith.addi %mul3A_0, %arg0 : i32
    %mul3A_1 = arith.constant 102400 : i32
    %mul3A_2 = arith.muli %add3A, %mul3A_1 : i32
    %mul3A_3 = arith.constant 512 : i32
    %mul3A_4 = arith.muli %add3A, %mul3A_3 : i32
    %add3A_5 = arith.constant 0 : i32
    %add3A_6 = arith.addi %mul3A_2, %add3A_5 : i32
    %dma_start3A = arith.constant 0 : i32
    %dma_start3A_7 = arith.constant 0 : i32
    %dma_start3A_8 = arith.constant 0 : i32
    %dma_start3A_9 = tpu.memref_slice %arg5[%dma_start3A, %dma_start3A_8] : memref<4x400xi32, #tpu.memory_space<vmem>> -> memref<1x400xi32, #tpu.memory_space<vmem>>
    %dma_start3A_10 = tpu.memref_squeeze %dma_start3A_9 : memref<1x400xi32, #tpu.memory_space<vmem>> -> memref<400xi32, #tpu.memory_space<vmem>>
    %dma_start3A_11 = tpu.memref_slice %arg3[%add3A_6] : memref<3276800xi32, #tpu.memory_space<hbm>> -> memref<400xi32, #tpu.memory_space<hbm>>
    %dma_start3A_12 = tpu.memref_slice %arg7[%dma_start3A_7] : memref<4x!tpu.dma_semaphore, #tpu.memory_space<semaphore_mem>> -> memref<1x!tpu.dma_semaphore, #tpu.memory_space<semaphore_mem>>
    %dma_start3A_13 = tpu.memref_squeeze %dma_start3A_12 : memref<1x!tpu.dma_semaphore, #tpu.memory_space<semaphore_mem>> -> memref<!tpu.dma_semaphore, #tpu.memory_space<semaphore_mem>>
    %dma_start3A_14 = arith.constant 0 : i32
    %dma_start3A_15 = tpu.memref_slice %arg5[%dma_start3A, %dma_start3A_14] : memref<4x400xi32, #tpu.memory_space<vmem>> -> memref<1x400xi32, #tpu.memory_space<vmem>>
    %dma_start3A_16 = tpu.memref_squeeze %dma_start3A_15 : memref<1x400xi32, #tpu.memory_space<vmem>> -> memref<400xi32, #tpu.memory_space<vmem>>
    %dma_start3A_17 = tpu.memref_slice %arg3[%add3A_6] : memref<3276800xi32, #tpu.memory_space<hbm>> -> memref<400xi32, #tpu.memory_space<hbm>>
    tpu.enqueue_dma source(%dma_start3A_17 : memref<400xi32, #tpu.memory_space<hbm>>) target(%dma_start3A_16 : memref<400xi32, #tpu.memory_space<vmem>>) target_semaphore(%dma_start3A_13 : memref<!tpu.dma_semaphore, #tpu.memory_space<semaphore_mem>>)
    %add3A_18 = arith.constant 400 : i32
    %add3A_19 = arith.addi %mul3A_2, %add3A_18 : i32
    %dma_start3A_20 = arith.constant 1 : i32
    %dma_start3A_21 = arith.constant 1 : i32
    %dma_start3A_22 = arith.constant 0 : i32
    %dma_start3A_23 = tpu.memref_slice %arg5[%dma_start3A_20, %dma_start3A_22] : memref<4x400xi32, #tpu.memory_space<vmem>> -> memref<1x400xi32, #tpu.memory_space<vmem>>
    %dma_start3A_24 = tpu.memref_squeeze %dma_start3A_23 : memref<1x400xi32, #tpu.memory_space<vmem>> -> memref<400xi32, #tpu.memory_space<vmem>>
    %dma_start3A_25 = tpu.memref_slice %arg3[%add3A_19] : memref<3276800xi32, #tpu.memory_space<hbm>> -> memref<400xi32, #tpu.memory_space<hbm>>
    %dma_start3A_26 = tpu.memref_slice %arg7[%dma_start3A_21] : memref<4x!tpu.dma_semaphore, #tpu.memory_space<semaphore_mem>> -> memref<1x!tpu.dma_semaphore, #tpu.memory_space<semaphore_mem>>
    %dma_start3A_27 = tpu.memref_squeeze %dma_start3A_26 : memref<1x!tpu.dma_semaphore, #tpu.memory_space<semaphore_mem>> -> memref<!tpu.dma_semaphore, #tpu.memory_space<semaphore_mem>>
    %dma_start3A_28 = arith.constant 0 : i32
    %dma_start3A_29 = tpu.memref_slice %arg5[%dma_start3A_20, %dma_start3A_28] : memref<4x400xi32, #tpu.memory_space<vmem>> -> memref<1x400xi32, #tpu.memory_space<vmem>>
    %dma_start3A_30 = tpu.memref_squeeze %dma_start3A_29 : memref<1x400xi32, #tpu.memory_space<vmem>> -> memref<400xi32, #tpu.memory_space<vmem>>
    %dma_start3A_31 = tpu.memref_slice %arg3[%add3A_19] : memref<3276800xi32, #tpu.memory_space<hbm>> -> memref<400xi32, #tpu.memory_space<hbm>>
    tpu.enqueue_dma source(%dma_start3A_31 : memref<400xi32, #tpu.memory_space<hbm>>) target(%dma_start3A_30 : memref<400xi32, #tpu.memory_space<vmem>>) target_semaphore(%dma_start3A_27 : memref<!tpu.dma_semaphore, #tpu.memory_space<semaphore_mem>>)
    %add3A_32 = arith.constant 800 : i32
    %add3A_33 = arith.addi %mul3A_2, %add3A_32 : i32
    %dma_start3A_34 = arith.constant 2 : i32
    %dma_start3A_35 = arith.constant 2 : i32
    %dma_start3A_36 = arith.constant 0 : i32
    %dma_start3A_37 = tpu.memref_slice %arg5[%dma_start3A_34, %dma_start3A_36] : memref<4x400xi32, #tpu.memory_space<vmem>> -> memref<1x400xi32, #tpu.memory_space<vmem>>
    %dma_start3A_38 = tpu.memref_squeeze %dma_start3A_37 : memref<1x400xi32, #tpu.memory_space<vmem>> -> memref<400xi32, #tpu.memory_space<vmem>>
    %dma_start3A_39 = tpu.memref_slice %arg3[%add3A_33] : memref<3276800xi32, #tpu.memory_space<hbm>> -> memref<400xi32, #tpu.memory_space<hbm>>
    %dma_start3A_40 = tpu.memref_slice %arg7[%dma_start3A_35] : memref<4x!tpu.dma_semaphore, #tpu.memory_space<semaphore_mem>> -> memref<1x!tpu.dma_semaphore, #tpu.memory_space<semaphore_mem>>
    %dma_start3A_41 = tpu.memref_squeeze %dma_start3A_40 : memref<1x!tpu.dma_semaphore, #tpu.memory_space<semaphore_mem>> -> memref<!tpu.dma_semaphore, #tpu.memory_space<semaphore_mem>>
    %dma_start3A_42 = arith.constant 0 : i32
    %dma_start3A_43 = tpu.memref_slice %arg5[%dma_start3A_34, %dma_start3A_42] : memref<4x400xi32, #tpu.memory_space<vmem>> -> memref<1x400xi32, #tpu.memory_space<vmem>>
    %dma_start3A_44 = tpu.memref_squeeze %dma_start3A_43 : memref<1x400xi32, #tpu.memory_space<vmem>> -> memref<400xi32, #tpu.memory_space<vmem>>
    %dma_start3A_45 = tpu.memref_slice %arg3[%add3A_33] : memref<3276800xi32, #tpu.memory_space<hbm>> -> memref<400xi32, #tpu.memory_space<hbm>>
    tpu.enqueue_dma source(%dma_start3A_45 : memref<400xi32, #tpu.memory_space<hbm>>) target(%dma_start3A_44 : memref<400xi32, #tpu.memory_space<vmem>>) target_semaphore(%dma_start3A_41 : memref<!tpu.dma_semaphore, #tpu.memory_space<semaphore_mem>>)
    %dma_wait3A = arith.constant 0 : i32
    %dma_wait3A_46 = arith.constant 0 : i32
    %dma_wait3A_47 = arith.constant 0 : i32
    %dma_wait3A_48 = tpu.memref_slice %arg5[%dma_wait3A, %dma_wait3A_47] : memref<4x400xi32, #tpu.memory_space<vmem>> -> memref<1x400xi32, #tpu.memory_space<vmem>>
    %dma_wait3A_49 = tpu.memref_squeeze %dma_wait3A_48 : memref<1x400xi32, #tpu.memory_space<vmem>> -> memref<400xi32, #tpu.memory_space<vmem>>
    %dma_wait3A_50 = arith.constant 0 : i32
    %dma_wait3A_51 = tpu.memref_slice %arg3[%dma_wait3A_50] : memref<3276800xi32, #tpu.memory_space<hbm>> -> memref<400xi32, #tpu.memory_space<hbm>>
    %dma_wait3A_52 = tpu.memref_slice %arg7[%dma_wait3A_46] : memref<4x!tpu.dma_semaphore, #tpu.memory_space<semaphore_mem>> -> memref<1x!tpu.dma_semaphore, #tpu.memory_space<semaphore_mem>>
    %dma_wait3A_53 = tpu.memref_squeeze %dma_wait3A_52 : memref<1x!tpu.dma_semaphore, #tpu.memory_space<semaphore_mem>> -> memref<!tpu.dma_semaphore, #tpu.memory_space<semaphore_mem>>
    %dma_wait3A_54 = arith.constant 0 : i32
    %dma_wait3A_55 = tpu.memref_slice %arg5[%dma_wait3A, %dma_wait3A_54] : memref<4x400xi32, #tpu.memory_space<vmem>> -> memref<1x400xi32, #tpu.memory_space<vmem>>
    %dma_wait3A_56 = tpu.memref_squeeze %dma_wait3A_55 : memref<1x400xi32, #tpu.memory_space<vmem>> -> memref<400xi32, #tpu.memory_space<vmem>>
    %dma_wait3A_57 = arith.constant 0 : i32
    %dma_wait3A_58 = tpu.memref_slice %arg3[%dma_wait3A_57] : memref<3276800xi32, #tpu.memory_space<hbm>> -> memref<400xi32, #tpu.memory_space<hbm>>
    tpu.wait_dma2 semaphore(%dma_wait3A_53 : memref<!tpu.dma_semaphore, #tpu.memory_space<semaphore_mem>>) src(%dma_wait3A_58 : memref<400xi32, #tpu.memory_space<hbm>>) dst(%dma_wait3A_56 : memref<400xi32, #tpu.memory_space<vmem>>)
    %dma_start3A_59 = arith.constant 0 : i32
    %dma_start3A_60 = arith.constant 0 : i32
    %dma_start3A_61 = arith.constant 0 : i32
    %dma_start3A_62 = arith.constant 0 : i32
    %dma_start3A_63 = arith.constant 0 : i32
    %dma_start3A_64 = tpu.memref_slice %arg6[%dma_start3A_60, %dma_start3A_62, %dma_start3A_63] : memref<4x400x64xf32, #tpu.memory_space<vmem>> -> memref<1x400x64xf32, #tpu.memory_space<vmem>>
    %dma_start3A_65 = tpu.memref_squeeze %dma_start3A_64 : memref<1x400x64xf32, #tpu.memory_space<vmem>> -> memref<400x64xf32, #tpu.memory_space<vmem>>
    %dma_start3A_66 = arith.constant 0 : i32
    %dma_start3A_67 = tpu.memref_slice %arg5[%dma_start3A_59, %dma_start3A_66] : memref<4x400xi32, #tpu.memory_space<vmem>> -> memref<1x400xi32, #tpu.memory_space<vmem>>
    %dma_start3A_68 = tpu.memref_squeeze %dma_start3A_67 : memref<1x400xi32, #tpu.memory_space<vmem>> -> memref<400xi32, #tpu.memory_space<vmem>>
    %dma_start3A_69 = arith.constant 0 : i32
    %dma_start3A_70 = arith.constant 0 : i32
    %dma_start3A_71 = tpu.memref_slice %arg2[%dma_start3A_69, %dma_start3A_70] : memref<8192x64xf32, #tpu.memory_space<hbm>> -> memref<8192x64xf32, #tpu.memory_space<hbm>>
    %dma_start3A_72 = tpu.memref_slice %arg8[%dma_start3A_61] : memref<4x!tpu.dma_semaphore, #tpu.memory_space<semaphore_mem>> -> memref<1x!tpu.dma_semaphore, #tpu.memory_space<semaphore_mem>>
    %dma_start3A_73 = tpu.memref_squeeze %dma_start3A_72 : memref<1x!tpu.dma_semaphore, #tpu.memory_space<semaphore_mem>> -> memref<!tpu.dma_semaphore, #tpu.memory_space<semaphore_mem>>
    tpu.enqueue_indirect_dma source(%dma_start3A_71 : memref<8192x64xf32, #tpu.memory_space<hbm>>) target(%dma_start3A_65 : memref<400x64xf32, #tpu.memory_space<vmem>>) offsets(%dma_start3A_68 : memref<400xi32, #tpu.memory_space<vmem>>) semaphore(%dma_start3A_73 : memref<!tpu.dma_semaphore, #tpu.memory_space<semaphore_mem>>)
    %add3A_74 = arith.constant 1200 : i32
    %add3A_75 = arith.addi %mul3A_2, %add3A_74 : i32
    %dma_start3A_76 = arith.constant 3 : i32
    %dma_start3A_77 = arith.constant 3 : i32
    %dma_start3A_78 = arith.constant 0 : i32
    %dma_start3A_79 = tpu.memref_slice %arg5[%dma_start3A_76, %dma_start3A_78] : memref<4x400xi32, #tpu.memory_space<vmem>> -> memref<1x400xi32, #tpu.memory_space<vmem>>
    %dma_start3A_80 = tpu.memref_squeeze %dma_start3A_79 : memref<1x400xi32, #tpu.memory_space<vmem>> -> memref<400xi32, #tpu.memory_space<vmem>>
    %dma_start3A_81 = tpu.memref_slice %arg3[%add3A_75] : memref<3276800xi32, #tpu.memory_space<hbm>> -> memref<400xi32, #tpu.memory_space<hbm>>
    %dma_start3A_82 = tpu.memref_slice %arg7[%dma_start3A_77] : memref<4x!tpu.dma_semaphore, #tpu.memory_space<semaphore_mem>> -> memref<1x!tpu.dma_semaphore, #tpu.memory_space<semaphore_mem>>
    %dma_start3A_83 = tpu.memref_squeeze %dma_start3A_82 : memref<1x!tpu.dma_semaphore, #tpu.memory_space<semaphore_mem>> -> memref<!tpu.dma_semaphore, #tpu.memory_space<semaphore_mem>>
    %dma_start3A_84 = arith.constant 0 : i32
    %dma_start3A_85 = tpu.memref_slice %arg5[%dma_start3A_76, %dma_start3A_84] : memref<4x400xi32, #tpu.memory_space<vmem>> -> memref<1x400xi32, #tpu.memory_space<vmem>>
    %dma_start3A_86 = tpu.memref_squeeze %dma_start3A_85 : memref<1x400xi32, #tpu.memory_space<vmem>> -> memref<400xi32, #tpu.memory_space<vmem>>
    %dma_start3A_87 = tpu.memref_slice %arg3[%add3A_75] : memref<3276800xi32, #tpu.memory_space<hbm>> -> memref<400xi32, #tpu.memory_space<hbm>>
    tpu.enqueue_dma source(%dma_start3A_87 : memref<400xi32, #tpu.memory_space<hbm>>) target(%dma_start3A_86 : memref<400xi32, #tpu.memory_space<vmem>>) target_semaphore(%dma_start3A_83 : memref<!tpu.dma_semaphore, #tpu.memory_space<semaphore_mem>>)
    %dma_wait3A_88 = arith.constant 1 : i32
    %dma_wait3A_89 = arith.constant 1 : i32
    %dma_wait3A_90 = arith.constant 0 : i32
    %dma_wait3A_91 = tpu.memref_slice %arg5[%dma_wait3A_88, %dma_wait3A_90] : memref<4x400xi32, #tpu.memory_space<vmem>> -> memref<1x400xi32, #tpu.memory_space<vmem>>
    %dma_wait3A_92 = tpu.memref_squeeze %dma_wait3A_91 : memref<1x400xi32, #tpu.memory_space<vmem>> -> memref<400xi32, #tpu.memory_space<vmem>>
    %dma_wait3A_93 = arith.constant 0 : i32
    %dma_wait3A_94 = tpu.memref_slice %arg3[%dma_wait3A_93] : memref<3276800xi32, #tpu.memory_space<hbm>> -> memref<400xi32, #tpu.memory_space<hbm>>
    %dma_wait3A_95 = tpu.memref_slice %arg7[%dma_wait3A_89] : memref<4x!tpu.dma_semaphore, #tpu.memory_space<semaphore_mem>> -> memref<1x!tpu.dma_semaphore, #tpu.memory_space<semaphore_mem>>
    %dma_wait3A_96 = tpu.memref_squeeze %dma_wait3A_95 : memref<1x!tpu.dma_semaphore, #tpu.memory_space<semaphore_mem>> -> memref<!tpu.dma_semaphore, #tpu.memory_space<semaphore_mem>>
    %dma_wait3A_97 = arith.constant 0 : i32
    %dma_wait3A_98 = tpu.memref_slice %arg5[%dma_wait3A_88, %dma_wait3A_97] : memref<4x400xi32, #tpu.memory_space<vmem>> -> memref<1x400xi32, #tpu.memory_space<vmem>>
    %dma_wait3A_99 = tpu.memref_squeeze %dma_wait3A_98 : memref<1x400xi32, #tpu.memory_space<vmem>> -> memref<400xi32, #tpu.memory_space<vmem>>
    %dma_wait3A_100 = arith.constant 0 : i32
    %dma_wait3A_101 = tpu.memref_slice %arg3[%dma_wait3A_100] : memref<3276800xi32, #tpu.memory_space<hbm>> -> memref<400xi32, #tpu.memory_space<hbm>>
    tpu.wait_dma2 semaphore(%dma_wait3A_96 : memref<!tpu.dma_semaphore, #tpu.memory_space<semaphore_mem>>) src(%dma_wait3A_101 : memref<400xi32, #tpu.memory_space<hbm>>) dst(%dma_wait3A_99 : memref<400xi32, #tpu.memory_space<vmem>>)
    %dma_start3A_102 = arith.constant 1 : i32
    %dma_start3A_103 = arith.constant 1 : i32
    %dma_start3A_104 = arith.constant 1 : i32
    %dma_start3A_105 = arith.constant 0 : i32
    %dma_start3A_106 = arith.constant 0 : i32
    %dma_start3A_107 = tpu.memref_slice %arg6[%dma_start3A_103, %dma_start3A_105, %dma_start3A_106] : memref<4x400x64xf32, #tpu.memory_space<vmem>> -> memref<1x400x64xf32, #tpu.memory_space<vmem>>
    %dma_start3A_108 = tpu.memref_squeeze %dma_start3A_107 : memref<1x400x64xf32, #tpu.memory_space<vmem>> -> memref<400x64xf32, #tpu.memory_space<vmem>>
    %dma_start3A_109 = arith.constant 0 : i32
    %dma_start3A_110 = tpu.memref_slice %arg5[%dma_start3A_102, %dma_start3A_109] : memref<4x400xi32, #tpu.memory_space<vmem>> -> memref<1x400xi32, #tpu.memory_space<vmem>>
    %dma_start3A_111 = tpu.memref_squeeze %dma_start3A_110 : memref<1x400xi32, #tpu.memory_space<vmem>> -> memref<400xi32, #tpu.memory_space<vmem>>
    %dma_start3A_112 = arith.constant 0 : i32
    %dma_start3A_113 = arith.constant 0 : i32
    %dma_start3A_114 = tpu.memref_slice %arg2[%dma_start3A_112, %dma_start3A_113] : memref<8192x64xf32, #tpu.memory_space<hbm>> -> memref<8192x64xf32, #tpu.memory_space<hbm>>
    %dma_start3A_115 = tpu.memref_slice %arg8[%dma_start3A_104] : memref<4x!tpu.dma_semaphore, #tpu.memory_space<semaphore_mem>> -> memref<1x!tpu.dma_semaphore, #tpu.memory_space<semaphore_mem>>
    %dma_start3A_116 = tpu.memref_squeeze %dma_start3A_115 : memref<1x!tpu.dma_semaphore, #tpu.memory_space<semaphore_mem>> -> memref<!tpu.dma_semaphore, #tpu.memory_space<semaphore_mem>>
    tpu.enqueue_indirect_dma source(%dma_start3A_114 : memref<8192x64xf32, #tpu.memory_space<hbm>>) target(%dma_start3A_108 : memref<400x64xf32, #tpu.memory_space<vmem>>) offsets(%dma_start3A_111 : memref<400xi32, #tpu.memory_space<vmem>>) semaphore(%dma_start3A_116 : memref<!tpu.dma_semaphore, #tpu.memory_space<semaphore_mem>>)
    %dma_wait3A_117 = arith.constant 0 : i32
    %dma_wait3A_118 = arith.constant 0 : i32
    %dma_wait3A_119 = arith.constant 0 : i32
    %dma_wait3A_120 = arith.constant 0 : i32
    %dma_wait3A_121 = tpu.memref_slice %arg6[%dma_wait3A_117, %dma_wait3A_119, %dma_wait3A_120] : memref<4x400x64xf32, #tpu.memory_space<vmem>> -> memref<1x400x64xf32, #tpu.memory_space<vmem>>
    %dma_wait3A_122 = tpu.memref_squeeze %dma_wait3A_121 : memref<1x400x64xf32, #tpu.memory_space<vmem>> -> memref<400x64xf32, #tpu.memory_space<vmem>>
    %dma_wait3A_123 = arith.constant 0 : i32
    %dma_wait3A_124 = arith.constant 0 : i32
    %dma_wait3A_125 = tpu.memref_slice %arg2[%dma_wait3A_123, %dma_wait3A_124] : memref<8192x64xf32, #tpu.memory_space<hbm>> -> memref<400x64xf32, #tpu.memory_space<hbm>>
    %dma_wait3A_126 = tpu.memref_slice %arg8[%dma_wait3A_118] : memref<4x!tpu.dma_semaphore, #tpu.memory_space<semaphore_mem>> -> memref<1x!tpu.dma_semaphore, #tpu.memory_space<semaphore_mem>>
    %dma_wait3A_127 = tpu.memref_squeeze %dma_wait3A_126 : memref<1x!tpu.dma_semaphore, #tpu.memory_space<semaphore_mem>> -> memref<!tpu.dma_semaphore, #tpu.memory_space<semaphore_mem>>
    %dma_wait3A_128 = arith.constant 0 : i32
    %dma_wait3A_129 = arith.constant 0 : i32
    %dma_wait3A_130 = tpu.memref_slice %arg6[%dma_wait3A_117, %dma_wait3A_128, %dma_wait3A_129] : memref<4x400x64xf32, #tpu.memory_space<vmem>> -> memref<1x400x64xf32, #tpu.memory_space<vmem>>
    %dma_wait3A_131 = tpu.memref_squeeze %dma_wait3A_130 : memref<1x400x64xf32, #tpu.memory_space<vmem>> -> memref<400x64xf32, #tpu.memory_space<vmem>>
    %dma_wait3A_132 = arith.constant 0 : i32
    %dma_wait3A_133 = arith.constant 0 : i32
    %dma_wait3A_134 = tpu.memref_slice %arg2[%dma_wait3A_132, %dma_wait3A_133] : memref<8192x64xf32, #tpu.memory_space<hbm>> -> memref<400x64xf32, #tpu.memory_space<hbm>>
    tpu.wait_dma2 semaphore(%dma_wait3A_127 : memref<!tpu.dma_semaphore, #tpu.memory_space<semaphore_mem>>) src(%dma_wait3A_134 : memref<400x64xf32, #tpu.memory_space<hbm>>) dst(%dma_wait3A_131 : memref<400x64xf32, #tpu.memory_space<vmem>>)
    %add3A_135 = arith.constant 0 : i32
    %add3A_136 = arith.addi %mul3A_4, %add3A_135 : i32
    %add3A_137 = arith.constant 0 : i32
    %add3A_138 = arith.addi %add3A_136, %add3A_137 : i32
    %dma_start3A_139 = arith.constant 0 : i32
    %dma_start3A_140 = arith.constant 0 : i32
    %dma_start3A_141 = arith.constant 0 : i32
    %dma_start3A_142 = arith.constant 0 : i32
    %dma_start3A_143 = tpu.memref_slice %arg6[%dma_start3A_139, %dma_start3A_141, %dma_start3A_142] : memref<4x400x64xf32, #tpu.memory_space<vmem>> -> memref<1x200x64xf32, #tpu.memory_space<vmem>>
    %dma_start3A_144 = tpu.memref_squeeze %dma_start3A_143 : memref<1x200x64xf32, #tpu.memory_space<vmem>> -> memref<200x64xf32, #tpu.memory_space<vmem>>
    %dma_start3A_145 = arith.constant 0 : i32
    %dma_start3A_146 = arith.constant 0 : i32
    %dma_start3A_147 = tpu.memref_slice %arg4[%add3A_138, %dma_start3A_145, %dma_start3A_146] : memref<16384x200x64xf32, #tpu.memory_space<hbm>> -> memref<1x200x64xf32, #tpu.memory_space<hbm>>
    %dma_start3A_148 = tpu.memref_squeeze %dma_start3A_147 : memref<1x200x64xf32, #tpu.memory_space<hbm>> -> memref<200x64xf32, #tpu.memory_space<hbm>>
    %dma_start3A_149 = tpu.memref_slice %arg9[%dma_start3A_140] : memref<4x!tpu.dma_semaphore, #tpu.memory_space<semaphore_mem>> -> memref<1x!tpu.dma_semaphore, #tpu.memory_space<semaphore_mem>>
    %dma_start3A_150 = tpu.memref_squeeze %dma_start3A_149 : memref<1x!tpu.dma_semaphore, #tpu.memory_space<semaphore_mem>> -> memref<!tpu.dma_semaphore, #tpu.memory_space<semaphore_mem>>
    %dma_start3A_151 = arith.constant 0 : i32
    %dma_start3A_152 = arith.constant 0 : i32
    %dma_start3A_153 = tpu.memref_slice %arg4[%add3A_138, %dma_start3A_151, %dma_start3A_152] : memref<16384x200x64xf32, #tpu.memory_space<hbm>> -> memref<1x200x64xf32, #tpu.memory_space<hbm>>
    %dma_start3A_154 = tpu.memref_squeeze %dma_start3A_153 : memref<1x200x64xf32, #tpu.memory_space<hbm>> -> memref<200x64xf32, #tpu.memory_space<hbm>>
    %dma_start3A_155 = arith.constant 0 : i32
    %dma_start3A_156 = arith.constant 0 : i32
    %dma_start3A_157 = tpu.memref_slice %arg6[%dma_start3A_139, %dma_start3A_155, %dma_start3A_156] : memref<4x400x64xf32, #tpu.memory_space<vmem>> -> memref<1x200x64xf32, #tpu.memory_space<vmem>>
    %dma_start3A_158 = tpu.memref_squeeze %dma_start3A_157 : memref<1x200x64xf32, #tpu.memory_space<vmem>> -> memref<200x64xf32, #tpu.memory_space<vmem>>
    tpu.enqueue_dma source(%dma_start3A_158 : memref<200x64xf32, #tpu.memory_space<vmem>>) target(%dma_start3A_154 : memref<200x64xf32, #tpu.memory_space<hbm>>) target_semaphore(%dma_start3A_150 : memref<!tpu.dma_semaphore, #tpu.memory_space<semaphore_mem>>)
    %add3A_159 = arith.constant 1 : i32
    %add3A_160 = arith.addi %add3A_136, %add3A_159 : i32
    %dma_start3A_161 = arith.constant 0 : i32
    %dma_start3A_162 = arith.constant 0 : i32
    %dma_start3A_163 = arith.constant 200 : i32
    %dma_start3A_164 = arith.constant 0 : i32
    %dma_start3A_165 = tpu.memref_slice %arg6[%dma_start3A_161, %dma_start3A_163, %dma_start3A_164] : memref<4x400x64xf32, #tpu.memory_space<vmem>> -> memref<1x200x64xf32, #tpu.memory_space<vmem>>
    %dma_start3A_166 = tpu.memref_squeeze %dma_start3A_165 : memref<1x200x64xf32, #tpu.memory_space<vmem>> -> memref<200x64xf32, #tpu.memory_space<vmem>>
    %dma_start3A_167 = arith.constant 0 : i32
    %dma_start3A_168 = arith.constant 0 : i32
    %dma_start3A_169 = tpu.memref_slice %arg4[%add3A_160, %dma_start3A_167, %dma_start3A_168] : memref<16384x200x64xf32, #tpu.memory_space<hbm>> -> memref<1x200x64xf32, #tpu.memory_space<hbm>>
    %dma_start3A_170 = tpu.memref_squeeze %dma_start3A_169 : memref<1x200x64xf32, #tpu.memory_space<hbm>> -> memref<200x64xf32, #tpu.memory_space<hbm>>
    %dma_start3A_171 = tpu.memref_slice %arg9[%dma_start3A_162] : memref<4x!tpu.dma_semaphore, #tpu.memory_space<semaphore_mem>> -> memref<1x!tpu.dma_semaphore, #tpu.memory_space<semaphore_mem>>
    %dma_start3A_172 = tpu.memref_squeeze %dma_start3A_171 : memref<1x!tpu.dma_semaphore, #tpu.memory_space<semaphore_mem>> -> memref<!tpu.dma_semaphore, #tpu.memory_space<semaphore_mem>>
    %dma_start3A_173 = arith.constant 0 : i32
    %dma_start3A_174 = arith.constant 0 : i32
    %dma_start3A_175 = tpu.memref_slice %arg4[%add3A_160, %dma_start3A_173, %dma_start3A_174] : memref<16384x200x64xf32, #tpu.memory_space<hbm>> -> memref<1x200x64xf32, #tpu.memory_space<hbm>>
    %dma_start3A_176 = tpu.memref_squeeze %dma_start3A_175 : memref<1x200x64xf32, #tpu.memory_space<hbm>> -> memref<200x64xf32, #tpu.memory_space<hbm>>
    %dma_start3A_177 = arith.constant 200 : i32
    %dma_start3A_178 = arith.constant 0 : i32
    %dma_start3A_179 = tpu.memref_slice %arg6[%dma_start3A_161, %dma_start3A_177, %dma_start3A_178] : memref<4x400x64xf32, #tpu.memory_space<vmem>> -> memref<1x200x64xf32, #tpu.memory_space<vmem>>
    %dma_start3A_180 = tpu.memref_squeeze %dma_start3A_179 : memref<1x200x64xf32, #tpu.memory_space<vmem>> -> memref<200x64xf32, #tpu.memory_space<vmem>>
    tpu.enqueue_dma source(%dma_start3A_180 : memref<200x64xf32, #tpu.memory_space<vmem>>) target(%dma_start3A_176 : memref<200x64xf32, #tpu.memory_space<hbm>>) target_semaphore(%dma_start3A_172 : memref<!tpu.dma_semaphore, #tpu.memory_space<semaphore_mem>>)
    %add3A_181 = arith.constant 1600 : i32
    %add3A_182 = arith.addi %mul3A_2, %add3A_181 : i32
    %dma_start3A_183 = arith.constant 0 : i32
    %dma_start3A_184 = arith.constant 0 : i32
    %dma_start3A_185 = arith.constant 0 : i32
    %dma_start3A_186 = tpu.memref_slice %arg5[%dma_start3A_183, %dma_start3A_185] : memref<4x400xi32, #tpu.memory_space<vmem>> -> memref<1x400xi32, #tpu.memory_space<vmem>>
    %dma_start3A_187 = tpu.memref_squeeze %dma_start3A_186 : memref<1x400xi32, #tpu.memory_space<vmem>> -> memref<400xi32, #tpu.memory_space<vmem>>
    %dma_start3A_188 = tpu.memref_slice %arg3[%add3A_182] : memref<3276800xi32, #tpu.memory_space<hbm>> -> memref<400xi32, #tpu.memory_space<hbm>>
    %dma_start3A_189 = tpu.memref_slice %arg7[%dma_start3A_184] : memref<4x!tpu.dma_semaphore, #tpu.memory_space<semaphore_mem>> -> memref<1x!tpu.dma_semaphore, #tpu.memory_space<semaphore_mem>>
    %dma_start3A_190 = tpu.memref_squeeze %dma_start3A_189 : memref<1x!tpu.dma_semaphore, #tpu.memory_space<semaphore_mem>> -> memref<!tpu.dma_semaphore, #tpu.memory_space<semaphore_mem>>
    %dma_start3A_191 = arith.constant 0 : i32
    %dma_start3A_192 = tpu.memref_slice %arg5[%dma_start3A_183, %dma_start3A_191] : memref<4x400xi32, #tpu.memory_space<vmem>> -> memref<1x400xi32, #tpu.memory_space<vmem>>
    %dma_start3A_193 = tpu.memref_squeeze %dma_start3A_192 : memref<1x400xi32, #tpu.memory_space<vmem>> -> memref<400xi32, #tpu.memory_space<vmem>>
    %dma_start3A_194 = tpu.memref_slice %arg3[%add3A_182] : memref<3276800xi32, #tpu.memory_space<hbm>> -> memref<400xi32, #tpu.memory_space<hbm>>
    tpu.enqueue_dma source(%dma_start3A_194 : memref<400xi32, #tpu.memory_space<hbm>>) target(%dma_start3A_193 : memref<400xi32, #tpu.memory_space<vmem>>) target_semaphore(%dma_start3A_190 : memref<!tpu.dma_semaphore, #tpu.memory_space<semaphore_mem>>)
    %dma_wait3A_195 = arith.constant 2 : i32
    %dma_wait3A_196 = arith.constant 2 : i32
    %dma_wait3A_197 = arith.constant 0 : i32
    %dma_wait3A_198 = tpu.memref_slice %arg5[%dma_wait3A_195, %dma_wait3A_197] : memref<4x400xi32, #tpu.memory_space<vmem>> -> memref<1x400xi32, #tpu.memory_space<vmem>>
    %dma_wait3A_199 = tpu.memref_squeeze %dma_wait3A_198 : memref<1x400xi32, #tpu.memory_space<vmem>> -> memref<400xi32, #tpu.memory_space<vmem>>
    %dma_wait3A_200 = arith.constant 0 : i32
    %dma_wait3A_201 = tpu.memref_slice %arg3[%dma_wait3A_200] : memref<3276800xi32, #tpu.memory_space<hbm>> -> memref<400xi32, #tpu.memory_space<hbm>>
    %dma_wait3A_202 = tpu.memref_slice %arg7[%dma_wait3A_196] : memref<4x!tpu.dma_semaphore, #tpu.memory_space<semaphore_mem>> -> memref<1x!tpu.dma_semaphore, #tpu.memory_space<semaphore_mem>>
    %dma_wait3A_203 = tpu.memref_squeeze %dma_wait3A_202 : memref<1x!tpu.dma_semaphore, #tpu.memory_space<semaphore_mem>> -> memref<!tpu.dma_semaphore, #tpu.memory_space<semaphore_mem>>
    %dma_wait3A_204 = arith.constant 0 : i32
    %dma_wait3A_205 = tpu.memref_slice %arg5[%dma_wait3A_195, %dma_wait3A_204] : memref<4x400xi32, #tpu.memory_space<vmem>> -> memref<1x400xi32, #tpu.memory_space<vmem>>
    %dma_wait3A_206 = tpu.memref_squeeze %dma_wait3A_205 : memref<1x400xi32, #tpu.memory_space<vmem>> -> memref<400xi32, #tpu.memory_space<vmem>>
    %dma_wait3A_207 = arith.constant 0 : i32
    %dma_wait3A_208 = tpu.memref_slice %arg3[%dma_wait3A_207] : memref<3276800xi32, #tpu.memory_space<hbm>> -> memref<400xi32, #tpu.memory_space<hbm>>
    tpu.wait_dma2 semaphore(%dma_wait3A_203 : memref<!tpu.dma_semaphore, #tpu.memory_space<semaphore_mem>>) src(%dma_wait3A_208 : memref<400xi32, #tpu.memory_space<hbm>>) dst(%dma_wait3A_206 : memref<400xi32, #tpu.memory_space<vmem>>)
    %dma_start3A_209 = arith.constant 2 : i32
    %dma_start3A_210 = arith.constant 2 : i32
    %dma_start3A_211 = arith.constant 2 : i32
    %dma_start3A_212 = arith.constant 0 : i32
    %dma_start3A_213 = arith.constant 0 : i32
    %dma_start3A_214 = tpu.memref_slice %arg6[%dma_start3A_210, %dma_start3A_212, %dma_start3A_213] : memref<4x400x64xf32, #tpu.memory_space<vmem>> -> memref<1x400x64xf32, #tpu.memory_space<vmem>>
    %dma_start3A_215 = tpu.memref_squeeze %dma_start3A_214 : memref<1x400x64xf32, #tpu.memory_space<vmem>> -> memref<400x64xf32, #tpu.memory_space<vmem>>
    %dma_start3A_216 = arith.constant 0 : i32
    %dma_start3A_217 = tpu.memref_slice %arg5[%dma_start3A_209, %dma_start3A_216] : memref<4x400xi32, #tpu.memory_space<vmem>> -> memref<1x400xi32, #tpu.memory_space<vmem>>
    %dma_start3A_218 = tpu.memref_squeeze %dma_start3A_217 : memref<1x400xi32, #tpu.memory_space<vmem>> -> memref<400xi32, #tpu.memory_space<vmem>>
    %dma_start3A_219 = arith.constant 0 : i32
    %dma_start3A_220 = arith.constant 0 : i32
    %dma_start3A_221 = tpu.memref_slice %arg2[%dma_start3A_219, %dma_start3A_220] : memref<8192x64xf32, #tpu.memory_space<hbm>> -> memref<8192x64xf32, #tpu.memory_space<hbm>>
    %dma_start3A_222 = tpu.memref_slice %arg8[%dma_start3A_211] : memref<4x!tpu.dma_semaphore, #tpu.memory_space<semaphore_mem>> -> memref<1x!tpu.dma_semaphore, #tpu.memory_space<semaphore_mem>>
    %dma_start3A_223 = tpu.memref_squeeze %dma_start3A_222 : memref<1x!tpu.dma_semaphore, #tpu.memory_space<semaphore_mem>> -> memref<!tpu.dma_semaphore, #tpu.memory_space<semaphore_mem>>
    tpu.enqueue_indirect_dma source(%dma_start3A_221 : memref<8192x64xf32, #tpu.memory_space<hbm>>) target(%dma_start3A_215 : memref<400x64xf32, #tpu.memory_space<vmem>>) offsets(%dma_start3A_218 : memref<400xi32, #tpu.memory_space<vmem>>) semaphore(%dma_start3A_223 : memref<!tpu.dma_semaphore, #tpu.memory_space<semaphore_mem>>)
    %dma_wait3A_224 = arith.constant 1 : i32
    %dma_wait3A_225 = arith.constant 1 : i32
    %dma_wait3A_226 = arith.constant 0 : i32
    %dma_wait3A_227 = arith.constant 0 : i32
    %dma_wait3A_228 = tpu.memref_slice %arg6[%dma_wait3A_224, %dma_wait3A_226, %dma_wait3A_227] : memref<4x400x64xf32, #tpu.memory_space<vmem>> -> memref<1x400x64xf32, #tpu.memory_space<vmem>>
    %dma_wait3A_229 = tpu.memref_squeeze %dma_wait3A_228 : memref<1x400x64xf32, #tpu.memory_space<vmem>> -> memref<400x64xf32, #tpu.memory_space<vmem>>
    %dma_wait3A_230 = arith.constant 0 : i32
    %dma_wait3A_231 = arith.constant 0 : i32
    %dma_wait3A_232 = tpu.memref_slice %arg2[%dma_wait3A_230, %dma_wait3A_231] : memref<8192x64xf32, #tpu.memory_space<hbm>> -> memref<400x64xf32, #tpu.memory_space<hbm>>
    %dma_wait3A_233 = tpu.memref_slice %arg8[%dma_wait3A_225] : memref<4x!tpu.dma_semaphore, #tpu.memory_space<semaphore_mem>> -> memref<1x!tpu.dma_semaphore, #tpu.memory_space<semaphore_mem>>
    %dma_wait3A_234 = tpu.memref_squeeze %dma_wait3A_233 : memref<1x!tpu.dma_semaphore, #tpu.memory_space<semaphore_mem>> -> memref<!tpu.dma_semaphore, #tpu.memory_space<semaphore_mem>>
    %dma_wait3A_235 = arith.constant 0 : i32
    %dma_wait3A_236 = arith.constant 0 : i32
    %dma_wait3A_237 = tpu.memref_slice %arg6[%dma_wait3A_224, %dma_wait3A_235, %dma_wait3A_236] : memref<4x400x64xf32, #tpu.memory_space<vmem>> -> memref<1x400x64xf32, #tpu.memory_space<vmem>>
    %dma_wait3A_238 = tpu.memref_squeeze %dma_wait3A_237 : memref<1x400x64xf32, #tpu.memory_space<vmem>> -> memref<400x64xf32, #tpu.memory_space<vmem>>
    %dma_wait3A_239 = arith.constant 0 : i32
    %dma_wait3A_240 = arith.constant 0 : i32
    %dma_wait3A_241 = tpu.memref_slice %arg2[%dma_wait3A_239, %dma_wait3A_240] : memref<8192x64xf32, #tpu.memory_space<hbm>> -> memref<400x64xf32, #tpu.memory_space<hbm>>
    tpu.wait_dma2 semaphore(%dma_wait3A_234 : memref<!tpu.dma_semaphore, #tpu.memory_space<semaphore_mem>>) src(%dma_wait3A_241 : memref<400x64xf32, #tpu.memory_space<hbm>>) dst(%dma_wait3A_238 : memref<400x64xf32, #tpu.memory_space<vmem>>)
    %add3A_242 = arith.constant 2 : i32
    %add3A_243 = arith.addi %mul3A_4, %add3A_242 : i32
    %add3A_244 = arith.constant 0 : i32
    %add3A_245 = arith.addi %add3A_243, %add3A_244 : i32
    %dma_start3A_246 = arith.constant 1 : i32
    %dma_start3A_247 = arith.constant 1 : i32
    %dma_start3A_248 = arith.constant 0 : i32
    %dma_start3A_249 = arith.constant 0 : i32
    %dma_start3A_250 = tpu.memref_slice %arg6[%dma_start3A_246, %dma_start3A_248, %dma_start3A_249] : memref<4x400x64xf32, #tpu.memory_space<vmem>> -> memref<1x200x64xf32, #tpu.memory_space<vmem>>
    %dma_start3A_251 = tpu.memref_squeeze %dma_start3A_250 : memref<1x200x64xf32, #tpu.memory_space<vmem>> -> memref<200x64xf32, #tpu.memory_space<vmem>>
    %dma_start3A_252 = arith.constant 0 : i32
    %dma_start3A_253 = arith.constant 0 : i32
    %dma_start3A_254 = tpu.memref_slice %arg4[%add3A_245, %dma_start3A_252, %dma_start3A_253] : memref<16384x200x64xf32, #tpu.memory_space<hbm>> -> memref<1x200x64xf32, #tpu.memory_space<hbm>>
    %dma_start3A_255 = tpu.memref_squeeze %dma_start3A_254 : memref<1x200x64xf32, #tpu.memory_space<hbm>> -> memref<200x64xf32, #tpu.memory_space<hbm>>
    %dma_start3A_256 = tpu.memref_slice %arg9[%dma_start3A_247] : memref<4x!tpu.dma_semaphore, #tpu.memory_space<semaphore_mem>> -> memref<1x!tpu.dma_semaphore, #tpu.memory_space<semaphore_mem>>
    %dma_start3A_257 = tpu.memref_squeeze %dma_start3A_256 : memref<1x!tpu.dma_semaphore, #tpu.memory_space<semaphore_mem>> -> memref<!tpu.dma_semaphore, #tpu.memory_space<semaphore_mem>>
    %dma_start3A_258 = arith.constant 0 : i32
    %dma_start3A_259 = arith.constant 0 : i32
    %dma_start3A_260 = tpu.memref_slice %arg4[%add3A_245, %dma_start3A_258, %dma_start3A_259] : memref<16384x200x64xf32, #tpu.memory_space<hbm>> -> memref<1x200x64xf32, #tpu.memory_space<hbm>>
    %dma_start3A_261 = tpu.memref_squeeze %dma_start3A_260 : memref<1x200x64xf32, #tpu.memory_space<hbm>> -> memref<200x64xf32, #tpu.memory_space<hbm>>
    %dma_start3A_262 = arith.constant 0 : i32
    %dma_start3A_263 = arith.constant 0 : i32
    %dma_start3A_264 = tpu.memref_slice %arg6[%dma_start3A_246, %dma_start3A_262, %dma_start3A_263] : memref<4x400x64xf32, #tpu.memory_space<vmem>> -> memref<1x200x64xf32, #tpu.memory_space<vmem>>
    %dma_start3A_265 = tpu.memref_squeeze %dma_start3A_264 : memref<1x200x64xf32, #tpu.memory_space<vmem>> -> memref<200x64xf32, #tpu.memory_space<vmem>>
    tpu.enqueue_dma source(%dma_start3A_265 : memref<200x64xf32, #tpu.memory_space<vmem>>) target(%dma_start3A_261 : memref<200x64xf32, #tpu.memory_space<hbm>>) target_semaphore(%dma_start3A_257 : memref<!tpu.dma_semaphore, #tpu.memory_space<semaphore_mem>>)
    %add3A_266 = arith.constant 1 : i32
    %add3A_267 = arith.addi %add3A_243, %add3A_266 : i32
    %dma_start3A_268 = arith.constant 1 : i32
    %dma_start3A_269 = arith.constant 1 : i32
    %dma_start3A_270 = arith.constant 200 : i32
    %dma_start3A_271 = arith.constant 0 : i32
    %dma_start3A_272 = tpu.memref_slice %arg6[%dma_start3A_268, %dma_start3A_270, %dma_start3A_271] : memref<4x400x64xf32, #tpu.memory_space<vmem>> -> memref<1x200x64xf32, #tpu.memory_space<vmem>>
    %dma_start3A_273 = tpu.memref_squeeze %dma_start3A_272 : memref<1x200x64xf32, #tpu.memory_space<vmem>> -> memref<200x64xf32, #tpu.memory_space<vmem>>
    %dma_start3A_274 = arith.constant 0 : i32
    %dma_start3A_275 = arith.constant 0 : i32
    %dma_start3A_276 = tpu.memref_slice %arg4[%add3A_267, %dma_start3A_274, %dma_start3A_275] : memref<16384x200x64xf32, #tpu.memory_space<hbm>> -> memref<1x200x64xf32, #tpu.memory_space<hbm>>
    %dma_start3A_277 = tpu.memref_squeeze %dma_start3A_276 : memref<1x200x64xf32, #tpu.memory_space<hbm>> -> memref<200x64xf32, #tpu.memory_space<hbm>>
    %dma_start3A_278 = tpu.memref_slice %arg9[%dma_start3A_269] : memref<4x!tpu.dma_semaphore, #tpu.memory_space<semaphore_mem>> -> memref<1x!tpu.dma_semaphore, #tpu.memory_space<semaphore_mem>>
    %dma_start3A_279 = tpu.memref_squeeze %dma_start3A_278 : memref<1x!tpu.dma_semaphore, #tpu.memory_space<semaphore_mem>> -> memref<!tpu.dma_semaphore, #tpu.memory_space<semaphore_mem>>
    %dma_start3A_280 = arith.constant 0 : i32
    %dma_start3A_281 = arith.constant 0 : i32
    %dma_start3A_282 = tpu.memref_slice %arg4[%add3A_267, %dma_start3A_280, %dma_start3A_281] : memref<16384x200x64xf32, #tpu.memory_space<hbm>> -> memref<1x200x64xf32, #tpu.memory_space<hbm>>
    %dma_start3A_283 = tpu.memref_squeeze %dma_start3A_282 : memref<1x200x64xf32, #tpu.memory_space<hbm>> -> memref<200x64xf32, #tpu.memory_space<hbm>>
    %dma_start3A_284 = arith.constant 200 : i32
    %dma_start3A_285 = arith.constant 0 : i32
    %dma_start3A_286 = tpu.memref_slice %arg6[%dma_start3A_268, %dma_start3A_284, %dma_start3A_285] : memref<4x400x64xf32, #tpu.memory_space<vmem>> -> memref<1x200x64xf32, #tpu.memory_space<vmem>>
    %dma_start3A_287 = tpu.memref_squeeze %dma_start3A_286 : memref<1x200x64xf32, #tpu.memory_space<vmem>> -> memref<200x64xf32, #tpu.memory_space<vmem>>
    tpu.enqueue_dma source(%dma_start3A_287 : memref<200x64xf32, #tpu.memory_space<vmem>>) target(%dma_start3A_283 : memref<200x64xf32, #tpu.memory_space<hbm>>) target_semaphore(%dma_start3A_279 : memref<!tpu.dma_semaphore, #tpu.memory_space<semaphore_mem>>)
    %add3A_288 = arith.constant 2000 : i32
    %add3A_289 = arith.addi %mul3A_2, %add3A_288 : i32
    %dma_start3A_290 = arith.constant 1 : i32
    %dma_start3A_291 = arith.constant 1 : i32
    %dma_start3A_292 = arith.constant 0 : i32
    %dma_start3A_293 = tpu.memref_slice %arg5[%dma_start3A_290, %dma_start3A_292] : memref<4x400xi32, #tpu.memory_space<vmem>> -> memref<1x400xi32, #tpu.memory_space<vmem>>
    %dma_start3A_294 = tpu.memref_squeeze %dma_start3A_293 : memref<1x400xi32, #tpu.memory_space<vmem>> -> memref<400xi32, #tpu.memory_space<vmem>>
    %dma_start3A_295 = tpu.memref_slice %arg3[%add3A_289] : memref<3276800xi32, #tpu.memory_space<hbm>> -> memref<400xi32, #tpu.memory_space<hbm>>
    %dma_start3A_296 = tpu.memref_slice %arg7[%dma_start3A_291] : memref<4x!tpu.dma_semaphore, #tpu.memory_space<semaphore_mem>> -> memref<1x!tpu.dma_semaphore, #tpu.memory_space<semaphore_mem>>
    %dma_start3A_297 = tpu.memref_squeeze %dma_start3A_296 : memref<1x!tpu.dma_semaphore, #tpu.memory_space<semaphore_mem>> -> memref<!tpu.dma_semaphore, #tpu.memory_space<semaphore_mem>>
    %dma_start3A_298 = arith.constant 0 : i32
    %dma_start3A_299 = tpu.memref_slice %arg5[%dma_start3A_290, %dma_start3A_298] : memref<4x400xi32, #tpu.memory_space<vmem>> -> memref<1x400xi32, #tpu.memory_space<vmem>>
    %dma_start3A_300 = tpu.memref_squeeze %dma_start3A_299 : memref<1x400xi32, #tpu.memory_space<vmem>> -> memref<400xi32, #tpu.memory_space<vmem>>
    %dma_start3A_301 = tpu.memref_slice %arg3[%add3A_289] : memref<3276800xi32, #tpu.memory_space<hbm>> -> memref<400xi32, #tpu.memory_space<hbm>>
    tpu.enqueue_dma source(%dma_start3A_301 : memref<400xi32, #tpu.memory_space<hbm>>) target(%dma_start3A_300 : memref<400xi32, #tpu.memory_space<vmem>>) target_semaphore(%dma_start3A_297 : memref<!tpu.dma_semaphore, #tpu.memory_space<semaphore_mem>>)
    %dma_wait3A_302 = arith.constant 3 : i32
    %dma_wait3A_303 = arith.constant 3 : i32
    %dma_wait3A_304 = arith.constant 0 : i32
    %dma_wait3A_305 = tpu.memref_slice %arg5[%dma_wait3A_302, %dma_wait3A_304] : memref<4x400xi32, #tpu.memory_space<vmem>> -> memref<1x400xi32, #tpu.memory_space<vmem>>
    %dma_wait3A_306 = tpu.memref_squeeze %dma_wait3A_305 : memref<1x400xi32, #tpu.memory_space<vmem>> -> memref<400xi32, #tpu.memory_space<vmem>>
    %dma_wait3A_307 = arith.constant 0 : i32
    %dma_wait3A_308 = tpu.memref_slice %arg3[%dma_wait3A_307] : memref<3276800xi32, #tpu.memory_space<hbm>> -> memref<400xi32, #tpu.memory_space<hbm>>
    %dma_wait3A_309 = tpu.memref_slice %arg7[%dma_wait3A_303] : memref<4x!tpu.dma_semaphore, #tpu.memory_space<semaphore_mem>> -> memref<1x!tpu.dma_semaphore, #tpu.memory_space<semaphore_mem>>
    %dma_wait3A_310 = tpu.memref_squeeze %dma_wait3A_309 : memref<1x!tpu.dma_semaphore, #tpu.memory_space<semaphore_mem>> -> memref<!tpu.dma_semaphore, #tpu.memory_space<semaphore_mem>>
    %dma_wait3A_311 = arith.constant 0 : i32
    %dma_wait3A_312 = tpu.memref_slice %arg5[%dma_wait3A_302, %dma_wait3A_311] : memref<4x400xi32, #tpu.memory_space<vmem>> -> memref<1x400xi32, #tpu.memory_space<vmem>>
    %dma_wait3A_313 = tpu.memref_squeeze %dma_wait3A_312 : memref<1x400xi32, #tpu.memory_space<vmem>> -> memref<400xi32, #tpu.memory_space<vmem>>
    %dma_wait3A_314 = arith.constant 0 : i32
    %dma_wait3A_315 = tpu.memref_slice %arg3[%dma_wait3A_314] : memref<3276800xi32, #tpu.memory_space<hbm>> -> memref<400xi32, #tpu.memory_space<hbm>>
    tpu.wait_dma2 semaphore(%dma_wait3A_310 : memref<!tpu.dma_semaphore, #tpu.memory_space<semaphore_mem>>) src(%dma_wait3A_315 : memref<400xi32, #tpu.memory_space<hbm>>) dst(%dma_wait3A_313 : memref<400xi32, #tpu.memory_space<vmem>>)
    %dma_start3A_316 = arith.constant 3 : i32
    %dma_start3A_317 = arith.constant 3 : i32
    %dma_start3A_318 = arith.constant 3 : i32
    %dma_start3A_319 = arith.constant 0 : i32
    %dma_start3A_320 = arith.constant 0 : i32
    %dma_start3A_321 = tpu.memref_slice %arg6[%dma_start3A_317, %dma_start3A_319, %dma_start3A_320] : memref<4x400x64xf32, #tpu.memory_space<vmem>> -> memref<1x400x64xf32, #tpu.memory_space<vmem>>
    %dma_start3A_322 = tpu.memref_squeeze %dma_start3A_321 : memref<1x400x64xf32, #tpu.memory_space<vmem>> -> memref<400x64xf32, #tpu.memory_space<vmem>>
    %dma_start3A_323 = arith.constant 0 : i32
    %dma_start3A_324 = tpu.memref_slice %arg5[%dma_start3A_316, %dma_start3A_323] : memref<4x400xi32, #tpu.memory_space<vmem>> -> memref<1x400xi32, #tpu.memory_space<vmem>>
    %dma_start3A_325 = tpu.memref_squeeze %dma_start3A_324 : memref<1x400xi32, #tpu.memory_space<vmem>> -> memref<400xi32, #tpu.memory_space<vmem>>
    %dma_start3A_326 = arith.constant 0 : i32
    %dma_start3A_327 = arith.constant 0 : i32
    %dma_start3A_328 = tpu.memref_slice %arg2[%dma_start3A_326, %dma_start3A_327] : memref<8192x64xf32, #tpu.memory_space<hbm>> -> memref<8192x64xf32, #tpu.memory_space<hbm>>
    %dma_start3A_329 = tpu.memref_slice %arg8[%dma_start3A_318] : memref<4x!tpu.dma_semaphore, #tpu.memory_space<semaphore_mem>> -> memref<1x!tpu.dma_semaphore, #tpu.memory_space<semaphore_mem>>
    %dma_start3A_330 = tpu.memref_squeeze %dma_start3A_329 : memref<1x!tpu.dma_semaphore, #tpu.memory_space<semaphore_mem>> -> memref<!tpu.dma_semaphore, #tpu.memory_space<semaphore_mem>>
    tpu.enqueue_indirect_dma source(%dma_start3A_328 : memref<8192x64xf32, #tpu.memory_space<hbm>>) target(%dma_start3A_322 : memref<400x64xf32, #tpu.memory_space<vmem>>) offsets(%dma_start3A_325 : memref<400xi32, #tpu.memory_space<vmem>>) semaphore(%dma_start3A_330 : memref<!tpu.dma_semaphore, #tpu.memory_space<semaphore_mem>>)
    %scan3A = arith.constant 0 : i32
    %scan3A_331 = arith.constant 1 : i32
    %scan3A_332 = arith.constant 62 : i32
    %scan3A_333 = arith.addi %scan3A_331, %scan3A_332 : i32
    %scan3A_334 = arith.constant 1 : i32
    scf.for %scan3A_1008 = %scan3A_331 to %scan3A_333 step %scan3A_334  : i32 {
      %mul3A_1009 = arith.constant 4 : i32
      %mul3A_1010 = arith.muli %scan3A_1008, %mul3A_1009 : i32
      %add3A_1011 = arith.constant 0 : i32
      %add3A_1012 = arith.addi %mul3A_1010, %add3A_1011 : i32
      %dma_wait3A_1013 = arith.constant 2 : i32
      %dma_wait3A_1014 = arith.constant 2 : i32
      %dma_wait3A_1015 = arith.constant 0 : i32
      %dma_wait3A_1016 = arith.constant 0 : i32
      %dma_wait3A_1017 = tpu.memref_slice %arg6[%dma_wait3A_1013, %dma_wait3A_1015, %dma_wait3A_1016] : memref<4x400x64xf32, #tpu.memory_space<vmem>> -> memref<1x400x64xf32, #tpu.memory_space<vmem>>
      %dma_wait3A_1018 = tpu.memref_squeeze %dma_wait3A_1017 : memref<1x400x64xf32, #tpu.memory_space<vmem>> -> memref<400x64xf32, #tpu.memory_space<vmem>>
      %dma_wait3A_1019 = arith.constant 0 : i32
      %dma_wait3A_1020 = arith.constant 0 : i32
      %dma_wait3A_1021 = tpu.memref_slice %arg2[%dma_wait3A_1019, %dma_wait3A_1020] : memref<8192x64xf32, #tpu.memory_space<hbm>> -> memref<400x64xf32, #tpu.memory_space<hbm>>
      %dma_wait3A_1022 = tpu.memref_slice %arg8[%dma_wait3A_1014] : memref<4x!tpu.dma_semaphore, #tpu.memory_space<semaphore_mem>> -> memref<1x!tpu.dma_semaphore, #tpu.memory_space<semaphore_mem>>
      %dma_wait3A_1023 = tpu.memref_squeeze %dma_wait3A_1022 : memref<1x!tpu.dma_semaphore, #tpu.memory_space<semaphore_mem>> -> memref<!tpu.dma_semaphore, #tpu.memory_space<semaphore_mem>>
      %dma_wait3A_1024 = arith.constant 0 : i32
      %dma_wait3A_1025 = arith.constant 0 : i32
      %dma_wait3A_1026 = tpu.memref_slice %arg6[%dma_wait3A_1013, %dma_wait3A_1024, %dma_wait3A_1025] : memref<4x400x64xf32, #tpu.memory_space<vmem>> -> memref<1x400x64xf32, #tpu.memory_space<vmem>>
      %dma_wait3A_1027 = tpu.memref_squeeze %dma_wait3A_1026 : memref<1x400x64xf32, #tpu.memory_space<vmem>> -> memref<400x64xf32, #tpu.memory_space<vmem>>
      %dma_wait3A_1028 = arith.constant 0 : i32
      %dma_wait3A_1029 = arith.constant 0 : i32
      %dma_wait3A_1030 = tpu.memref_slice %arg2[%dma_wait3A_1028, %dma_wait3A_1029] : memref<8192x64xf32, #tpu.memory_space<hbm>> -> memref<400x64xf32, #tpu.memory_space<hbm>>
      tpu.wait_dma2 semaphore(%dma_wait3A_1023 : memref<!tpu.dma_semaphore, #tpu.memory_space<semaphore_mem>>) src(%dma_wait3A_1030 : memref<400x64xf32, #tpu.memory_space<hbm>>) dst(%dma_wait3A_1027 : memref<400x64xf32, #tpu.memory_space<vmem>>)
      %sub3A = arith.constant 2 : i32
      %sub3A_1031 = arith.subi %add3A_1012, %sub3A : i32
      %mul3A_1032 = arith.constant 2 : i32
      %mul3A_1033 = arith.muli %sub3A_1031, %mul3A_1032 : i32
      %add3A_1034 = arith.addi %mul3A_4, %mul3A_1033 : i32
      %add3A_1035 = arith.constant 0 : i32
      %add3A_1036 = arith.addi %add3A_1034, %add3A_1035 : i32
      %dma_start3A_1037 = arith.constant 2 : i32
      %dma_start3A_1038 = arith.constant 2 : i32
      %dma_start3A_1039 = arith.constant 0 : i32
      %dma_start3A_1040 = arith.constant 0 : i32
      %dma_start3A_1041 = tpu.memref_slice %arg6[%dma_start3A_1037, %dma_start3A_1039, %dma_start3A_1040] : memref<4x400x64xf32, #tpu.memory_space<vmem>> -> memref<1x200x64xf32, #tpu.memory_space<vmem>>
      %dma_start3A_1042 = tpu.memref_squeeze %dma_start3A_1041 : memref<1x200x64xf32, #tpu.memory_space<vmem>> -> memref<200x64xf32, #tpu.memory_space<vmem>>
      %dma_start3A_1043 = arith.constant 0 : i32
      %dma_start3A_1044 = arith.constant 0 : i32
      %dma_start3A_1045 = tpu.memref_slice %arg4[%add3A_1036, %dma_start3A_1043, %dma_start3A_1044] : memref<16384x200x64xf32, #tpu.memory_space<hbm>> -> memref<1x200x64xf32, #tpu.memory_space<hbm>>
      %dma_start3A_1046 = tpu.memref_squeeze %dma_start3A_1045 : memref<1x200x64xf32, #tpu.memory_space<hbm>> -> memref<200x64xf32, #tpu.memory_space<hbm>>
      %dma_start3A_1047 = tpu.memref_slice %arg9[%dma_start3A_1038] : memref<4x!tpu.dma_semaphore, #tpu.memory_space<semaphore_mem>> -> memref<1x!tpu.dma_semaphore, #tpu.memory_space<semaphore_mem>>
      %dma_start3A_1048 = tpu.memref_squeeze %dma_start3A_1047 : memref<1x!tpu.dma_semaphore, #tpu.memory_space<semaphore_mem>> -> memref<!tpu.dma_semaphore, #tpu.memory_space<semaphore_mem>>
      %dma_start3A_1049 = arith.constant 0 : i32
      %dma_start3A_1050 = arith.constant 0 : i32
      %dma_start3A_1051 = tpu.memref_slice %arg4[%add3A_1036, %dma_start3A_1049, %dma_start3A_1050] : memref<16384x200x64xf32, #tpu.memory_space<hbm>> -> memref<1x200x64xf32, #tpu.memory_space<hbm>>
      %dma_start3A_1052 = tpu.memref_squeeze %dma_start3A_1051 : memref<1x200x64xf32, #tpu.memory_space<hbm>> -> memref<200x64xf32, #tpu.memory_space<hbm>>
      %dma_start3A_1053 = arith.constant 0 : i32
      %dma_start3A_1054 = arith.constant 0 : i32
      %dma_start3A_1055 = tpu.memref_slice %arg6[%dma_start3A_1037, %dma_start3A_1053, %dma_start3A_1054] : memref<4x400x64xf32, #tpu.memory_space<vmem>> -> memref<1x200x64xf32, #tpu.memory_space<vmem>>
      %dma_start3A_1056 = tpu.memref_squeeze %dma_start3A_1055 : memref<1x200x64xf32, #tpu.memory_space<vmem>> -> memref<200x64xf32, #tpu.memory_space<vmem>>
      tpu.enqueue_dma source(%dma_start3A_1056 : memref<200x64xf32, #tpu.memory_space<vmem>>) target(%dma_start3A_1052 : memref<200x64xf32, #tpu.memory_space<hbm>>) target_semaphore(%dma_start3A_1048 : memref<!tpu.dma_semaphore, #tpu.memory_space<semaphore_mem>>)
      %add3A_1057 = arith.constant 1 : i32
      %add3A_1058 = arith.addi %add3A_1034, %add3A_1057 : i32
      %dma_start3A_1059 = arith.constant 2 : i32
      %dma_start3A_1060 = arith.constant 2 : i32
      %dma_start3A_1061 = arith.constant 200 : i32
      %dma_start3A_1062 = arith.constant 0 : i32
      %dma_start3A_1063 = tpu.memref_slice %arg6[%dma_start3A_1059, %dma_start3A_1061, %dma_start3A_1062] : memref<4x400x64xf32, #tpu.memory_space<vmem>> -> memref<1x200x64xf32, #tpu.memory_space<vmem>>
      %dma_start3A_1064 = tpu.memref_squeeze %dma_start3A_1063 : memref<1x200x64xf32, #tpu.memory_space<vmem>> -> memref<200x64xf32, #tpu.memory_space<vmem>>
      %dma_start3A_1065 = arith.constant 0 : i32
      %dma_start3A_1066 = arith.constant 0 : i32
      %dma_start3A_1067 = tpu.memref_slice %arg4[%add3A_1058, %dma_start3A_1065, %dma_start3A_1066] : memref<16384x200x64xf32, #tpu.memory_space<hbm>> -> memref<1x200x64xf32, #tpu.memory_space<hbm>>
      %dma_start3A_1068 = tpu.memref_squeeze %dma_start3A_1067 : memref<1x200x64xf32, #tpu.memory_space<hbm>> -> memref<200x64xf32, #tpu.memory_space<hbm>>
      %dma_start3A_1069 = tpu.memref_slice %arg9[%dma_start3A_1060] : memref<4x!tpu.dma_semaphore, #tpu.memory_space<semaphore_mem>> -> memref<1x!tpu.dma_semaphore, #tpu.memory_space<semaphore_mem>>
      %dma_start3A_1070 = tpu.memref_squeeze %dma_start3A_1069 : memref<1x!tpu.dma_semaphore, #tpu.memory_space<semaphore_mem>> -> memref<!tpu.dma_semaphore, #tpu.memory_space<semaphore_mem>>
      %dma_start3A_1071 = arith.constant 0 : i32
      %dma_start3A_1072 = arith.constant 0 : i32
      %dma_start3A_1073 = tpu.memref_slice %arg4[%add3A_1058, %dma_start3A_1071, %dma_start3A_1072] : memref<16384x200x64xf32, #tpu.memory_space<hbm>> -> memref<1x200x64xf32, #tpu.memory_space<hbm>>
      %dma_start3A_1074 = tpu.memref_squeeze %dma_start3A_1073 : memref<1x200x64xf32, #tpu.memory_space<hbm>> -> memref<200x64xf32, #tpu.memory_space<hbm>>
      %dma_start3A_1075 = arith.constant 200 : i32
      %dma_start3A_1076 = arith.constant 0 : i32
      %dma_start3A_1077 = tpu.memref_slice %arg6[%dma_start3A_1059, %dma_start3A_1075, %dma_start3A_1076] : memref<4x400x64xf32, #tpu.memory_space<vmem>> -> memref<1x200x64xf32, #tpu.memory_space<vmem>>
      %dma_start3A_1078 = tpu.memref_squeeze %dma_start3A_1077 : memref<1x200x64xf32, #tpu.memory_space<vmem>> -> memref<200x64xf32, #tpu.memory_space<vmem>>
      tpu.enqueue_dma source(%dma_start3A_1078 : memref<200x64xf32, #tpu.memory_space<vmem>>) target(%dma_start3A_1074 : memref<200x64xf32, #tpu.memory_space<hbm>>) target_semaphore(%dma_start3A_1070 : memref<!tpu.dma_semaphore, #tpu.memory_space<semaphore_mem>>)
      %sub3A_1079 = arith.constant 2 : i32
      %sub3A_1080 = arith.subi %add3A_1012, %sub3A_1079 : i32
      %add3A_1081 = arith.constant 4 : i32
      %add3A_1082 = arith.addi %sub3A_1080, %add3A_1081 : i32
      %mul3A_1083 = arith.constant 400 : i32
      %mul3A_1084 = arith.muli %add3A_1082, %mul3A_1083 : i32
      %add3A_1085 = arith.addi %mul3A_2, %mul3A_1084 : i32
      %dma_start3A_1086 = arith.constant 2 : i32
      %dma_start3A_1087 = arith.constant 2 : i32
      %dma_start3A_1088 = arith.constant 0 : i32
      %dma_start3A_1089 = tpu.memref_slice %arg5[%dma_start3A_1086, %dma_start3A_1088] : memref<4x400xi32, #tpu.memory_space<vmem>> -> memref<1x400xi32, #tpu.memory_space<vmem>>
      %dma_start3A_1090 = tpu.memref_squeeze %dma_start3A_1089 : memref<1x400xi32, #tpu.memory_space<vmem>> -> memref<400xi32, #tpu.memory_space<vmem>>
      %dma_start3A_1091 = tpu.memref_slice %arg3[%add3A_1085] : memref<3276800xi32, #tpu.memory_space<hbm>> -> memref<400xi32, #tpu.memory_space<hbm>>
      %dma_start3A_1092 = tpu.memref_slice %arg7[%dma_start3A_1087] : memref<4x!tpu.dma_semaphore, #tpu.memory_space<semaphore_mem>> -> memref<1x!tpu.dma_semaphore, #tpu.memory_space<semaphore_mem>>
      %dma_start3A_1093 = tpu.memref_squeeze %dma_start3A_1092 : memref<1x!tpu.dma_semaphore, #tpu.memory_space<semaphore_mem>> -> memref<!tpu.dma_semaphore, #tpu.memory_space<semaphore_mem>>
      %dma_start3A_1094 = arith.constant 0 : i32
      %dma_start3A_1095 = tpu.memref_slice %arg5[%dma_start3A_1086, %dma_start3A_1094] : memref<4x400xi32, #tpu.memory_space<vmem>> -> memref<1x400xi32, #tpu.memory_space<vmem>>
      %dma_start3A_1096 = tpu.memref_squeeze %dma_start3A_1095 : memref<1x400xi32, #tpu.memory_space<vmem>> -> memref<400xi32, #tpu.memory_space<vmem>>
      %dma_start3A_1097 = tpu.memref_slice %arg3[%add3A_1085] : memref<3276800xi32, #tpu.memory_space<hbm>> -> memref<400xi32, #tpu.memory_space<hbm>>
      tpu.enqueue_dma source(%dma_start3A_1097 : memref<400xi32, #tpu.memory_space<hbm>>) target(%dma_start3A_1096 : memref<400xi32, #tpu.memory_space<vmem>>) target_semaphore(%dma_start3A_1093 : memref<!tpu.dma_semaphore, #tpu.memory_space<semaphore_mem>>)
      %dma_wait3A_1098 = arith.constant 0 : i32
      %dma_wait3A_1099 = arith.constant 0 : i32
      %dma_wait3A_1100 = arith.constant 0 : i32
      %dma_wait3A_1101 = tpu.memref_slice %arg5[%dma_wait3A_1098, %dma_wait3A_1100] : memref<4x400xi32, #tpu.memory_space<vmem>> -> memref<1x400xi32, #tpu.memory_space<vmem>>
      %dma_wait3A_1102 = tpu.memref_squeeze %dma_wait3A_1101 : memref<1x400xi32, #tpu.memory_space<vmem>> -> memref<400xi32, #tpu.memory_space<vmem>>
      %dma_wait3A_1103 = arith.constant 0 : i32
      %dma_wait3A_1104 = tpu.memref_slice %arg3[%dma_wait3A_1103] : memref<3276800xi32, #tpu.memory_space<hbm>> -> memref<400xi32, #tpu.memory_space<hbm>>
      %dma_wait3A_1105 = tpu.memref_slice %arg7[%dma_wait3A_1099] : memref<4x!tpu.dma_semaphore, #tpu.memory_space<semaphore_mem>> -> memref<1x!tpu.dma_semaphore, #tpu.memory_space<semaphore_mem>>
      %dma_wait3A_1106 = tpu.memref_squeeze %dma_wait3A_1105 : memref<1x!tpu.dma_semaphore, #tpu.memory_space<semaphore_mem>> -> memref<!tpu.dma_semaphore, #tpu.memory_space<semaphore_mem>>
      %dma_wait3A_1107 = arith.constant 0 : i32
      %dma_wait3A_1108 = tpu.memref_slice %arg5[%dma_wait3A_1098, %dma_wait3A_1107] : memref<4x400xi32, #tpu.memory_space<vmem>> -> memref<1x400xi32, #tpu.memory_space<vmem>>
      %dma_wait3A_1109 = tpu.memref_squeeze %dma_wait3A_1108 : memref<1x400xi32, #tpu.memory_space<vmem>> -> memref<400xi32, #tpu.memory_space<vmem>>
      %dma_wait3A_1110 = arith.constant 0 : i32
      %dma_wait3A_1111 = tpu.memref_slice %arg3[%dma_wait3A_1110] : memref<3276800xi32, #tpu.memory_space<hbm>> -> memref<400xi32, #tpu.memory_space<hbm>>
      tpu.wait_dma2 semaphore(%dma_wait3A_1106 : memref<!tpu.dma_semaphore, #tpu.memory_space<semaphore_mem>>) src(%dma_wait3A_1111 : memref<400xi32, #tpu.memory_space<hbm>>) dst(%dma_wait3A_1109 : memref<400xi32, #tpu.memory_space<vmem>>)
      %dma_wait3A_1112 = arith.constant 0 : i32
      %dma_wait3A_1113 = arith.constant 0 : i32
      %dma_wait3A_1114 = arith.constant 0 : i32
      %dma_wait3A_1115 = arith.constant 0 : i32
      %dma_wait3A_1116 = tpu.memref_slice %arg6[%dma_wait3A_1112, %dma_wait3A_1114, %dma_wait3A_1115] : memref<4x400x64xf32, #tpu.memory_space<vmem>> -> memref<1x400x64xf32, #tpu.memory_space<vmem>>
      %dma_wait3A_1117 = tpu.memref_squeeze %dma_wait3A_1116 : memref<1x400x64xf32, #tpu.memory_space<vmem>> -> memref<400x64xf32, #tpu.memory_space<vmem>>
      %dma_wait3A_1118 = arith.constant 0 : i32
      %dma_wait3A_1119 = arith.constant 0 : i32
      %dma_wait3A_1120 = tpu.memref_slice %arg2[%dma_wait3A_1118, %dma_wait3A_1119] : memref<8192x64xf32, #tpu.memory_space<hbm>> -> memref<400x64xf32, #tpu.memory_space<hbm>>
      %dma_wait3A_1121 = tpu.memref_slice %arg9[%dma_wait3A_1113] : memref<4x!tpu.dma_semaphore, #tpu.memory_space<semaphore_mem>> -> memref<1x!tpu.dma_semaphore, #tpu.memory_space<semaphore_mem>>
      %dma_wait3A_1122 = tpu.memref_squeeze %dma_wait3A_1121 : memref<1x!tpu.dma_semaphore, #tpu.memory_space<semaphore_mem>> -> memref<!tpu.dma_semaphore, #tpu.memory_space<semaphore_mem>>
      %dma_wait3A_1123 = arith.constant 0 : i32
      %dma_wait3A_1124 = arith.constant 0 : i32
      %dma_wait3A_1125 = tpu.memref_slice %arg6[%dma_wait3A_1112, %dma_wait3A_1123, %dma_wait3A_1124] : memref<4x400x64xf32, #tpu.memory_space<vmem>> -> memref<1x400x64xf32, #tpu.memory_space<vmem>>
      %dma_wait3A_1126 = tpu.memref_squeeze %dma_wait3A_1125 : memref<1x400x64xf32, #tpu.memory_space<vmem>> -> memref<400x64xf32, #tpu.memory_space<vmem>>
      %dma_wait3A_1127 = arith.constant 0 : i32
      %dma_wait3A_1128 = arith.constant 0 : i32
      %dma_wait3A_1129 = tpu.memref_slice %arg2[%dma_wait3A_1127, %dma_wait3A_1128] : memref<8192x64xf32, #tpu.memory_space<hbm>> -> memref<400x64xf32, #tpu.memory_space<hbm>>
      tpu.wait_dma2 semaphore(%dma_wait3A_1122 : memref<!tpu.dma_semaphore, #tpu.memory_space<semaphore_mem>>) src(%dma_wait3A_1129 : memref<400x64xf32, #tpu.memory_space<hbm>>) dst(%dma_wait3A_1126 : memref<400x64xf32, #tpu.memory_space<vmem>>)
      %dma_start3A_1130 = arith.constant 0 : i32
      %dma_start3A_1131 = arith.constant 0 : i32
      %dma_start3A_1132 = arith.constant 0 : i32
      %dma_start3A_1133 = arith.constant 0 : i32
      %dma_start3A_1134 = arith.constant 0 : i32
      %dma_start3A_1135 = tpu.memref_slice %arg6[%dma_start3A_1131, %dma_start3A_1133, %dma_start3A_1134] : memref<4x400x64xf32, #tpu.memory_space<vmem>> -> memref<1x400x64xf32, #tpu.memory_space<vmem>>
      %dma_start3A_1136 = tpu.memref_squeeze %dma_start3A_1135 : memref<1x400x64xf32, #tpu.memory_space<vmem>> -> memref<400x64xf32, #tpu.memory_space<vmem>>
      %dma_start3A_1137 = arith.constant 0 : i32
      %dma_start3A_1138 = tpu.memref_slice %arg5[%dma_start3A_1130, %dma_start3A_1137] : memref<4x400xi32, #tpu.memory_space<vmem>> -> memref<1x400xi32, #tpu.memory_space<vmem>>
      %dma_start3A_1139 = tpu.memref_squeeze %dma_start3A_1138 : memref<1x400xi32, #tpu.memory_space<vmem>> -> memref<400xi32, #tpu.memory_space<vmem>>
      %dma_start3A_1140 = arith.constant 0 : i32
      %dma_start3A_1141 = arith.constant 0 : i32
      %dma_start3A_1142 = tpu.memref_slice %arg2[%dma_start3A_1140, %dma_start3A_1141] : memref<8192x64xf32, #tpu.memory_space<hbm>> -> memref<8192x64xf32, #tpu.memory_space<hbm>>
      %dma_start3A_1143 = tpu.memref_slice %arg8[%dma_start3A_1132] : memref<4x!tpu.dma_semaphore, #tpu.memory_space<semaphore_mem>> -> memref<1x!tpu.dma_semaphore, #tpu.memory_space<semaphore_mem>>
      %dma_start3A_1144 = tpu.memref_squeeze %dma_start3A_1143 : memref<1x!tpu.dma_semaphore, #tpu.memory_space<semaphore_mem>> -> memref<!tpu.dma_semaphore, #tpu.memory_space<semaphore_mem>>
      tpu.enqueue_indirect_dma source(%dma_start3A_1142 : memref<8192x64xf32, #tpu.memory_space<hbm>>) target(%dma_start3A_1136 : memref<400x64xf32, #tpu.memory_space<vmem>>) offsets(%dma_start3A_1139 : memref<400xi32, #tpu.memory_space<vmem>>) semaphore(%dma_start3A_1144 : memref<!tpu.dma_semaphore, #tpu.memory_space<semaphore_mem>>)
      %add3A_1145 = arith.constant 1 : i32
      %add3A_1146 = arith.addi %mul3A_1010, %add3A_1145 : i32
      %dma_wait3A_1147 = arith.constant 3 : i32
      %dma_wait3A_1148 = arith.constant 3 : i32
      %dma_wait3A_1149 = arith.constant 0 : i32
      %dma_wait3A_1150 = arith.constant 0 : i32
      %dma_wait3A_1151 = tpu.memref_slice %arg6[%dma_wait3A_1147, %dma_wait3A_1149, %dma_wait3A_1150] : memref<4x400x64xf32, #tpu.memory_space<vmem>> -> memref<1x400x64xf32, #tpu.memory_space<vmem>>
      %dma_wait3A_1152 = tpu.memref_squeeze %dma_wait3A_1151 : memref<1x400x64xf32, #tpu.memory_space<vmem>> -> memref<400x64xf32, #tpu.memory_space<vmem>>
      %dma_wait3A_1153 = arith.constant 0 : i32
      %dma_wait3A_1154 = arith.constant 0 : i32
      %dma_wait3A_1155 = tpu.memref_slice %arg2[%dma_wait3A_1153, %dma_wait3A_1154] : memref<8192x64xf32, #tpu.memory_space<hbm>> -> memref<400x64xf32, #tpu.memory_space<hbm>>
      %dma_wait3A_1156 = tpu.memref_slice %arg8[%dma_wait3A_1148] : memref<4x!tpu.dma_semaphore, #tpu.memory_space<semaphore_mem>> -> memref<1x!tpu.dma_semaphore, #tpu.memory_space<semaphore_mem>>
      %dma_wait3A_1157 = tpu.memref_squeeze %dma_wait3A_1156 : memref<1x!tpu.dma_semaphore, #tpu.memory_space<semaphore_mem>> -> memref<!tpu.dma_semaphore, #tpu.memory_space<semaphore_mem>>
      %dma_wait3A_1158 = arith.constant 0 : i32
      %dma_wait3A_1159 = arith.constant 0 : i32
      %dma_wait3A_1160 = tpu.memref_slice %arg6[%dma_wait3A_1147, %dma_wait3A_1158, %dma_wait3A_1159] : memref<4x400x64xf32, #tpu.memory_space<vmem>> -> memref<1x400x64xf32, #tpu.memory_space<vmem>>
      %dma_wait3A_1161 = tpu.memref_squeeze %dma_wait3A_1160 : memref<1x400x64xf32, #tpu.memory_space<vmem>> -> memref<400x64xf32, #tpu.memory_space<vmem>>
      %dma_wait3A_1162 = arith.constant 0 : i32
      %dma_wait3A_1163 = arith.constant 0 : i32
      %dma_wait3A_1164 = tpu.memref_slice %arg2[%dma_wait3A_1162, %dma_wait3A_1163] : memref<8192x64xf32, #tpu.memory_space<hbm>> -> memref<400x64xf32, #tpu.memory_space<hbm>>
      tpu.wait_dma2 semaphore(%dma_wait3A_1157 : memref<!tpu.dma_semaphore, #tpu.memory_space<semaphore_mem>>) src(%dma_wait3A_1164 : memref<400x64xf32, #tpu.memory_space<hbm>>) dst(%dma_wait3A_1161 : memref<400x64xf32, #tpu.memory_space<vmem>>)
      %sub3A_1165 = arith.constant 2 : i32
      %sub3A_1166 = arith.subi %add3A_1146, %sub3A_1165 : i32
      %mul3A_1167 = arith.constant 2 : i32
      %mul3A_1168 = arith.muli %sub3A_1166, %mul3A_1167 : i32
      %add3A_1169 = arith.addi %mul3A_4, %mul3A_1168 : i32
      %add3A_1170 = arith.constant 0 : i32
      %add3A_1171 = arith.addi %add3A_1169, %add3A_1170 : i32
      %dma_start3A_1172 = arith.constant 3 : i32
      %dma_start3A_1173 = arith.constant 3 : i32
      %dma_start3A_1174 = arith.constant 0 : i32
      %dma_start3A_1175 = arith.constant 0 : i32
      %dma_start3A_1176 = tpu.memref_slice %arg6[%dma_start3A_1172, %dma_start3A_1174, %dma_start3A_1175] : memref<4x400x64xf32, #tpu.memory_space<vmem>> -> memref<1x200x64xf32, #tpu.memory_space<vmem>>
      %dma_start3A_1177 = tpu.memref_squeeze %dma_start3A_1176 : memref<1x200x64xf32, #tpu.memory_space<vmem>> -> memref<200x64xf32, #tpu.memory_space<vmem>>
      %dma_start3A_1178 = arith.constant 0 : i32
      %dma_start3A_1179 = arith.constant 0 : i32
      %dma_start3A_1180 = tpu.memref_slice %arg4[%add3A_1171, %dma_start3A_1178, %dma_start3A_1179] : memref<16384x200x64xf32, #tpu.memory_space<hbm>> -> memref<1x200x64xf32, #tpu.memory_space<hbm>>
      %dma_start3A_1181 = tpu.memref_squeeze %dma_start3A_1180 : memref<1x200x64xf32, #tpu.memory_space<hbm>> -> memref<200x64xf32, #tpu.memory_space<hbm>>
      %dma_start3A_1182 = tpu.memref_slice %arg9[%dma_start3A_1173] : memref<4x!tpu.dma_semaphore, #tpu.memory_space<semaphore_mem>> -> memref<1x!tpu.dma_semaphore, #tpu.memory_space<semaphore_mem>>
      %dma_start3A_1183 = tpu.memref_squeeze %dma_start3A_1182 : memref<1x!tpu.dma_semaphore, #tpu.memory_space<semaphore_mem>> -> memref<!tpu.dma_semaphore, #tpu.memory_space<semaphore_mem>>
      %dma_start3A_1184 = arith.constant 0 : i32
      %dma_start3A_1185 = arith.constant 0 : i32
      %dma_start3A_1186 = tpu.memref_slice %arg4[%add3A_1171, %dma_start3A_1184, %dma_start3A_1185] : memref<16384x200x64xf32, #tpu.memory_space<hbm>> -> memref<1x200x64xf32, #tpu.memory_space<hbm>>
      %dma_start3A_1187 = tpu.memref_squeeze %dma_start3A_1186 : memref<1x200x64xf32, #tpu.memory_space<hbm>> -> memref<200x64xf32, #tpu.memory_space<hbm>>
      %dma_start3A_1188 = arith.constant 0 : i32
      %dma_start3A_1189 = arith.constant 0 : i32
      %dma_start3A_1190 = tpu.memref_slice %arg6[%dma_start3A_1172, %dma_start3A_1188, %dma_start3A_1189] : memref<4x400x64xf32, #tpu.memory_space<vmem>> -> memref<1x200x64xf32, #tpu.memory_space<vmem>>
      %dma_start3A_1191 = tpu.memref_squeeze %dma_start3A_1190 : memref<1x200x64xf32, #tpu.memory_space<vmem>> -> memref<200x64xf32, #tpu.memory_space<vmem>>
      tpu.enqueue_dma source(%dma_start3A_1191 : memref<200x64xf32, #tpu.memory_space<vmem>>) target(%dma_start3A_1187 : memref<200x64xf32, #tpu.memory_space<hbm>>) target_semaphore(%dma_start3A_1183 : memref<!tpu.dma_semaphore, #tpu.memory_space<semaphore_mem>>)
      %add3A_1192 = arith.constant 1 : i32
      %add3A_1193 = arith.addi %add3A_1169, %add3A_1192 : i32
      %dma_start3A_1194 = arith.constant 3 : i32
      %dma_start3A_1195 = arith.constant 3 : i32
      %dma_start3A_1196 = arith.constant 200 : i32
      %dma_start3A_1197 = arith.constant 0 : i32
      %dma_start3A_1198 = tpu.memref_slice %arg6[%dma_start3A_1194, %dma_start3A_1196, %dma_start3A_1197] : memref<4x400x64xf32, #tpu.memory_space<vmem>> -> memref<1x200x64xf32, #tpu.memory_space<vmem>>
      %dma_start3A_1199 = tpu.memref_squeeze %dma_start3A_1198 : memref<1x200x64xf32, #tpu.memory_space<vmem>> -> memref<200x64xf32, #tpu.memory_space<vmem>>
      %dma_start3A_1200 = arith.constant 0 : i32
      %dma_start3A_1201 = arith.constant 0 : i32
      %dma_start3A_1202 = tpu.memref_slice %arg4[%add3A_1193, %dma_start3A_1200, %dma_start3A_1201] : memref<16384x200x64xf32, #tpu.memory_space<hbm>> -> memref<1x200x64xf32, #tpu.memory_space<hbm>>
      %dma_start3A_1203 = tpu.memref_squeeze %dma_start3A_1202 : memref<1x200x64xf32, #tpu.memory_space<hbm>> -> memref<200x64xf32, #tpu.memory_space<hbm>>
      %dma_start3A_1204 = tpu.memref_slice %arg9[%dma_start3A_1195] : memref<4x!tpu.dma_semaphore, #tpu.memory_space<semaphore_mem>> -> memref<1x!tpu.dma_semaphore, #tpu.memory_space<semaphore_mem>>
      %dma_start3A_1205 = tpu.memref_squeeze %dma_start3A_1204 : memref<1x!tpu.dma_semaphore, #tpu.memory_space<semaphore_mem>> -> memref<!tpu.dma_semaphore, #tpu.memory_space<semaphore_mem>>
      %dma_start3A_1206 = arith.constant 0 : i32
      %dma_start3A_1207 = arith.constant 0 : i32
      %dma_start3A_1208 = tpu.memref_slice %arg4[%add3A_1193, %dma_start3A_1206, %dma_start3A_1207] : memref<16384x200x64xf32, #tpu.memory_space<hbm>> -> memref<1x200x64xf32, #tpu.memory_space<hbm>>
      %dma_start3A_1209 = tpu.memref_squeeze %dma_start3A_1208 : memref<1x200x64xf32, #tpu.memory_space<hbm>> -> memref<200x64xf32, #tpu.memory_space<hbm>>
      %dma_start3A_1210 = arith.constant 200 : i32
      %dma_start3A_1211 = arith.constant 0 : i32
      %dma_start3A_1212 = tpu.memref_slice %arg6[%dma_start3A_1194, %dma_start3A_1210, %dma_start3A_1211] : memref<4x400x64xf32, #tpu.memory_space<vmem>> -> memref<1x200x64xf32, #tpu.memory_space<vmem>>
      %dma_start3A_1213 = tpu.memref_squeeze %dma_start3A_1212 : memref<1x200x64xf32, #tpu.memory_space<vmem>> -> memref<200x64xf32, #tpu.memory_space<vmem>>
      tpu.enqueue_dma source(%dma_start3A_1213 : memref<200x64xf32, #tpu.memory_space<vmem>>) target(%dma_start3A_1209 : memref<200x64xf32, #tpu.memory_space<hbm>>) target_semaphore(%dma_start3A_1205 : memref<!tpu.dma_semaphore, #tpu.memory_space<semaphore_mem>>)
      %sub3A_1214 = arith.constant 2 : i32
      %sub3A_1215 = arith.subi %add3A_1146, %sub3A_1214 : i32
      %add3A_1216 = arith.constant 4 : i32
      %add3A_1217 = arith.addi %sub3A_1215, %add3A_1216 : i32
      %mul3A_1218 = arith.constant 400 : i32
      %mul3A_1219 = arith.muli %add3A_1217, %mul3A_1218 : i32
      %add3A_1220 = arith.addi %mul3A_2, %mul3A_1219 : i32
      %dma_start3A_1221 = arith.constant 3 : i32
      %dma_start3A_1222 = arith.constant 3 : i32
      %dma_start3A_1223 = arith.constant 0 : i32
      %dma_start3A_1224 = tpu.memref_slice %arg5[%dma_start3A_1221, %dma_start3A_1223] : memref<4x400xi32, #tpu.memory_space<vmem>> -> memref<1x400xi32, #tpu.memory_space<vmem>>
      %dma_start3A_1225 = tpu.memref_squeeze %dma_start3A_1224 : memref<1x400xi32, #tpu.memory_space<vmem>> -> memref<400xi32, #tpu.memory_space<vmem>>
      %dma_start3A_1226 = tpu.memref_slice %arg3[%add3A_1220] : memref<3276800xi32, #tpu.memory_space<hbm>> -> memref<400xi32, #tpu.memory_space<hbm>>
      %dma_start3A_1227 = tpu.memref_slice %arg7[%dma_start3A_1222] : memref<4x!tpu.dma_semaphore, #tpu.memory_space<semaphore_mem>> -> memref<1x!tpu.dma_semaphore, #tpu.memory_space<semaphore_mem>>
      %dma_start3A_1228 = tpu.memref_squeeze %dma_start3A_1227 : memref<1x!tpu.dma_semaphore, #tpu.memory_space<semaphore_mem>> -> memref<!tpu.dma_semaphore, #tpu.memory_space<semaphore_mem>>
      %dma_start3A_1229 = arith.constant 0 : i32
      %dma_start3A_1230 = tpu.memref_slice %arg5[%dma_start3A_1221, %dma_start3A_1229] : memref<4x400xi32, #tpu.memory_space<vmem>> -> memref<1x400xi32, #tpu.memory_space<vmem>>
      %dma_start3A_1231 = tpu.memref_squeeze %dma_start3A_1230 : memref<1x400xi32, #tpu.memory_space<vmem>> -> memref<400xi32, #tpu.memory_space<vmem>>
      %dma_start3A_1232 = tpu.memref_slice %arg3[%add3A_1220] : memref<3276800xi32, #tpu.memory_space<hbm>> -> memref<400xi32, #tpu.memory_space<hbm>>
      tpu.enqueue_dma source(%dma_start3A_1232 : memref<400xi32, #tpu.memory_space<hbm>>) target(%dma_start3A_1231 : memref<400xi32, #tpu.memory_space<vmem>>) target_semaphore(%dma_start3A_1228 : memref<!tpu.dma_semaphore, #tpu.memory_space<semaphore_mem>>)
      %dma_wait3A_1233 = arith.constant 1 : i32
      %dma_wait3A_1234 = arith.constant 1 : i32
      %dma_wait3A_1235 = arith.constant 0 : i32
      %dma_wait3A_1236 = tpu.memref_slice %arg5[%dma_wait3A_1233, %dma_wait3A_1235] : memref<4x400xi32, #tpu.memory_space<vmem>> -> memref<1x400xi32, #tpu.memory_space<vmem>>
      %dma_wait3A_1237 = tpu.memref_squeeze %dma_wait3A_1236 : memref<1x400xi32, #tpu.memory_space<vmem>> -> memref<400xi32, #tpu.memory_space<vmem>>
      %dma_wait3A_1238 = arith.constant 0 : i32
      %dma_wait3A_1239 = tpu.memref_slice %arg3[%dma_wait3A_1238] : memref<3276800xi32, #tpu.memory_space<hbm>> -> memref<400xi32, #tpu.memory_space<hbm>>
      %dma_wait3A_1240 = tpu.memref_slice %arg7[%dma_wait3A_1234] : memref<4x!tpu.dma_semaphore, #tpu.memory_space<semaphore_mem>> -> memref<1x!tpu.dma_semaphore, #tpu.memory_space<semaphore_mem>>
      %dma_wait3A_1241 = tpu.memref_squeeze %dma_wait3A_1240 : memref<1x!tpu.dma_semaphore, #tpu.memory_space<semaphore_mem>> -> memref<!tpu.dma_semaphore, #tpu.memory_space<semaphore_mem>>
      %dma_wait3A_1242 = arith.constant 0 : i32
      %dma_wait3A_1243 = tpu.memref_slice %arg5[%dma_wait3A_1233, %dma_wait3A_1242] : memref<4x400xi32, #tpu.memory_space<vmem>> -> memref<1x400xi32, #tpu.memory_space<vmem>>
      %dma_wait3A_1244 = tpu.memref_squeeze %dma_wait3A_1243 : memref<1x400xi32, #tpu.memory_space<vmem>> -> memref<400xi32, #tpu.memory_space<vmem>>
      %dma_wait3A_1245 = arith.constant 0 : i32
      %dma_wait3A_1246 = tpu.memref_slice %arg3[%dma_wait3A_1245] : memref<3276800xi32, #tpu.memory_space<hbm>> -> memref<400xi32, #tpu.memory_space<hbm>>
      tpu.wait_dma2 semaphore(%dma_wait3A_1241 : memref<!tpu.dma_semaphore, #tpu.memory_space<semaphore_mem>>) src(%dma_wait3A_1246 : memref<400xi32, #tpu.memory_space<hbm>>) dst(%dma_wait3A_1244 : memref<400xi32, #tpu.memory_space<vmem>>)
      %dma_wait3A_1247 = arith.constant 1 : i32
      %dma_wait3A_1248 = arith.constant 1 : i32
      %dma_wait3A_1249 = arith.constant 0 : i32
      %dma_wait3A_1250 = arith.constant 0 : i32
      %dma_wait3A_1251 = tpu.memref_slice %arg6[%dma_wait3A_1247, %dma_wait3A_1249, %dma_wait3A_1250] : memref<4x400x64xf32, #tpu.memory_space<vmem>> -> memref<1x400x64xf32, #tpu.memory_space<vmem>>
      %dma_wait3A_1252 = tpu.memref_squeeze %dma_wait3A_1251 : memref<1x400x64xf32, #tpu.memory_space<vmem>> -> memref<400x64xf32, #tpu.memory_space<vmem>>
      %dma_wait3A_1253 = arith.constant 0 : i32
      %dma_wait3A_1254 = arith.constant 0 : i32
      %dma_wait3A_1255 = tpu.memref_slice %arg2[%dma_wait3A_1253, %dma_wait3A_1254] : memref<8192x64xf32, #tpu.memory_space<hbm>> -> memref<400x64xf32, #tpu.memory_space<hbm>>
      %dma_wait3A_1256 = tpu.memref_slice %arg9[%dma_wait3A_1248] : memref<4x!tpu.dma_semaphore, #tpu.memory_space<semaphore_mem>> -> memref<1x!tpu.dma_semaphore, #tpu.memory_space<semaphore_mem>>
      %dma_wait3A_1257 = tpu.memref_squeeze %dma_wait3A_1256 : memref<1x!tpu.dma_semaphore, #tpu.memory_space<semaphore_mem>> -> memref<!tpu.dma_semaphore, #tpu.memory_space<semaphore_mem>>
      %dma_wait3A_1258 = arith.constant 0 : i32
      %dma_wait3A_1259 = arith.constant 0 : i32
      %dma_wait3A_1260 = tpu.memref_slice %arg6[%dma_wait3A_1247, %dma_wait3A_1258, %dma_wait3A_1259] : memref<4x400x64xf32, #tpu.memory_space<vmem>> -> memref<1x400x64xf32, #tpu.memory_space<vmem>>
      %dma_wait3A_1261 = tpu.memref_squeeze %dma_wait3A_1260 : memref<1x400x64xf32, #tpu.memory_space<vmem>> -> memref<400x64xf32, #tpu.memory_space<vmem>>
      %dma_wait3A_1262 = arith.constant 0 : i32
      %dma_wait3A_1263 = arith.constant 0 : i32
      %dma_wait3A_1264 = tpu.memref_slice %arg2[%dma_wait3A_1262, %dma_wait3A_1263] : memref<8192x64xf32, #tpu.memory_space<hbm>> -> memref<400x64xf32, #tpu.memory_space<hbm>>
      tpu.wait_dma2 semaphore(%dma_wait3A_1257 : memref<!tpu.dma_semaphore, #tpu.memory_space<semaphore_mem>>) src(%dma_wait3A_1264 : memref<400x64xf32, #tpu.memory_space<hbm>>) dst(%dma_wait3A_1261 : memref<400x64xf32, #tpu.memory_space<vmem>>)
      %dma_start3A_1265 = arith.constant 1 : i32
      %dma_start3A_1266 = arith.constant 1 : i32
      %dma_start3A_1267 = arith.constant 1 : i32
      %dma_start3A_1268 = arith.constant 0 : i32
      %dma_start3A_1269 = arith.constant 0 : i32
      %dma_start3A_1270 = tpu.memref_slice %arg6[%dma_start3A_1266, %dma_start3A_1268, %dma_start3A_1269] : memref<4x400x64xf32, #tpu.memory_space<vmem>> -> memref<1x400x64xf32, #tpu.memory_space<vmem>>
      %dma_start3A_1271 = tpu.memref_squeeze %dma_start3A_1270 : memref<1x400x64xf32, #tpu.memory_space<vmem>> -> memref<400x64xf32, #tpu.memory_space<vmem>>
      %dma_start3A_1272 = arith.constant 0 : i32
      %dma_start3A_1273 = tpu.memref_slice %arg5[%dma_start3A_1265, %dma_start3A_1272] : memref<4x400xi32, #tpu.memory_space<vmem>> -> memref<1x400xi32, #tpu.memory_space<vmem>>
      %dma_start3A_1274 = tpu.memref_squeeze %dma_start3A_1273 : memref<1x400xi32, #tpu.memory_space<vmem>> -> memref<400xi32, #tpu.memory_space<vmem>>
      %dma_start3A_1275 = arith.constant 0 : i32
      %dma_start3A_1276 = arith.constant 0 : i32
      %dma_start3A_1277 = tpu.memref_slice %arg2[%dma_start3A_1275, %dma_start3A_1276] : memref<8192x64xf32, #tpu.memory_space<hbm>> -> memref<8192x64xf32, #tpu.memory_space<hbm>>
      %dma_start3A_1278 = tpu.memref_slice %arg8[%dma_start3A_1267] : memref<4x!tpu.dma_semaphore, #tpu.memory_space<semaphore_mem>> -> memref<1x!tpu.dma_semaphore, #tpu.memory_space<semaphore_mem>>
      %dma_start3A_1279 = tpu.memref_squeeze %dma_start3A_1278 : memref<1x!tpu.dma_semaphore, #tpu.memory_space<semaphore_mem>> -> memref<!tpu.dma_semaphore, #tpu.memory_space<semaphore_mem>>
      tpu.enqueue_indirect_dma source(%dma_start3A_1277 : memref<8192x64xf32, #tpu.memory_space<hbm>>) target(%dma_start3A_1271 : memref<400x64xf32, #tpu.memory_space<vmem>>) offsets(%dma_start3A_1274 : memref<400xi32, #tpu.memory_space<vmem>>) semaphore(%dma_start3A_1279 : memref<!tpu.dma_semaphore, #tpu.memory_space<semaphore_mem>>)
      %add3A_1280 = arith.constant 2 : i32
      %add3A_1281 = arith.addi %mul3A_1010, %add3A_1280 : i32
      %dma_wait3A_1282 = arith.constant 0 : i32
      %dma_wait3A_1283 = arith.constant 0 : i32
      %dma_wait3A_1284 = arith.constant 0 : i32
      %dma_wait3A_1285 = arith.constant 0 : i32
      %dma_wait3A_1286 = tpu.memref_slice %arg6[%dma_wait3A_1282, %dma_wait3A_1284, %dma_wait3A_1285] : memref<4x400x64xf32, #tpu.memory_space<vmem>> -> memref<1x400x64xf32, #tpu.memory_space<vmem>>
      %dma_wait3A_1287 = tpu.memref_squeeze %dma_wait3A_1286 : memref<1x400x64xf32, #tpu.memory_space<vmem>> -> memref<400x64xf32, #tpu.memory_space<vmem>>
      %dma_wait3A_1288 = arith.constant 0 : i32
      %dma_wait3A_1289 = arith.constant 0 : i32
      %dma_wait3A_1290 = tpu.memref_slice %arg2[%dma_wait3A_1288, %dma_wait3A_1289] : memref<8192x64xf32, #tpu.memory_space<hbm>> -> memref<400x64xf32, #tpu.memory_space<hbm>>
      %dma_wait3A_1291 = tpu.memref_slice %arg8[%dma_wait3A_1283] : memref<4x!tpu.dma_semaphore, #tpu.memory_space<semaphore_mem>> -> memref<1x!tpu.dma_semaphore, #tpu.memory_space<semaphore_mem>>
      %dma_wait3A_1292 = tpu.memref_squeeze %dma_wait3A_1291 : memref<1x!tpu.dma_semaphore, #tpu.memory_space<semaphore_mem>> -> memref<!tpu.dma_semaphore, #tpu.memory_space<semaphore_mem>>
      %dma_wait3A_1293 = arith.constant 0 : i32
      %dma_wait3A_1294 = arith.constant 0 : i32
      %dma_wait3A_1295 = tpu.memref_slice %arg6[%dma_wait3A_1282, %dma_wait3A_1293, %dma_wait3A_1294] : memref<4x400x64xf32, #tpu.memory_space<vmem>> -> memref<1x400x64xf32, #tpu.memory_space<vmem>>
      %dma_wait3A_1296 = tpu.memref_squeeze %dma_wait3A_1295 : memref<1x400x64xf32, #tpu.memory_space<vmem>> -> memref<400x64xf32, #tpu.memory_space<vmem>>
      %dma_wait3A_1297 = arith.constant 0 : i32
      %dma_wait3A_1298 = arith.constant 0 : i32
      %dma_wait3A_1299 = tpu.memref_slice %arg2[%dma_wait3A_1297, %dma_wait3A_1298] : memref<8192x64xf32, #tpu.memory_space<hbm>> -> memref<400x64xf32, #tpu.memory_space<hbm>>
      tpu.wait_dma2 semaphore(%dma_wait3A_1292 : memref<!tpu.dma_semaphore, #tpu.memory_space<semaphore_mem>>) src(%dma_wait3A_1299 : memref<400x64xf32, #tpu.memory_space<hbm>>) dst(%dma_wait3A_1296 : memref<400x64xf32, #tpu.memory_space<vmem>>)
      %sub3A_1300 = arith.constant 2 : i32
      %sub3A_1301 = arith.subi %add3A_1281, %sub3A_1300 : i32
      %mul3A_1302 = arith.constant 2 : i32
      %mul3A_1303 = arith.muli %sub3A_1301, %mul3A_1302 : i32
      %add3A_1304 = arith.addi %mul3A_4, %mul3A_1303 : i32
      %add3A_1305 = arith.constant 0 : i32
      %add3A_1306 = arith.addi %add3A_1304, %add3A_1305 : i32
      %dma_start3A_1307 = arith.constant 0 : i32
      %dma_start3A_1308 = arith.constant 0 : i32
      %dma_start3A_1309 = arith.constant 0 : i32
      %dma_start3A_1310 = arith.constant 0 : i32
      %dma_start3A_1311 = tpu.memref_slice %arg6[%dma_start3A_1307, %dma_start3A_1309, %dma_start3A_1310] : memref<4x400x64xf32, #tpu.memory_space<vmem>> -> memref<1x200x64xf32, #tpu.memory_space<vmem>>
      %dma_start3A_1312 = tpu.memref_squeeze %dma_start3A_1311 : memref<1x200x64xf32, #tpu.memory_space<vmem>> -> memref<200x64xf32, #tpu.memory_space<vmem>>
      %dma_start3A_1313 = arith.constant 0 : i32
      %dma_start3A_1314 = arith.constant 0 : i32
      %dma_start3A_1315 = tpu.memref_slice %arg4[%add3A_1306, %dma_start3A_1313, %dma_start3A_1314] : memref<16384x200x64xf32, #tpu.memory_space<hbm>> -> memref<1x200x64xf32, #tpu.memory_space<hbm>>
      %dma_start3A_1316 = tpu.memref_squeeze %dma_start3A_1315 : memref<1x200x64xf32, #tpu.memory_space<hbm>> -> memref<200x64xf32, #tpu.memory_space<hbm>>
      %dma_start3A_1317 = tpu.memref_slice %arg9[%dma_start3A_1308] : memref<4x!tpu.dma_semaphore, #tpu.memory_space<semaphore_mem>> -> memref<1x!tpu.dma_semaphore, #tpu.memory_space<semaphore_mem>>
      %dma_start3A_1318 = tpu.memref_squeeze %dma_start3A_1317 : memref<1x!tpu.dma_semaphore, #tpu.memory_space<semaphore_mem>> -> memref<!tpu.dma_semaphore, #tpu.memory_space<semaphore_mem>>
      %dma_start3A_1319 = arith.constant 0 : i32
      %dma_start3A_1320 = arith.constant 0 : i32
      %dma_start3A_1321 = tpu.memref_slice %arg4[%add3A_1306, %dma_start3A_1319, %dma_start3A_1320] : memref<16384x200x64xf32, #tpu.memory_space<hbm>> -> memref<1x200x64xf32, #tpu.memory_space<hbm>>
      %dma_start3A_1322 = tpu.memref_squeeze %dma_start3A_1321 : memref<1x200x64xf32, #tpu.memory_space<hbm>> -> memref<200x64xf32, #tpu.memory_space<hbm>>
      %dma_start3A_1323 = arith.constant 0 : i32
      %dma_start3A_1324 = arith.constant 0 : i32
      %dma_start3A_1325 = tpu.memref_slice %arg6[%dma_start3A_1307, %dma_start3A_1323, %dma_start3A_1324] : memref<4x400x64xf32, #tpu.memory_space<vmem>> -> memref<1x200x64xf32, #tpu.memory_space<vmem>>
      %dma_start3A_1326 = tpu.memref_squeeze %dma_start3A_1325 : memref<1x200x64xf32, #tpu.memory_space<vmem>> -> memref<200x64xf32, #tpu.memory_space<vmem>>
      tpu.enqueue_dma source(%dma_start3A_1326 : memref<200x64xf32, #tpu.memory_space<vmem>>) target(%dma_start3A_1322 : memref<200x64xf32, #tpu.memory_space<hbm>>) target_semaphore(%dma_start3A_1318 : memref<!tpu.dma_semaphore, #tpu.memory_space<semaphore_mem>>)
      %add3A_1327 = arith.constant 1 : i32
      %add3A_1328 = arith.addi %add3A_1304, %add3A_1327 : i32
      %dma_start3A_1329 = arith.constant 0 : i32
      %dma_start3A_1330 = arith.constant 0 : i32
      %dma_start3A_1331 = arith.constant 200 : i32
      %dma_start3A_1332 = arith.constant 0 : i32
      %dma_start3A_1333 = tpu.memref_slice %arg6[%dma_start3A_1329, %dma_start3A_1331, %dma_start3A_1332] : memref<4x400x64xf32, #tpu.memory_space<vmem>> -> memref<1x200x64xf32, #tpu.memory_space<vmem>>
      %dma_start3A_1334 = tpu.memref_squeeze %dma_start3A_1333 : memref<1x200x64xf32, #tpu.memory_space<vmem>> -> memref<200x64xf32, #tpu.memory_space<vmem>>
      %dma_start3A_1335 = arith.constant 0 : i32
      %dma_start3A_1336 = arith.constant 0 : i32
      %dma_start3A_1337 = tpu.memref_slice %arg4[%add3A_1328, %dma_start3A_1335, %dma_start3A_1336] : memref<16384x200x64xf32, #tpu.memory_space<hbm>> -> memref<1x200x64xf32, #tpu.memory_space<hbm>>
      %dma_start3A_1338 = tpu.memref_squeeze %dma_start3A_1337 : memref<1x200x64xf32, #tpu.memory_space<hbm>> -> memref<200x64xf32, #tpu.memory_space<hbm>>
      %dma_start3A_1339 = tpu.memref_slice %arg9[%dma_start3A_1330] : memref<4x!tpu.dma_semaphore, #tpu.memory_space<semaphore_mem>> -> memref<1x!tpu.dma_semaphore, #tpu.memory_space<semaphore_mem>>
      %dma_start3A_1340 = tpu.memref_squeeze %dma_start3A_1339 : memref<1x!tpu.dma_semaphore, #tpu.memory_space<semaphore_mem>> -> memref<!tpu.dma_semaphore, #tpu.memory_space<semaphore_mem>>
      %dma_start3A_1341 = arith.constant 0 : i32
      %dma_start3A_1342 = arith.constant 0 : i32
      %dma_start3A_1343 = tpu.memref_slice %arg4[%add3A_1328, %dma_start3A_1341, %dma_start3A_1342] : memref<16384x200x64xf32, #tpu.memory_space<hbm>> -> memref<1x200x64xf32, #tpu.memory_space<hbm>>
      %dma_start3A_1344 = tpu.memref_squeeze %dma_start3A_1343 : memref<1x200x64xf32, #tpu.memory_space<hbm>> -> memref<200x64xf32, #tpu.memory_space<hbm>>
      %dma_start3A_1345 = arith.constant 200 : i32
      %dma_start3A_1346 = arith.constant 0 : i32
      %dma_start3A_1347 = tpu.memref_slice %arg6[%dma_start3A_1329, %dma_start3A_1345, %dma_start3A_1346] : memref<4x400x64xf32, #tpu.memory_space<vmem>> -> memref<1x200x64xf32, #tpu.memory_space<vmem>>
      %dma_start3A_1348 = tpu.memref_squeeze %dma_start3A_1347 : memref<1x200x64xf32, #tpu.memory_space<vmem>> -> memref<200x64xf32, #tpu.memory_space<vmem>>
      tpu.enqueue_dma source(%dma_start3A_1348 : memref<200x64xf32, #tpu.memory_space<vmem>>) target(%dma_start3A_1344 : memref<200x64xf32, #tpu.memory_space<hbm>>) target_semaphore(%dma_start3A_1340 : memref<!tpu.dma_semaphore, #tpu.memory_space<semaphore_mem>>)
      %sub3A_1349 = arith.constant 2 : i32
      %sub3A_1350 = arith.subi %add3A_1281, %sub3A_1349 : i32
      %add3A_1351 = arith.constant 4 : i32
      %add3A_1352 = arith.addi %sub3A_1350, %add3A_1351 : i32
      %mul3A_1353 = arith.constant 400 : i32
      %mul3A_1354 = arith.muli %add3A_1352, %mul3A_1353 : i32
      %add3A_1355 = arith.addi %mul3A_2, %mul3A_1354 : i32
      %dma_start3A_1356 = arith.constant 0 : i32
      %dma_start3A_1357 = arith.constant 0 : i32
      %dma_start3A_1358 = arith.constant 0 : i32
      %dma_start3A_1359 = tpu.memref_slice %arg5[%dma_start3A_1356, %dma_start3A_1358] : memref<4x400xi32, #tpu.memory_space<vmem>> -> memref<1x400xi32, #tpu.memory_space<vmem>>
      %dma_start3A_1360 = tpu.memref_squeeze %dma_start3A_1359 : memref<1x400xi32, #tpu.memory_space<vmem>> -> memref<400xi32, #tpu.memory_space<vmem>>
      %dma_start3A_1361 = tpu.memref_slice %arg3[%add3A_1355] : memref<3276800xi32, #tpu.memory_space<hbm>> -> memref<400xi32, #tpu.memory_space<hbm>>
      %dma_start3A_1362 = tpu.memref_slice %arg7[%dma_start3A_1357] : memref<4x!tpu.dma_semaphore, #tpu.memory_space<semaphore_mem>> -> memref<1x!tpu.dma_semaphore, #tpu.memory_space<semaphore_mem>>
      %dma_start3A_1363 = tpu.memref_squeeze %dma_start3A_1362 : memref<1x!tpu.dma_semaphore, #tpu.memory_space<semaphore_mem>> -> memref<!tpu.dma_semaphore, #tpu.memory_space<semaphore_mem>>
      %dma_start3A_1364 = arith.constant 0 : i32
      %dma_start3A_1365 = tpu.memref_slice %arg5[%dma_start3A_1356, %dma_start3A_1364] : memref<4x400xi32, #tpu.memory_space<vmem>> -> memref<1x400xi32, #tpu.memory_space<vmem>>
      %dma_start3A_1366 = tpu.memref_squeeze %dma_start3A_1365 : memref<1x400xi32, #tpu.memory_space<vmem>> -> memref<400xi32, #tpu.memory_space<vmem>>
      %dma_start3A_1367 = tpu.memref_slice %arg3[%add3A_1355] : memref<3276800xi32, #tpu.memory_space<hbm>> -> memref<400xi32, #tpu.memory_space<hbm>>
      tpu.enqueue_dma source(%dma_start3A_1367 : memref<400xi32, #tpu.memory_space<hbm>>) target(%dma_start3A_1366 : memref<400xi32, #tpu.memory_space<vmem>>) target_semaphore(%dma_start3A_1363 : memref<!tpu.dma_semaphore, #tpu.memory_space<semaphore_mem>>)
      %dma_wait3A_1368 = arith.constant 2 : i32
      %dma_wait3A_1369 = arith.constant 2 : i32
      %dma_wait3A_1370 = arith.constant 0 : i32
      %dma_wait3A_1371 = tpu.memref_slice %arg5[%dma_wait3A_1368, %dma_wait3A_1370] : memref<4x400xi32, #tpu.memory_space<vmem>> -> memref<1x400xi32, #tpu.memory_space<vmem>>
      %dma_wait3A_1372 = tpu.memref_squeeze %dma_wait3A_1371 : memref<1x400xi32, #tpu.memory_space<vmem>> -> memref<400xi32, #tpu.memory_space<vmem>>
      %dma_wait3A_1373 = arith.constant 0 : i32
      %dma_wait3A_1374 = tpu.memref_slice %arg3[%dma_wait3A_1373] : memref<3276800xi32, #tpu.memory_space<hbm>> -> memref<400xi32, #tpu.memory_space<hbm>>
      %dma_wait3A_1375 = tpu.memref_slice %arg7[%dma_wait3A_1369] : memref<4x!tpu.dma_semaphore, #tpu.memory_space<semaphore_mem>> -> memref<1x!tpu.dma_semaphore, #tpu.memory_space<semaphore_mem>>
      %dma_wait3A_1376 = tpu.memref_squeeze %dma_wait3A_1375 : memref<1x!tpu.dma_semaphore, #tpu.memory_space<semaphore_mem>> -> memref<!tpu.dma_semaphore, #tpu.memory_space<semaphore_mem>>
      %dma_wait3A_1377 = arith.constant 0 : i32
      %dma_wait3A_1378 = tpu.memref_slice %arg5[%dma_wait3A_1368, %dma_wait3A_1377] : memref<4x400xi32, #tpu.memory_space<vmem>> -> memref<1x400xi32, #tpu.memory_space<vmem>>
      %dma_wait3A_1379 = tpu.memref_squeeze %dma_wait3A_1378 : memref<1x400xi32, #tpu.memory_space<vmem>> -> memref<400xi32, #tpu.memory_space<vmem>>
      %dma_wait3A_1380 = arith.constant 0 : i32
      %dma_wait3A_1381 = tpu.memref_slice %arg3[%dma_wait3A_1380] : memref<3276800xi32, #tpu.memory_space<hbm>> -> memref<400xi32, #tpu.memory_space<hbm>>
      tpu.wait_dma2 semaphore(%dma_wait3A_1376 : memref<!tpu.dma_semaphore, #tpu.memory_space<semaphore_mem>>) src(%dma_wait3A_1381 : memref<400xi32, #tpu.memory_space<hbm>>) dst(%dma_wait3A_1379 : memref<400xi32, #tpu.memory_space<vmem>>)
      %dma_wait3A_1382 = arith.constant 2 : i32
      %dma_wait3A_1383 = arith.constant 2 : i32
      %dma_wait3A_1384 = arith.constant 0 : i32
      %dma_wait3A_1385 = arith.constant 0 : i32
      %dma_wait3A_1386 = tpu.memref_slice %arg6[%dma_wait3A_1382, %dma_wait3A_1384, %dma_wait3A_1385] : memref<4x400x64xf32, #tpu.memory_space<vmem>> -> memref<1x400x64xf32, #tpu.memory_space<vmem>>
      %dma_wait3A_1387 = tpu.memref_squeeze %dma_wait3A_1386 : memref<1x400x64xf32, #tpu.memory_space<vmem>> -> memref<400x64xf32, #tpu.memory_space<vmem>>
      %dma_wait3A_1388 = arith.constant 0 : i32
      %dma_wait3A_1389 = arith.constant 0 : i32
      %dma_wait3A_1390 = tpu.memref_slice %arg2[%dma_wait3A_1388, %dma_wait3A_1389] : memref<8192x64xf32, #tpu.memory_space<hbm>> -> memref<400x64xf32, #tpu.memory_space<hbm>>
      %dma_wait3A_1391 = tpu.memref_slice %arg9[%dma_wait3A_1383] : memref<4x!tpu.dma_semaphore, #tpu.memory_space<semaphore_mem>> -> memref<1x!tpu.dma_semaphore, #tpu.memory_space<semaphore_mem>>
      %dma_wait3A_1392 = tpu.memref_squeeze %dma_wait3A_1391 : memref<1x!tpu.dma_semaphore, #tpu.memory_space<semaphore_mem>> -> memref<!tpu.dma_semaphore, #tpu.memory_space<semaphore_mem>>
      %dma_wait3A_1393 = arith.constant 0 : i32
      %dma_wait3A_1394 = arith.constant 0 : i32
      %dma_wait3A_1395 = tpu.memref_slice %arg6[%dma_wait3A_1382, %dma_wait3A_1393, %dma_wait3A_1394] : memref<4x400x64xf32, #tpu.memory_space<vmem>> -> memref<1x400x64xf32, #tpu.memory_space<vmem>>
      %dma_wait3A_1396 = tpu.memref_squeeze %dma_wait3A_1395 : memref<1x400x64xf32, #tpu.memory_space<vmem>> -> memref<400x64xf32, #tpu.memory_space<vmem>>
      %dma_wait3A_1397 = arith.constant 0 : i32
      %dma_wait3A_1398 = arith.constant 0 : i32
      %dma_wait3A_1399 = tpu.memref_slice %arg2[%dma_wait3A_1397, %dma_wait3A_1398] : memref<8192x64xf32, #tpu.memory_space<hbm>> -> memref<400x64xf32, #tpu.memory_space<hbm>>
      tpu.wait_dma2 semaphore(%dma_wait3A_1392 : memref<!tpu.dma_semaphore, #tpu.memory_space<semaphore_mem>>) src(%dma_wait3A_1399 : memref<400x64xf32, #tpu.memory_space<hbm>>) dst(%dma_wait3A_1396 : memref<400x64xf32, #tpu.memory_space<vmem>>)
      %dma_start3A_1400 = arith.constant 2 : i32
      %dma_start3A_1401 = arith.constant 2 : i32
      %dma_start3A_1402 = arith.constant 2 : i32
      %dma_start3A_1403 = arith.constant 0 : i32
      %dma_start3A_1404 = arith.constant 0 : i32
      %dma_start3A_1405 = tpu.memref_slice %arg6[%dma_start3A_1401, %dma_start3A_1403, %dma_start3A_1404] : memref<4x400x64xf32, #tpu.memory_space<vmem>> -> memref<1x400x64xf32, #tpu.memory_space<vmem>>
      %dma_start3A_1406 = tpu.memref_squeeze %dma_start3A_1405 : memref<1x400x64xf32, #tpu.memory_space<vmem>> -> memref<400x64xf32, #tpu.memory_space<vmem>>
      %dma_start3A_1407 = arith.constant 0 : i32
      %dma_start3A_1408 = tpu.memref_slice %arg5[%dma_start3A_1400, %dma_start3A_1407] : memref<4x400xi32, #tpu.memory_space<vmem>> -> memref<1x400xi32, #tpu.memory_space<vmem>>
      %dma_start3A_1409 = tpu.memref_squeeze %dma_start3A_1408 : memref<1x400xi32, #tpu.memory_space<vmem>> -> memref<400xi32, #tpu.memory_space<vmem>>
      %dma_start3A_1410 = arith.constant 0 : i32
      %dma_start3A_1411 = arith.constant 0 : i32
      %dma_start3A_1412 = tpu.memref_slice %arg2[%dma_start3A_1410, %dma_start3A_1411] : memref<8192x64xf32, #tpu.memory_space<hbm>> -> memref<8192x64xf32, #tpu.memory_space<hbm>>
      %dma_start3A_1413 = tpu.memref_slice %arg8[%dma_start3A_1402] : memref<4x!tpu.dma_semaphore, #tpu.memory_space<semaphore_mem>> -> memref<1x!tpu.dma_semaphore, #tpu.memory_space<semaphore_mem>>
      %dma_start3A_1414 = tpu.memref_squeeze %dma_start3A_1413 : memref<1x!tpu.dma_semaphore, #tpu.memory_space<semaphore_mem>> -> memref<!tpu.dma_semaphore, #tpu.memory_space<semaphore_mem>>
      tpu.enqueue_indirect_dma source(%dma_start3A_1412 : memref<8192x64xf32, #tpu.memory_space<hbm>>) target(%dma_start3A_1406 : memref<400x64xf32, #tpu.memory_space<vmem>>) offsets(%dma_start3A_1409 : memref<400xi32, #tpu.memory_space<vmem>>) semaphore(%dma_start3A_1414 : memref<!tpu.dma_semaphore, #tpu.memory_space<semaphore_mem>>)
      %add3A_1415 = arith.constant 3 : i32
      %add3A_1416 = arith.addi %mul3A_1010, %add3A_1415 : i32
      %dma_wait3A_1417 = arith.constant 1 : i32
      %dma_wait3A_1418 = arith.constant 1 : i32
      %dma_wait3A_1419 = arith.constant 0 : i32
      %dma_wait3A_1420 = arith.constant 0 : i32
      %dma_wait3A_1421 = tpu.memref_slice %arg6[%dma_wait3A_1417, %dma_wait3A_1419, %dma_wait3A_1420] : memref<4x400x64xf32, #tpu.memory_space<vmem>> -> memref<1x400x64xf32, #tpu.memory_space<vmem>>
      %dma_wait3A_1422 = tpu.memref_squeeze %dma_wait3A_1421 : memref<1x400x64xf32, #tpu.memory_space<vmem>> -> memref<400x64xf32, #tpu.memory_space<vmem>>
      %dma_wait3A_1423 = arith.constant 0 : i32
      %dma_wait3A_1424 = arith.constant 0 : i32
      %dma_wait3A_1425 = tpu.memref_slice %arg2[%dma_wait3A_1423, %dma_wait3A_1424] : memref<8192x64xf32, #tpu.memory_space<hbm>> -> memref<400x64xf32, #tpu.memory_space<hbm>>
      %dma_wait3A_1426 = tpu.memref_slice %arg8[%dma_wait3A_1418] : memref<4x!tpu.dma_semaphore, #tpu.memory_space<semaphore_mem>> -> memref<1x!tpu.dma_semaphore, #tpu.memory_space<semaphore_mem>>
      %dma_wait3A_1427 = tpu.memref_squeeze %dma_wait3A_1426 : memref<1x!tpu.dma_semaphore, #tpu.memory_space<semaphore_mem>> -> memref<!tpu.dma_semaphore, #tpu.memory_space<semaphore_mem>>
      %dma_wait3A_1428 = arith.constant 0 : i32
      %dma_wait3A_1429 = arith.constant 0 : i32
      %dma_wait3A_1430 = tpu.memref_slice %arg6[%dma_wait3A_1417, %dma_wait3A_1428, %dma_wait3A_1429] : memref<4x400x64xf32, #tpu.memory_space<vmem>> -> memref<1x400x64xf32, #tpu.memory_space<vmem>>
      %dma_wait3A_1431 = tpu.memref_squeeze %dma_wait3A_1430 : memref<1x400x64xf32, #tpu.memory_space<vmem>> -> memref<400x64xf32, #tpu.memory_space<vmem>>
      %dma_wait3A_1432 = arith.constant 0 : i32
      %dma_wait3A_1433 = arith.constant 0 : i32
      %dma_wait3A_1434 = tpu.memref_slice %arg2[%dma_wait3A_1432, %dma_wait3A_1433] : memref<8192x64xf32, #tpu.memory_space<hbm>> -> memref<400x64xf32, #tpu.memory_space<hbm>>
      tpu.wait_dma2 semaphore(%dma_wait3A_1427 : memref<!tpu.dma_semaphore, #tpu.memory_space<semaphore_mem>>) src(%dma_wait3A_1434 : memref<400x64xf32, #tpu.memory_space<hbm>>) dst(%dma_wait3A_1431 : memref<400x64xf32, #tpu.memory_space<vmem>>)
      %sub3A_1435 = arith.constant 2 : i32
      %sub3A_1436 = arith.subi %add3A_1416, %sub3A_1435 : i32
      %mul3A_1437 = arith.constant 2 : i32
      %mul3A_1438 = arith.muli %sub3A_1436, %mul3A_1437 : i32
      %add3A_1439 = arith.addi %mul3A_4, %mul3A_1438 : i32
      %add3A_1440 = arith.constant 0 : i32
      %add3A_1441 = arith.addi %add3A_1439, %add3A_1440 : i32
      %dma_start3A_1442 = arith.constant 1 : i32
      %dma_start3A_1443 = arith.constant 1 : i32
      %dma_start3A_1444 = arith.constant 0 : i32
      %dma_start3A_1445 = arith.constant 0 : i32
      %dma_start3A_1446 = tpu.memref_slice %arg6[%dma_start3A_1442, %dma_start3A_1444, %dma_start3A_1445] : memref<4x400x64xf32, #tpu.memory_space<vmem>> -> memref<1x200x64xf32, #tpu.memory_space<vmem>>
      %dma_start3A_1447 = tpu.memref_squeeze %dma_start3A_1446 : memref<1x200x64xf32, #tpu.memory_space<vmem>> -> memref<200x64xf32, #tpu.memory_space<vmem>>
      %dma_start3A_1448 = arith.constant 0 : i32
      %dma_start3A_1449 = arith.constant 0 : i32
      %dma_start3A_1450 = tpu.memref_slice %arg4[%add3A_1441, %dma_start3A_1448, %dma_start3A_1449] : memref<16384x200x64xf32, #tpu.memory_space<hbm>> -> memref<1x200x64xf32, #tpu.memory_space<hbm>>
      %dma_start3A_1451 = tpu.memref_squeeze %dma_start3A_1450 : memref<1x200x64xf32, #tpu.memory_space<hbm>> -> memref<200x64xf32, #tpu.memory_space<hbm>>
      %dma_start3A_1452 = tpu.memref_slice %arg9[%dma_start3A_1443] : memref<4x!tpu.dma_semaphore, #tpu.memory_space<semaphore_mem>> -> memref<1x!tpu.dma_semaphore, #tpu.memory_space<semaphore_mem>>
      %dma_start3A_1453 = tpu.memref_squeeze %dma_start3A_1452 : memref<1x!tpu.dma_semaphore, #tpu.memory_space<semaphore_mem>> -> memref<!tpu.dma_semaphore, #tpu.memory_space<semaphore_mem>>
      %dma_start3A_1454 = arith.constant 0 : i32
      %dma_start3A_1455 = arith.constant 0 : i32
      %dma_start3A_1456 = tpu.memref_slice %arg4[%add3A_1441, %dma_start3A_1454, %dma_start3A_1455] : memref<16384x200x64xf32, #tpu.memory_space<hbm>> -> memref<1x200x64xf32, #tpu.memory_space<hbm>>
      %dma_start3A_1457 = tpu.memref_squeeze %dma_start3A_1456 : memref<1x200x64xf32, #tpu.memory_space<hbm>> -> memref<200x64xf32, #tpu.memory_space<hbm>>
      %dma_start3A_1458 = arith.constant 0 : i32
      %dma_start3A_1459 = arith.constant 0 : i32
      %dma_start3A_1460 = tpu.memref_slice %arg6[%dma_start3A_1442, %dma_start3A_1458, %dma_start3A_1459] : memref<4x400x64xf32, #tpu.memory_space<vmem>> -> memref<1x200x64xf32, #tpu.memory_space<vmem>>
      %dma_start3A_1461 = tpu.memref_squeeze %dma_start3A_1460 : memref<1x200x64xf32, #tpu.memory_space<vmem>> -> memref<200x64xf32, #tpu.memory_space<vmem>>
      tpu.enqueue_dma source(%dma_start3A_1461 : memref<200x64xf32, #tpu.memory_space<vmem>>) target(%dma_start3A_1457 : memref<200x64xf32, #tpu.memory_space<hbm>>) target_semaphore(%dma_start3A_1453 : memref<!tpu.dma_semaphore, #tpu.memory_space<semaphore_mem>>)
      %add3A_1462 = arith.constant 1 : i32
      %add3A_1463 = arith.addi %add3A_1439, %add3A_1462 : i32
      %dma_start3A_1464 = arith.constant 1 : i32
      %dma_start3A_1465 = arith.constant 1 : i32
      %dma_start3A_1466 = arith.constant 200 : i32
      %dma_start3A_1467 = arith.constant 0 : i32
      %dma_start3A_1468 = tpu.memref_slice %arg6[%dma_start3A_1464, %dma_start3A_1466, %dma_start3A_1467] : memref<4x400x64xf32, #tpu.memory_space<vmem>> -> memref<1x200x64xf32, #tpu.memory_space<vmem>>
      %dma_start3A_1469 = tpu.memref_squeeze %dma_start3A_1468 : memref<1x200x64xf32, #tpu.memory_space<vmem>> -> memref<200x64xf32, #tpu.memory_space<vmem>>
      %dma_start3A_1470 = arith.constant 0 : i32
      %dma_start3A_1471 = arith.constant 0 : i32
      %dma_start3A_1472 = tpu.memref_slice %arg4[%add3A_1463, %dma_start3A_1470, %dma_start3A_1471] : memref<16384x200x64xf32, #tpu.memory_space<hbm>> -> memref<1x200x64xf32, #tpu.memory_space<hbm>>
      %dma_start3A_1473 = tpu.memref_squeeze %dma_start3A_1472 : memref<1x200x64xf32, #tpu.memory_space<hbm>> -> memref<200x64xf32, #tpu.memory_space<hbm>>
      %dma_start3A_1474 = tpu.memref_slice %arg9[%dma_start3A_1465] : memref<4x!tpu.dma_semaphore, #tpu.memory_space<semaphore_mem>> -> memref<1x!tpu.dma_semaphore, #tpu.memory_space<semaphore_mem>>
      %dma_start3A_1475 = tpu.memref_squeeze %dma_start3A_1474 : memref<1x!tpu.dma_semaphore, #tpu.memory_space<semaphore_mem>> -> memref<!tpu.dma_semaphore, #tpu.memory_space<semaphore_mem>>
      %dma_start3A_1476 = arith.constant 0 : i32
      %dma_start3A_1477 = arith.constant 0 : i32
      %dma_start3A_1478 = tpu.memref_slice %arg4[%add3A_1463, %dma_start3A_1476, %dma_start3A_1477] : memref<16384x200x64xf32, #tpu.memory_space<hbm>> -> memref<1x200x64xf32, #tpu.memory_space<hbm>>
      %dma_start3A_1479 = tpu.memref_squeeze %dma_start3A_1478 : memref<1x200x64xf32, #tpu.memory_space<hbm>> -> memref<200x64xf32, #tpu.memory_space<hbm>>
      %dma_start3A_1480 = arith.constant 200 : i32
      %dma_start3A_1481 = arith.constant 0 : i32
      %dma_start3A_1482 = tpu.memref_slice %arg6[%dma_start3A_1464, %dma_start3A_1480, %dma_start3A_1481] : memref<4x400x64xf32, #tpu.memory_space<vmem>> -> memref<1x200x64xf32, #tpu.memory_space<vmem>>
      %dma_start3A_1483 = tpu.memref_squeeze %dma_start3A_1482 : memref<1x200x64xf32, #tpu.memory_space<vmem>> -> memref<200x64xf32, #tpu.memory_space<vmem>>
      tpu.enqueue_dma source(%dma_start3A_1483 : memref<200x64xf32, #tpu.memory_space<vmem>>) target(%dma_start3A_1479 : memref<200x64xf32, #tpu.memory_space<hbm>>) target_semaphore(%dma_start3A_1475 : memref<!tpu.dma_semaphore, #tpu.memory_space<semaphore_mem>>)
      %sub3A_1484 = arith.constant 2 : i32
      %sub3A_1485 = arith.subi %add3A_1416, %sub3A_1484 : i32
      %add3A_1486 = arith.constant 4 : i32
      %add3A_1487 = arith.addi %sub3A_1485, %add3A_1486 : i32
      %mul3A_1488 = arith.constant 400 : i32
      %mul3A_1489 = arith.muli %add3A_1487, %mul3A_1488 : i32
      %add3A_1490 = arith.addi %mul3A_2, %mul3A_1489 : i32
      %dma_start3A_1491 = arith.constant 1 : i32
      %dma_start3A_1492 = arith.constant 1 : i32
      %dma_start3A_1493 = arith.constant 0 : i32
      %dma_start3A_1494 = tpu.memref_slice %arg5[%dma_start3A_1491, %dma_start3A_1493] : memref<4x400xi32, #tpu.memory_space<vmem>> -> memref<1x400xi32, #tpu.memory_space<vmem>>
      %dma_start3A_1495 = tpu.memref_squeeze %dma_start3A_1494 : memref<1x400xi32, #tpu.memory_space<vmem>> -> memref<400xi32, #tpu.memory_space<vmem>>
      %dma_start3A_1496 = tpu.memref_slice %arg3[%add3A_1490] : memref<3276800xi32, #tpu.memory_space<hbm>> -> memref<400xi32, #tpu.memory_space<hbm>>
      %dma_start3A_1497 = tpu.memref_slice %arg7[%dma_start3A_1492] : memref<4x!tpu.dma_semaphore, #tpu.memory_space<semaphore_mem>> -> memref<1x!tpu.dma_semaphore, #tpu.memory_space<semaphore_mem>>
      %dma_start3A_1498 = tpu.memref_squeeze %dma_start3A_1497 : memref<1x!tpu.dma_semaphore, #tpu.memory_space<semaphore_mem>> -> memref<!tpu.dma_semaphore, #tpu.memory_space<semaphore_mem>>
      %dma_start3A_1499 = arith.constant 0 : i32
      %dma_start3A_1500 = tpu.memref_slice %arg5[%dma_start3A_1491, %dma_start3A_1499] : memref<4x400xi32, #tpu.memory_space<vmem>> -> memref<1x400xi32, #tpu.memory_space<vmem>>
      %dma_start3A_1501 = tpu.memref_squeeze %dma_start3A_1500 : memref<1x400xi32, #tpu.memory_space<vmem>> -> memref<400xi32, #tpu.memory_space<vmem>>
      %dma_start3A_1502 = tpu.memref_slice %arg3[%add3A_1490] : memref<3276800xi32, #tpu.memory_space<hbm>> -> memref<400xi32, #tpu.memory_space<hbm>>
      tpu.enqueue_dma source(%dma_start3A_1502 : memref<400xi32, #tpu.memory_space<hbm>>) target(%dma_start3A_1501 : memref<400xi32, #tpu.memory_space<vmem>>) target_semaphore(%dma_start3A_1498 : memref<!tpu.dma_semaphore, #tpu.memory_space<semaphore_mem>>)
      %dma_wait3A_1503 = arith.constant 3 : i32
      %dma_wait3A_1504 = arith.constant 3 : i32
      %dma_wait3A_1505 = arith.constant 0 : i32
      %dma_wait3A_1506 = tpu.memref_slice %arg5[%dma_wait3A_1503, %dma_wait3A_1505] : memref<4x400xi32, #tpu.memory_space<vmem>> -> memref<1x400xi32, #tpu.memory_space<vmem>>
      %dma_wait3A_1507 = tpu.memref_squeeze %dma_wait3A_1506 : memref<1x400xi32, #tpu.memory_space<vmem>> -> memref<400xi32, #tpu.memory_space<vmem>>
      %dma_wait3A_1508 = arith.constant 0 : i32
      %dma_wait3A_1509 = tpu.memref_slice %arg3[%dma_wait3A_1508] : memref<3276800xi32, #tpu.memory_space<hbm>> -> memref<400xi32, #tpu.memory_space<hbm>>
      %dma_wait3A_1510 = tpu.memref_slice %arg7[%dma_wait3A_1504] : memref<4x!tpu.dma_semaphore, #tpu.memory_space<semaphore_mem>> -> memref<1x!tpu.dma_semaphore, #tpu.memory_space<semaphore_mem>>
      %dma_wait3A_1511 = tpu.memref_squeeze %dma_wait3A_1510 : memref<1x!tpu.dma_semaphore, #tpu.memory_space<semaphore_mem>> -> memref<!tpu.dma_semaphore, #tpu.memory_space<semaphore_mem>>
      %dma_wait3A_1512 = arith.constant 0 : i32
      %dma_wait3A_1513 = tpu.memref_slice %arg5[%dma_wait3A_1503, %dma_wait3A_1512] : memref<4x400xi32, #tpu.memory_space<vmem>> -> memref<1x400xi32, #tpu.memory_space<vmem>>
      %dma_wait3A_1514 = tpu.memref_squeeze %dma_wait3A_1513 : memref<1x400xi32, #tpu.memory_space<vmem>> -> memref<400xi32, #tpu.memory_space<vmem>>
      %dma_wait3A_1515 = arith.constant 0 : i32
      %dma_wait3A_1516 = tpu.memref_slice %arg3[%dma_wait3A_1515] : memref<3276800xi32, #tpu.memory_space<hbm>> -> memref<400xi32, #tpu.memory_space<hbm>>
      tpu.wait_dma2 semaphore(%dma_wait3A_1511 : memref<!tpu.dma_semaphore, #tpu.memory_space<semaphore_mem>>) src(%dma_wait3A_1516 : memref<400xi32, #tpu.memory_space<hbm>>) dst(%dma_wait3A_1514 : memref<400xi32, #tpu.memory_space<vmem>>)
      %dma_wait3A_1517 = arith.constant 3 : i32
      %dma_wait3A_1518 = arith.constant 3 : i32
      %dma_wait3A_1519 = arith.constant 0 : i32
      %dma_wait3A_1520 = arith.constant 0 : i32
      %dma_wait3A_1521 = tpu.memref_slice %arg6[%dma_wait3A_1517, %dma_wait3A_1519, %dma_wait3A_1520] : memref<4x400x64xf32, #tpu.memory_space<vmem>> -> memref<1x400x64xf32, #tpu.memory_space<vmem>>
      %dma_wait3A_1522 = tpu.memref_squeeze %dma_wait3A_1521 : memref<1x400x64xf32, #tpu.memory_space<vmem>> -> memref<400x64xf32, #tpu.memory_space<vmem>>
      %dma_wait3A_1523 = arith.constant 0 : i32
      %dma_wait3A_1524 = arith.constant 0 : i32
      %dma_wait3A_1525 = tpu.memref_slice %arg2[%dma_wait3A_1523, %dma_wait3A_1524] : memref<8192x64xf32, #tpu.memory_space<hbm>> -> memref<400x64xf32, #tpu.memory_space<hbm>>
      %dma_wait3A_1526 = tpu.memref_slice %arg9[%dma_wait3A_1518] : memref<4x!tpu.dma_semaphore, #tpu.memory_space<semaphore_mem>> -> memref<1x!tpu.dma_semaphore, #tpu.memory_space<semaphore_mem>>
      %dma_wait3A_1527 = tpu.memref_squeeze %dma_wait3A_1526 : memref<1x!tpu.dma_semaphore, #tpu.memory_space<semaphore_mem>> -> memref<!tpu.dma_semaphore, #tpu.memory_space<semaphore_mem>>
      %dma_wait3A_1528 = arith.constant 0 : i32
      %dma_wait3A_1529 = arith.constant 0 : i32
      %dma_wait3A_1530 = tpu.memref_slice %arg6[%dma_wait3A_1517, %dma_wait3A_1528, %dma_wait3A_1529] : memref<4x400x64xf32, #tpu.memory_space<vmem>> -> memref<1x400x64xf32, #tpu.memory_space<vmem>>
      %dma_wait3A_1531 = tpu.memref_squeeze %dma_wait3A_1530 : memref<1x400x64xf32, #tpu.memory_space<vmem>> -> memref<400x64xf32, #tpu.memory_space<vmem>>
      %dma_wait3A_1532 = arith.constant 0 : i32
      %dma_wait3A_1533 = arith.constant 0 : i32
      %dma_wait3A_1534 = tpu.memref_slice %arg2[%dma_wait3A_1532, %dma_wait3A_1533] : memref<8192x64xf32, #tpu.memory_space<hbm>> -> memref<400x64xf32, #tpu.memory_space<hbm>>
      tpu.wait_dma2 semaphore(%dma_wait3A_1527 : memref<!tpu.dma_semaphore, #tpu.memory_space<semaphore_mem>>) src(%dma_wait3A_1534 : memref<400x64xf32, #tpu.memory_space<hbm>>) dst(%dma_wait3A_1531 : memref<400x64xf32, #tpu.memory_space<vmem>>)
      %dma_start3A_1535 = arith.constant 3 : i32
      %dma_start3A_1536 = arith.constant 3 : i32
      %dma_start3A_1537 = arith.constant 3 : i32
      %dma_start3A_1538 = arith.constant 0 : i32
      %dma_start3A_1539 = arith.constant 0 : i32
      %dma_start3A_1540 = tpu.memref_slice %arg6[%dma_start3A_1536, %dma_start3A_1538, %dma_start3A_1539] : memref<4x400x64xf32, #tpu.memory_space<vmem>> -> memref<1x400x64xf32, #tpu.memory_space<vmem>>
      %dma_start3A_1541 = tpu.memref_squeeze %dma_start3A_1540 : memref<1x400x64xf32, #tpu.memory_space<vmem>> -> memref<400x64xf32, #tpu.memory_space<vmem>>
      %dma_start3A_1542 = arith.constant 0 : i32
      %dma_start3A_1543 = tpu.memref_slice %arg5[%dma_start3A_1535, %dma_start3A_1542] : memref<4x400xi32, #tpu.memory_space<vmem>> -> memref<1x400xi32, #tpu.memory_space<vmem>>
      %dma_start3A_1544 = tpu.memref_squeeze %dma_start3A_1543 : memref<1x400xi32, #tpu.memory_space<vmem>> -> memref<400xi32, #tpu.memory_space<vmem>>
      %dma_start3A_1545 = arith.constant 0 : i32
      %dma_start3A_1546 = arith.constant 0 : i32
      %dma_start3A_1547 = tpu.memref_slice %arg2[%dma_start3A_1545, %dma_start3A_1546] : memref<8192x64xf32, #tpu.memory_space<hbm>> -> memref<8192x64xf32, #tpu.memory_space<hbm>>
      %dma_start3A_1548 = tpu.memref_slice %arg8[%dma_start3A_1537] : memref<4x!tpu.dma_semaphore, #tpu.memory_space<semaphore_mem>> -> memref<1x!tpu.dma_semaphore, #tpu.memory_space<semaphore_mem>>
      %dma_start3A_1549 = tpu.memref_squeeze %dma_start3A_1548 : memref<1x!tpu.dma_semaphore, #tpu.memory_space<semaphore_mem>> -> memref<!tpu.dma_semaphore, #tpu.memory_space<semaphore_mem>>
      tpu.enqueue_indirect_dma source(%dma_start3A_1547 : memref<8192x64xf32, #tpu.memory_space<hbm>>) target(%dma_start3A_1541 : memref<400x64xf32, #tpu.memory_space<vmem>>) offsets(%dma_start3A_1544 : memref<400xi32, #tpu.memory_space<vmem>>) semaphore(%dma_start3A_1549 : memref<!tpu.dma_semaphore, #tpu.memory_space<semaphore_mem>>)
    }
    %scan3A_335 = arith.constant 62 : i32
    %dma_wait3A_336 = arith.constant 2 : i32
    %dma_wait3A_337 = arith.constant 2 : i32
    %dma_wait3A_338 = arith.constant 0 : i32
    %dma_wait3A_339 = arith.constant 0 : i32
    %dma_wait3A_340 = tpu.memref_slice %arg6[%dma_wait3A_336, %dma_wait3A_338, %dma_wait3A_339] : memref<4x400x64xf32, #tpu.memory_space<vmem>> -> memref<1x400x64xf32, #tpu.memory_space<vmem>>
    %dma_wait3A_341 = tpu.memref_squeeze %dma_wait3A_340 : memref<1x400x64xf32, #tpu.memory_space<vmem>> -> memref<400x64xf32, #tpu.memory_space<vmem>>
    %dma_wait3A_342 = arith.constant 0 : i32
    %dma_wait3A_343 = arith.constant 0 : i32
    %dma_wait3A_344 = tpu.memref_slice %arg2[%dma_wait3A_342, %dma_wait3A_343] : memref<8192x64xf32, #tpu.memory_space<hbm>> -> memref<400x64xf32, #tpu.memory_space<hbm>>
    %dma_wait3A_345 = tpu.memref_slice %arg8[%dma_wait3A_337] : memref<4x!tpu.dma_semaphore, #tpu.memory_space<semaphore_mem>> -> memref<1x!tpu.dma_semaphore, #tpu.memory_space<semaphore_mem>>
    %dma_wait3A_346 = tpu.memref_squeeze %dma_wait3A_345 : memref<1x!tpu.dma_semaphore, #tpu.memory_space<semaphore_mem>> -> memref<!tpu.dma_semaphore, #tpu.memory_space<semaphore_mem>>
    %dma_wait3A_347 = arith.constant 0 : i32
    %dma_wait3A_348 = arith.constant 0 : i32
    %dma_wait3A_349 = tpu.memref_slice %arg6[%dma_wait3A_336, %dma_wait3A_347, %dma_wait3A_348] : memref<4x400x64xf32, #tpu.memory_space<vmem>> -> memref<1x400x64xf32, #tpu.memory_space<vmem>>
    %dma_wait3A_350 = tpu.memref_squeeze %dma_wait3A_349 : memref<1x400x64xf32, #tpu.memory_space<vmem>> -> memref<400x64xf32, #tpu.memory_space<vmem>>
    %dma_wait3A_351 = arith.constant 0 : i32
    %dma_wait3A_352 = arith.constant 0 : i32
    %dma_wait3A_353 = tpu.memref_slice %arg2[%dma_wait3A_351, %dma_wait3A_352] : memref<8192x64xf32, #tpu.memory_space<hbm>> -> memref<400x64xf32, #tpu.memory_space<hbm>>
    tpu.wait_dma2 semaphore(%dma_wait3A_346 : memref<!tpu.dma_semaphore, #tpu.memory_space<semaphore_mem>>) src(%dma_wait3A_353 : memref<400x64xf32, #tpu.memory_space<hbm>>) dst(%dma_wait3A_350 : memref<400x64xf32, #tpu.memory_space<vmem>>)
    %add3A_354 = arith.constant 500 : i32
    %add3A_355 = arith.addi %mul3A_4, %add3A_354 : i32
    %add3A_356 = arith.constant 0 : i32
    %add3A_357 = arith.addi %add3A_355, %add3A_356 : i32
    %dma_start3A_358 = arith.constant 2 : i32
    %dma_start3A_359 = arith.constant 2 : i32
    %dma_start3A_360 = arith.constant 0 : i32
    %dma_start3A_361 = arith.constant 0 : i32
    %dma_start3A_362 = tpu.memref_slice %arg6[%dma_start3A_358, %dma_start3A_360, %dma_start3A_361] : memref<4x400x64xf32, #tpu.memory_space<vmem>> -> memref<1x200x64xf32, #tpu.memory_space<vmem>>
    %dma_start3A_363 = tpu.memref_squeeze %dma_start3A_362 : memref<1x200x64xf32, #tpu.memory_space<vmem>> -> memref<200x64xf32, #tpu.memory_space<vmem>>
    %dma_start3A_364 = arith.constant 0 : i32
    %dma_start3A_365 = arith.constant 0 : i32
    %dma_start3A_366 = tpu.memref_slice %arg4[%add3A_357, %dma_start3A_364, %dma_start3A_365] : memref<16384x200x64xf32, #tpu.memory_space<hbm>> -> memref<1x200x64xf32, #tpu.memory_space<hbm>>
    %dma_start3A_367 = tpu.memref_squeeze %dma_start3A_366 : memref<1x200x64xf32, #tpu.memory_space<hbm>> -> memref<200x64xf32, #tpu.memory_space<hbm>>
    %dma_start3A_368 = tpu.memref_slice %arg9[%dma_start3A_359] : memref<4x!tpu.dma_semaphore, #tpu.memory_space<semaphore_mem>> -> memref<1x!tpu.dma_semaphore, #tpu.memory_space<semaphore_mem>>
    %dma_start3A_369 = tpu.memref_squeeze %dma_start3A_368 : memref<1x!tpu.dma_semaphore, #tpu.memory_space<semaphore_mem>> -> memref<!tpu.dma_semaphore, #tpu.memory_space<semaphore_mem>>
    %dma_start3A_370 = arith.constant 0 : i32
    %dma_start3A_371 = arith.constant 0 : i32
    %dma_start3A_372 = tpu.memref_slice %arg4[%add3A_357, %dma_start3A_370, %dma_start3A_371] : memref<16384x200x64xf32, #tpu.memory_space<hbm>> -> memref<1x200x64xf32, #tpu.memory_space<hbm>>
    %dma_start3A_373 = tpu.memref_squeeze %dma_start3A_372 : memref<1x200x64xf32, #tpu.memory_space<hbm>> -> memref<200x64xf32, #tpu.memory_space<hbm>>
    %dma_start3A_374 = arith.constant 0 : i32
    %dma_start3A_375 = arith.constant 0 : i32
    %dma_start3A_376 = tpu.memref_slice %arg6[%dma_start3A_358, %dma_start3A_374, %dma_start3A_375] : memref<4x400x64xf32, #tpu.memory_space<vmem>> -> memref<1x200x64xf32, #tpu.memory_space<vmem>>
    %dma_start3A_377 = tpu.memref_squeeze %dma_start3A_376 : memref<1x200x64xf32, #tpu.memory_space<vmem>> -> memref<200x64xf32, #tpu.memory_space<vmem>>
    tpu.enqueue_dma source(%dma_start3A_377 : memref<200x64xf32, #tpu.memory_space<vmem>>) target(%dma_start3A_373 : memref<200x64xf32, #tpu.memory_space<hbm>>) target_semaphore(%dma_start3A_369 : memref<!tpu.dma_semaphore, #tpu.memory_space<semaphore_mem>>)
    %add3A_378 = arith.constant 1 : i32
    %add3A_379 = arith.addi %add3A_355, %add3A_378 : i32
    %dma_start3A_380 = arith.constant 2 : i32
    %dma_start3A_381 = arith.constant 2 : i32
    %dma_start3A_382 = arith.constant 200 : i32
    %dma_start3A_383 = arith.constant 0 : i32
    %dma_start3A_384 = tpu.memref_slice %arg6[%dma_start3A_380, %dma_start3A_382, %dma_start3A_383] : memref<4x400x64xf32, #tpu.memory_space<vmem>> -> memref<1x200x64xf32, #tpu.memory_space<vmem>>
    %dma_start3A_385 = tpu.memref_squeeze %dma_start3A_384 : memref<1x200x64xf32, #tpu.memory_space<vmem>> -> memref<200x64xf32, #tpu.memory_space<vmem>>
    %dma_start3A_386 = arith.constant 0 : i32
    %dma_start3A_387 = arith.constant 0 : i32
    %dma_start3A_388 = tpu.memref_slice %arg4[%add3A_379, %dma_start3A_386, %dma_start3A_387] : memref<16384x200x64xf32, #tpu.memory_space<hbm>> -> memref<1x200x64xf32, #tpu.memory_space<hbm>>
    %dma_start3A_389 = tpu.memref_squeeze %dma_start3A_388 : memref<1x200x64xf32, #tpu.memory_space<hbm>> -> memref<200x64xf32, #tpu.memory_space<hbm>>
    %dma_start3A_390 = tpu.memref_slice %arg9[%dma_start3A_381] : memref<4x!tpu.dma_semaphore, #tpu.memory_space<semaphore_mem>> -> memref<1x!tpu.dma_semaphore, #tpu.memory_space<semaphore_mem>>
    %dma_start3A_391 = tpu.memref_squeeze %dma_start3A_390 : memref<1x!tpu.dma_semaphore, #tpu.memory_space<semaphore_mem>> -> memref<!tpu.dma_semaphore, #tpu.memory_space<semaphore_mem>>
    %dma_start3A_392 = arith.constant 0 : i32
    %dma_start3A_393 = arith.constant 0 : i32
    %dma_start3A_394 = tpu.memref_slice %arg4[%add3A_379, %dma_start3A_392, %dma_start3A_393] : memref<16384x200x64xf32, #tpu.memory_space<hbm>> -> memref<1x200x64xf32, #tpu.memory_space<hbm>>
    %dma_start3A_395 = tpu.memref_squeeze %dma_start3A_394 : memref<1x200x64xf32, #tpu.memory_space<hbm>> -> memref<200x64xf32, #tpu.memory_space<hbm>>
    %dma_start3A_396 = arith.constant 200 : i32
    %dma_start3A_397 = arith.constant 0 : i32
    %dma_start3A_398 = tpu.memref_slice %arg6[%dma_start3A_380, %dma_start3A_396, %dma_start3A_397] : memref<4x400x64xf32, #tpu.memory_space<vmem>> -> memref<1x200x64xf32, #tpu.memory_space<vmem>>
    %dma_start3A_399 = tpu.memref_squeeze %dma_start3A_398 : memref<1x200x64xf32, #tpu.memory_space<vmem>> -> memref<200x64xf32, #tpu.memory_space<vmem>>
    tpu.enqueue_dma source(%dma_start3A_399 : memref<200x64xf32, #tpu.memory_space<vmem>>) target(%dma_start3A_395 : memref<200x64xf32, #tpu.memory_space<hbm>>) target_semaphore(%dma_start3A_391 : memref<!tpu.dma_semaphore, #tpu.memory_space<semaphore_mem>>)
    %add3A_400 = arith.constant 101600 : i32
    %add3A_401 = arith.addi %mul3A_2, %add3A_400 : i32
    %dma_start3A_402 = arith.constant 2 : i32
    %dma_start3A_403 = arith.constant 2 : i32
    %dma_start3A_404 = arith.constant 0 : i32
    %dma_start3A_405 = tpu.memref_slice %arg5[%dma_start3A_402, %dma_start3A_404] : memref<4x400xi32, #tpu.memory_space<vmem>> -> memref<1x400xi32, #tpu.memory_space<vmem>>
    %dma_start3A_406 = tpu.memref_squeeze %dma_start3A_405 : memref<1x400xi32, #tpu.memory_space<vmem>> -> memref<400xi32, #tpu.memory_space<vmem>>
    %dma_start3A_407 = tpu.memref_slice %arg3[%add3A_401] : memref<3276800xi32, #tpu.memory_space<hbm>> -> memref<400xi32, #tpu.memory_space<hbm>>
    %dma_start3A_408 = tpu.memref_slice %arg7[%dma_start3A_403] : memref<4x!tpu.dma_semaphore, #tpu.memory_space<semaphore_mem>> -> memref<1x!tpu.dma_semaphore, #tpu.memory_space<semaphore_mem>>
    %dma_start3A_409 = tpu.memref_squeeze %dma_start3A_408 : memref<1x!tpu.dma_semaphore, #tpu.memory_space<semaphore_mem>> -> memref<!tpu.dma_semaphore, #tpu.memory_space<semaphore_mem>>
    %dma_start3A_410 = arith.constant 0 : i32
    %dma_start3A_411 = tpu.memref_slice %arg5[%dma_start3A_402, %dma_start3A_410] : memref<4x400xi32, #tpu.memory_space<vmem>> -> memref<1x400xi32, #tpu.memory_space<vmem>>
    %dma_start3A_412 = tpu.memref_squeeze %dma_start3A_411 : memref<1x400xi32, #tpu.memory_space<vmem>> -> memref<400xi32, #tpu.memory_space<vmem>>
    %dma_start3A_413 = tpu.memref_slice %arg3[%add3A_401] : memref<3276800xi32, #tpu.memory_space<hbm>> -> memref<400xi32, #tpu.memory_space<hbm>>
    tpu.enqueue_dma source(%dma_start3A_413 : memref<400xi32, #tpu.memory_space<hbm>>) target(%dma_start3A_412 : memref<400xi32, #tpu.memory_space<vmem>>) target_semaphore(%dma_start3A_409 : memref<!tpu.dma_semaphore, #tpu.memory_space<semaphore_mem>>)
    %dma_wait3A_414 = arith.constant 0 : i32
    %dma_wait3A_415 = arith.constant 0 : i32
    %dma_wait3A_416 = arith.constant 0 : i32
    %dma_wait3A_417 = tpu.memref_slice %arg5[%dma_wait3A_414, %dma_wait3A_416] : memref<4x400xi32, #tpu.memory_space<vmem>> -> memref<1x400xi32, #tpu.memory_space<vmem>>
    %dma_wait3A_418 = tpu.memref_squeeze %dma_wait3A_417 : memref<1x400xi32, #tpu.memory_space<vmem>> -> memref<400xi32, #tpu.memory_space<vmem>>
    %dma_wait3A_419 = arith.constant 0 : i32
    %dma_wait3A_420 = tpu.memref_slice %arg3[%dma_wait3A_419] : memref<3276800xi32, #tpu.memory_space<hbm>> -> memref<400xi32, #tpu.memory_space<hbm>>
    %dma_wait3A_421 = tpu.memref_slice %arg7[%dma_wait3A_415] : memref<4x!tpu.dma_semaphore, #tpu.memory_space<semaphore_mem>> -> memref<1x!tpu.dma_semaphore, #tpu.memory_space<semaphore_mem>>
    %dma_wait3A_422 = tpu.memref_squeeze %dma_wait3A_421 : memref<1x!tpu.dma_semaphore, #tpu.memory_space<semaphore_mem>> -> memref<!tpu.dma_semaphore, #tpu.memory_space<semaphore_mem>>
    %dma_wait3A_423 = arith.constant 0 : i32
    %dma_wait3A_424 = tpu.memref_slice %arg5[%dma_wait3A_414, %dma_wait3A_423] : memref<4x400xi32, #tpu.memory_space<vmem>> -> memref<1x400xi32, #tpu.memory_space<vmem>>
    %dma_wait3A_425 = tpu.memref_squeeze %dma_wait3A_424 : memref<1x400xi32, #tpu.memory_space<vmem>> -> memref<400xi32, #tpu.memory_space<vmem>>
    %dma_wait3A_426 = arith.constant 0 : i32
    %dma_wait3A_427 = tpu.memref_slice %arg3[%dma_wait3A_426] : memref<3276800xi32, #tpu.memory_space<hbm>> -> memref<400xi32, #tpu.memory_space<hbm>>
    tpu.wait_dma2 semaphore(%dma_wait3A_422 : memref<!tpu.dma_semaphore, #tpu.memory_space<semaphore_mem>>) src(%dma_wait3A_427 : memref<400xi32, #tpu.memory_space<hbm>>) dst(%dma_wait3A_425 : memref<400xi32, #tpu.memory_space<vmem>>)
    %dma_wait3A_428 = arith.constant 0 : i32
    %dma_wait3A_429 = arith.constant 0 : i32
    %dma_wait3A_430 = arith.constant 0 : i32
    %dma_wait3A_431 = arith.constant 0 : i32
    %dma_wait3A_432 = tpu.memref_slice %arg6[%dma_wait3A_428, %dma_wait3A_430, %dma_wait3A_431] : memref<4x400x64xf32, #tpu.memory_space<vmem>> -> memref<1x400x64xf32, #tpu.memory_space<vmem>>
    %dma_wait3A_433 = tpu.memref_squeeze %dma_wait3A_432 : memref<1x400x64xf32, #tpu.memory_space<vmem>> -> memref<400x64xf32, #tpu.memory_space<vmem>>
    %dma_wait3A_434 = arith.constant 0 : i32
    %dma_wait3A_435 = arith.constant 0 : i32
    %dma_wait3A_436 = tpu.memref_slice %arg2[%dma_wait3A_434, %dma_wait3A_435] : memref<8192x64xf32, #tpu.memory_space<hbm>> -> memref<400x64xf32, #tpu.memory_space<hbm>>
    %dma_wait3A_437 = tpu.memref_slice %arg9[%dma_wait3A_429] : memref<4x!tpu.dma_semaphore, #tpu.memory_space<semaphore_mem>> -> memref<1x!tpu.dma_semaphore, #tpu.memory_space<semaphore_mem>>
    %dma_wait3A_438 = tpu.memref_squeeze %dma_wait3A_437 : memref<1x!tpu.dma_semaphore, #tpu.memory_space<semaphore_mem>> -> memref<!tpu.dma_semaphore, #tpu.memory_space<semaphore_mem>>
    %dma_wait3A_439 = arith.constant 0 : i32
    %dma_wait3A_440 = arith.constant 0 : i32
    %dma_wait3A_441 = tpu.memref_slice %arg6[%dma_wait3A_428, %dma_wait3A_439, %dma_wait3A_440] : memref<4x400x64xf32, #tpu.memory_space<vmem>> -> memref<1x400x64xf32, #tpu.memory_space<vmem>>
    %dma_wait3A_442 = tpu.memref_squeeze %dma_wait3A_441 : memref<1x400x64xf32, #tpu.memory_space<vmem>> -> memref<400x64xf32, #tpu.memory_space<vmem>>
    %dma_wait3A_443 = arith.constant 0 : i32
    %dma_wait3A_444 = arith.constant 0 : i32
    %dma_wait3A_445 = tpu.memref_slice %arg2[%dma_wait3A_443, %dma_wait3A_444] : memref<8192x64xf32, #tpu.memory_space<hbm>> -> memref<400x64xf32, #tpu.memory_space<hbm>>
    tpu.wait_dma2 semaphore(%dma_wait3A_438 : memref<!tpu.dma_semaphore, #tpu.memory_space<semaphore_mem>>) src(%dma_wait3A_445 : memref<400x64xf32, #tpu.memory_space<hbm>>) dst(%dma_wait3A_442 : memref<400x64xf32, #tpu.memory_space<vmem>>)
    %dma_start3A_446 = arith.constant 0 : i32
    %dma_start3A_447 = arith.constant 0 : i32
    %dma_start3A_448 = arith.constant 0 : i32
    %dma_start3A_449 = arith.constant 0 : i32
    %dma_start3A_450 = arith.constant 0 : i32
    %dma_start3A_451 = tpu.memref_slice %arg6[%dma_start3A_447, %dma_start3A_449, %dma_start3A_450] : memref<4x400x64xf32, #tpu.memory_space<vmem>> -> memref<1x400x64xf32, #tpu.memory_space<vmem>>
    %dma_start3A_452 = tpu.memref_squeeze %dma_start3A_451 : memref<1x400x64xf32, #tpu.memory_space<vmem>> -> memref<400x64xf32, #tpu.memory_space<vmem>>
    %dma_start3A_453 = arith.constant 0 : i32
    %dma_start3A_454 = tpu.memref_slice %arg5[%dma_start3A_446, %dma_start3A_453] : memref<4x400xi32, #tpu.memory_space<vmem>> -> memref<1x400xi32, #tpu.memory_space<vmem>>
    %dma_start3A_455 = tpu.memref_squeeze %dma_start3A_454 : memref<1x400xi32, #tpu.memory_space<vmem>> -> memref<400xi32, #tpu.memory_space<vmem>>
    %dma_start3A_456 = arith.constant 0 : i32
    %dma_start3A_457 = arith.constant 0 : i32
    %dma_start3A_458 = tpu.memref_slice %arg2[%dma_start3A_456, %dma_start3A_457] : memref<8192x64xf32, #tpu.memory_space<hbm>> -> memref<8192x64xf32, #tpu.memory_space<hbm>>
    %dma_start3A_459 = tpu.memref_slice %arg8[%dma_start3A_448] : memref<4x!tpu.dma_semaphore, #tpu.memory_space<semaphore_mem>> -> memref<1x!tpu.dma_semaphore, #tpu.memory_space<semaphore_mem>>
    %dma_start3A_460 = tpu.memref_squeeze %dma_start3A_459 : memref<1x!tpu.dma_semaphore, #tpu.memory_space<semaphore_mem>> -> memref<!tpu.dma_semaphore, #tpu.memory_space<semaphore_mem>>
    tpu.enqueue_indirect_dma source(%dma_start3A_458 : memref<8192x64xf32, #tpu.memory_space<hbm>>) target(%dma_start3A_452 : memref<400x64xf32, #tpu.memory_space<vmem>>) offsets(%dma_start3A_455 : memref<400xi32, #tpu.memory_space<vmem>>) semaphore(%dma_start3A_460 : memref<!tpu.dma_semaphore, #tpu.memory_space<semaphore_mem>>)
    %dma_wait3A_461 = arith.constant 3 : i32
    %dma_wait3A_462 = arith.constant 3 : i32
    %dma_wait3A_463 = arith.constant 0 : i32
    %dma_wait3A_464 = arith.constant 0 : i32
    %dma_wait3A_465 = tpu.memref_slice %arg6[%dma_wait3A_461, %dma_wait3A_463, %dma_wait3A_464] : memref<4x400x64xf32, #tpu.memory_space<vmem>> -> memref<1x400x64xf32, #tpu.memory_space<vmem>>
    %dma_wait3A_466 = tpu.memref_squeeze %dma_wait3A_465 : memref<1x400x64xf32, #tpu.memory_space<vmem>> -> memref<400x64xf32, #tpu.memory_space<vmem>>
    %dma_wait3A_467 = arith.constant 0 : i32
    %dma_wait3A_468 = arith.constant 0 : i32
    %dma_wait3A_469 = tpu.memref_slice %arg2[%dma_wait3A_467, %dma_wait3A_468] : memref<8192x64xf32, #tpu.memory_space<hbm>> -> memref<400x64xf32, #tpu.memory_space<hbm>>
    %dma_wait3A_470 = tpu.memref_slice %arg8[%dma_wait3A_462] : memref<4x!tpu.dma_semaphore, #tpu.memory_space<semaphore_mem>> -> memref<1x!tpu.dma_semaphore, #tpu.memory_space<semaphore_mem>>
    %dma_wait3A_471 = tpu.memref_squeeze %dma_wait3A_470 : memref<1x!tpu.dma_semaphore, #tpu.memory_space<semaphore_mem>> -> memref<!tpu.dma_semaphore, #tpu.memory_space<semaphore_mem>>
    %dma_wait3A_472 = arith.constant 0 : i32
    %dma_wait3A_473 = arith.constant 0 : i32
    %dma_wait3A_474 = tpu.memref_slice %arg6[%dma_wait3A_461, %dma_wait3A_472, %dma_wait3A_473] : memref<4x400x64xf32, #tpu.memory_space<vmem>> -> memref<1x400x64xf32, #tpu.memory_space<vmem>>
    %dma_wait3A_475 = tpu.memref_squeeze %dma_wait3A_474 : memref<1x400x64xf32, #tpu.memory_space<vmem>> -> memref<400x64xf32, #tpu.memory_space<vmem>>
    %dma_wait3A_476 = arith.constant 0 : i32
    %dma_wait3A_477 = arith.constant 0 : i32
    %dma_wait3A_478 = tpu.memref_slice %arg2[%dma_wait3A_476, %dma_wait3A_477] : memref<8192x64xf32, #tpu.memory_space<hbm>> -> memref<400x64xf32, #tpu.memory_space<hbm>>
    tpu.wait_dma2 semaphore(%dma_wait3A_471 : memref<!tpu.dma_semaphore, #tpu.memory_space<semaphore_mem>>) src(%dma_wait3A_478 : memref<400x64xf32, #tpu.memory_space<hbm>>) dst(%dma_wait3A_475 : memref<400x64xf32, #tpu.memory_space<vmem>>)
    %add3A_479 = arith.constant 502 : i32
    %add3A_480 = arith.addi %mul3A_4, %add3A_479 : i32
    %add3A_481 = arith.constant 0 : i32
    %add3A_482 = arith.addi %add3A_480, %add3A_481 : i32
    %dma_start3A_483 = arith.constant 3 : i32
    %dma_start3A_484 = arith.constant 3 : i32
    %dma_start3A_485 = arith.constant 0 : i32
    %dma_start3A_486 = arith.constant 0 : i32
    %dma_start3A_487 = tpu.memref_slice %arg6[%dma_start3A_483, %dma_start3A_485, %dma_start3A_486] : memref<4x400x64xf32, #tpu.memory_space<vmem>> -> memref<1x200x64xf32, #tpu.memory_space<vmem>>
    %dma_start3A_488 = tpu.memref_squeeze %dma_start3A_487 : memref<1x200x64xf32, #tpu.memory_space<vmem>> -> memref<200x64xf32, #tpu.memory_space<vmem>>
    %dma_start3A_489 = arith.constant 0 : i32
    %dma_start3A_490 = arith.constant 0 : i32
    %dma_start3A_491 = tpu.memref_slice %arg4[%add3A_482, %dma_start3A_489, %dma_start3A_490] : memref<16384x200x64xf32, #tpu.memory_space<hbm>> -> memref<1x200x64xf32, #tpu.memory_space<hbm>>
    %dma_start3A_492 = tpu.memref_squeeze %dma_start3A_491 : memref<1x200x64xf32, #tpu.memory_space<hbm>> -> memref<200x64xf32, #tpu.memory_space<hbm>>
    %dma_start3A_493 = tpu.memref_slice %arg9[%dma_start3A_484] : memref<4x!tpu.dma_semaphore, #tpu.memory_space<semaphore_mem>> -> memref<1x!tpu.dma_semaphore, #tpu.memory_space<semaphore_mem>>
    %dma_start3A_494 = tpu.memref_squeeze %dma_start3A_493 : memref<1x!tpu.dma_semaphore, #tpu.memory_space<semaphore_mem>> -> memref<!tpu.dma_semaphore, #tpu.memory_space<semaphore_mem>>
    %dma_start3A_495 = arith.constant 0 : i32
    %dma_start3A_496 = arith.constant 0 : i32
    %dma_start3A_497 = tpu.memref_slice %arg4[%add3A_482, %dma_start3A_495, %dma_start3A_496] : memref<16384x200x64xf32, #tpu.memory_space<hbm>> -> memref<1x200x64xf32, #tpu.memory_space<hbm>>
    %dma_start3A_498 = tpu.memref_squeeze %dma_start3A_497 : memref<1x200x64xf32, #tpu.memory_space<hbm>> -> memref<200x64xf32, #tpu.memory_space<hbm>>
    %dma_start3A_499 = arith.constant 0 : i32
    %dma_start3A_500 = arith.constant 0 : i32
    %dma_start3A_501 = tpu.memref_slice %arg6[%dma_start3A_483, %dma_start3A_499, %dma_start3A_500] : memref<4x400x64xf32, #tpu.memory_space<vmem>> -> memref<1x200x64xf32, #tpu.memory_space<vmem>>
    %dma_start3A_502 = tpu.memref_squeeze %dma_start3A_501 : memref<1x200x64xf32, #tpu.memory_space<vmem>> -> memref<200x64xf32, #tpu.memory_space<vmem>>
    tpu.enqueue_dma source(%dma_start3A_502 : memref<200x64xf32, #tpu.memory_space<vmem>>) target(%dma_start3A_498 : memref<200x64xf32, #tpu.memory_space<hbm>>) target_semaphore(%dma_start3A_494 : memref<!tpu.dma_semaphore, #tpu.memory_space<semaphore_mem>>)
    %add3A_503 = arith.constant 1 : i32
    %add3A_504 = arith.addi %add3A_480, %add3A_503 : i32
    %dma_start3A_505 = arith.constant 3 : i32
    %dma_start3A_506 = arith.constant 3 : i32
    %dma_start3A_507 = arith.constant 200 : i32
    %dma_start3A_508 = arith.constant 0 : i32
    %dma_start3A_509 = tpu.memref_slice %arg6[%dma_start3A_505, %dma_start3A_507, %dma_start3A_508] : memref<4x400x64xf32, #tpu.memory_space<vmem>> -> memref<1x200x64xf32, #tpu.memory_space<vmem>>
    %dma_start3A_510 = tpu.memref_squeeze %dma_start3A_509 : memref<1x200x64xf32, #tpu.memory_space<vmem>> -> memref<200x64xf32, #tpu.memory_space<vmem>>
    %dma_start3A_511 = arith.constant 0 : i32
    %dma_start3A_512 = arith.constant 0 : i32
    %dma_start3A_513 = tpu.memref_slice %arg4[%add3A_504, %dma_start3A_511, %dma_start3A_512] : memref<16384x200x64xf32, #tpu.memory_space<hbm>> -> memref<1x200x64xf32, #tpu.memory_space<hbm>>
    %dma_start3A_514 = tpu.memref_squeeze %dma_start3A_513 : memref<1x200x64xf32, #tpu.memory_space<hbm>> -> memref<200x64xf32, #tpu.memory_space<hbm>>
    %dma_start3A_515 = tpu.memref_slice %arg9[%dma_start3A_506] : memref<4x!tpu.dma_semaphore, #tpu.memory_space<semaphore_mem>> -> memref<1x!tpu.dma_semaphore, #tpu.memory_space<semaphore_mem>>
    %dma_start3A_516 = tpu.memref_squeeze %dma_start3A_515 : memref<1x!tpu.dma_semaphore, #tpu.memory_space<semaphore_mem>> -> memref<!tpu.dma_semaphore, #tpu.memory_space<semaphore_mem>>
    %dma_start3A_517 = arith.constant 0 : i32
    %dma_start3A_518 = arith.constant 0 : i32
    %dma_start3A_519 = tpu.memref_slice %arg4[%add3A_504, %dma_start3A_517, %dma_start3A_518] : memref<16384x200x64xf32, #tpu.memory_space<hbm>> -> memref<1x200x64xf32, #tpu.memory_space<hbm>>
    %dma_start3A_520 = tpu.memref_squeeze %dma_start3A_519 : memref<1x200x64xf32, #tpu.memory_space<hbm>> -> memref<200x64xf32, #tpu.memory_space<hbm>>
    %dma_start3A_521 = arith.constant 200 : i32
    %dma_start3A_522 = arith.constant 0 : i32
    %dma_start3A_523 = tpu.memref_slice %arg6[%dma_start3A_505, %dma_start3A_521, %dma_start3A_522] : memref<4x400x64xf32, #tpu.memory_space<vmem>> -> memref<1x200x64xf32, #tpu.memory_space<vmem>>
    %dma_start3A_524 = tpu.memref_squeeze %dma_start3A_523 : memref<1x200x64xf32, #tpu.memory_space<vmem>> -> memref<200x64xf32, #tpu.memory_space<vmem>>
    tpu.enqueue_dma source(%dma_start3A_524 : memref<200x64xf32, #tpu.memory_space<vmem>>) target(%dma_start3A_520 : memref<200x64xf32, #tpu.memory_space<hbm>>) target_semaphore(%dma_start3A_516 : memref<!tpu.dma_semaphore, #tpu.memory_space<semaphore_mem>>)
    %add3A_525 = arith.constant 102000 : i32
    %add3A_526 = arith.addi %mul3A_2, %add3A_525 : i32
    %dma_start3A_527 = arith.constant 3 : i32
    %dma_start3A_528 = arith.constant 3 : i32
    %dma_start3A_529 = arith.constant 0 : i32
    %dma_start3A_530 = tpu.memref_slice %arg5[%dma_start3A_527, %dma_start3A_529] : memref<4x400xi32, #tpu.memory_space<vmem>> -> memref<1x400xi32, #tpu.memory_space<vmem>>
    %dma_start3A_531 = tpu.memref_squeeze %dma_start3A_530 : memref<1x400xi32, #tpu.memory_space<vmem>> -> memref<400xi32, #tpu.memory_space<vmem>>
    %dma_start3A_532 = tpu.memref_slice %arg3[%add3A_526] : memref<3276800xi32, #tpu.memory_space<hbm>> -> memref<400xi32, #tpu.memory_space<hbm>>
    %dma_start3A_533 = tpu.memref_slice %arg7[%dma_start3A_528] : memref<4x!tpu.dma_semaphore, #tpu.memory_space<semaphore_mem>> -> memref<1x!tpu.dma_semaphore, #tpu.memory_space<semaphore_mem>>
    %dma_start3A_534 = tpu.memref_squeeze %dma_start3A_533 : memref<1x!tpu.dma_semaphore, #tpu.memory_space<semaphore_mem>> -> memref<!tpu.dma_semaphore, #tpu.memory_space<semaphore_mem>>
    %dma_start3A_535 = arith.constant 0 : i32
    %dma_start3A_536 = tpu.memref_slice %arg5[%dma_start3A_527, %dma_start3A_535] : memref<4x400xi32, #tpu.memory_space<vmem>> -> memref<1x400xi32, #tpu.memory_space<vmem>>
    %dma_start3A_537 = tpu.memref_squeeze %dma_start3A_536 : memref<1x400xi32, #tpu.memory_space<vmem>> -> memref<400xi32, #tpu.memory_space<vmem>>
    %dma_start3A_538 = tpu.memref_slice %arg3[%add3A_526] : memref<3276800xi32, #tpu.memory_space<hbm>> -> memref<400xi32, #tpu.memory_space<hbm>>
    tpu.enqueue_dma source(%dma_start3A_538 : memref<400xi32, #tpu.memory_space<hbm>>) target(%dma_start3A_537 : memref<400xi32, #tpu.memory_space<vmem>>) target_semaphore(%dma_start3A_534 : memref<!tpu.dma_semaphore, #tpu.memory_space<semaphore_mem>>)
    %dma_wait3A_539 = arith.constant 1 : i32
    %dma_wait3A_540 = arith.constant 1 : i32
    %dma_wait3A_541 = arith.constant 0 : i32
    %dma_wait3A_542 = tpu.memref_slice %arg5[%dma_wait3A_539, %dma_wait3A_541] : memref<4x400xi32, #tpu.memory_space<vmem>> -> memref<1x400xi32, #tpu.memory_space<vmem>>
    %dma_wait3A_543 = tpu.memref_squeeze %dma_wait3A_542 : memref<1x400xi32, #tpu.memory_space<vmem>> -> memref<400xi32, #tpu.memory_space<vmem>>
    %dma_wait3A_544 = arith.constant 0 : i32
    %dma_wait3A_545 = tpu.memref_slice %arg3[%dma_wait3A_544] : memref<3276800xi32, #tpu.memory_space<hbm>> -> memref<400xi32, #tpu.memory_space<hbm>>
    %dma_wait3A_546 = tpu.memref_slice %arg7[%dma_wait3A_540] : memref<4x!tpu.dma_semaphore, #tpu.memory_space<semaphore_mem>> -> memref<1x!tpu.dma_semaphore, #tpu.memory_space<semaphore_mem>>
    %dma_wait3A_547 = tpu.memref_squeeze %dma_wait3A_546 : memref<1x!tpu.dma_semaphore, #tpu.memory_space<semaphore_mem>> -> memref<!tpu.dma_semaphore, #tpu.memory_space<semaphore_mem>>
    %dma_wait3A_548 = arith.constant 0 : i32
    %dma_wait3A_549 = tpu.memref_slice %arg5[%dma_wait3A_539, %dma_wait3A_548] : memref<4x400xi32, #tpu.memory_space<vmem>> -> memref<1x400xi32, #tpu.memory_space<vmem>>
    %dma_wait3A_550 = tpu.memref_squeeze %dma_wait3A_549 : memref<1x400xi32, #tpu.memory_space<vmem>> -> memref<400xi32, #tpu.memory_space<vmem>>
    %dma_wait3A_551 = arith.constant 0 : i32
    %dma_wait3A_552 = tpu.memref_slice %arg3[%dma_wait3A_551] : memref<3276800xi32, #tpu.memory_space<hbm>> -> memref<400xi32, #tpu.memory_space<hbm>>
    tpu.wait_dma2 semaphore(%dma_wait3A_547 : memref<!tpu.dma_semaphore, #tpu.memory_space<semaphore_mem>>) src(%dma_wait3A_552 : memref<400xi32, #tpu.memory_space<hbm>>) dst(%dma_wait3A_550 : memref<400xi32, #tpu.memory_space<vmem>>)
    %dma_wait3A_553 = arith.constant 1 : i32
    %dma_wait3A_554 = arith.constant 1 : i32
    %dma_wait3A_555 = arith.constant 0 : i32
    %dma_wait3A_556 = arith.constant 0 : i32
    %dma_wait3A_557 = tpu.memref_slice %arg6[%dma_wait3A_553, %dma_wait3A_555, %dma_wait3A_556] : memref<4x400x64xf32, #tpu.memory_space<vmem>> -> memref<1x400x64xf32, #tpu.memory_space<vmem>>
    %dma_wait3A_558 = tpu.memref_squeeze %dma_wait3A_557 : memref<1x400x64xf32, #tpu.memory_space<vmem>> -> memref<400x64xf32, #tpu.memory_space<vmem>>
    %dma_wait3A_559 = arith.constant 0 : i32
    %dma_wait3A_560 = arith.constant 0 : i32
    %dma_wait3A_561 = tpu.memref_slice %arg2[%dma_wait3A_559, %dma_wait3A_560] : memref<8192x64xf32, #tpu.memory_space<hbm>> -> memref<400x64xf32, #tpu.memory_space<hbm>>
    %dma_wait3A_562 = tpu.memref_slice %arg9[%dma_wait3A_554] : memref<4x!tpu.dma_semaphore, #tpu.memory_space<semaphore_mem>> -> memref<1x!tpu.dma_semaphore, #tpu.memory_space<semaphore_mem>>
    %dma_wait3A_563 = tpu.memref_squeeze %dma_wait3A_562 : memref<1x!tpu.dma_semaphore, #tpu.memory_space<semaphore_mem>> -> memref<!tpu.dma_semaphore, #tpu.memory_space<semaphore_mem>>
    %dma_wait3A_564 = arith.constant 0 : i32
    %dma_wait3A_565 = arith.constant 0 : i32
    %dma_wait3A_566 = tpu.memref_slice %arg6[%dma_wait3A_553, %dma_wait3A_564, %dma_wait3A_565] : memref<4x400x64xf32, #tpu.memory_space<vmem>> -> memref<1x400x64xf32, #tpu.memory_space<vmem>>
    %dma_wait3A_567 = tpu.memref_squeeze %dma_wait3A_566 : memref<1x400x64xf32, #tpu.memory_space<vmem>> -> memref<400x64xf32, #tpu.memory_space<vmem>>
    %dma_wait3A_568 = arith.constant 0 : i32
    %dma_wait3A_569 = arith.constant 0 : i32
    %dma_wait3A_570 = tpu.memref_slice %arg2[%dma_wait3A_568, %dma_wait3A_569] : memref<8192x64xf32, #tpu.memory_space<hbm>> -> memref<400x64xf32, #tpu.memory_space<hbm>>
    tpu.wait_dma2 semaphore(%dma_wait3A_563 : memref<!tpu.dma_semaphore, #tpu.memory_space<semaphore_mem>>) src(%dma_wait3A_570 : memref<400x64xf32, #tpu.memory_space<hbm>>) dst(%dma_wait3A_567 : memref<400x64xf32, #tpu.memory_space<vmem>>)
    %dma_start3A_571 = arith.constant 1 : i32
    %dma_start3A_572 = arith.constant 1 : i32
    %dma_start3A_573 = arith.constant 1 : i32
    %dma_start3A_574 = arith.constant 0 : i32
    %dma_start3A_575 = arith.constant 0 : i32
    %dma_start3A_576 = tpu.memref_slice %arg6[%dma_start3A_572, %dma_start3A_574, %dma_start3A_575] : memref<4x400x64xf32, #tpu.memory_space<vmem>> -> memref<1x400x64xf32, #tpu.memory_space<vmem>>
    %dma_start3A_577 = tpu.memref_squeeze %dma_start3A_576 : memref<1x400x64xf32, #tpu.memory_space<vmem>> -> memref<400x64xf32, #tpu.memory_space<vmem>>
    %dma_start3A_578 = arith.constant 0 : i32
    %dma_start3A_579 = tpu.memref_slice %arg5[%dma_start3A_571, %dma_start3A_578] : memref<4x400xi32, #tpu.memory_space<vmem>> -> memref<1x400xi32, #tpu.memory_space<vmem>>
    %dma_start3A_580 = tpu.memref_squeeze %dma_start3A_579 : memref<1x400xi32, #tpu.memory_space<vmem>> -> memref<400xi32, #tpu.memory_space<vmem>>
    %dma_start3A_581 = arith.constant 0 : i32
    %dma_start3A_582 = arith.constant 0 : i32
    %dma_start3A_583 = tpu.memref_slice %arg2[%dma_start3A_581, %dma_start3A_582] : memref<8192x64xf32, #tpu.memory_space<hbm>> -> memref<8192x64xf32, #tpu.memory_space<hbm>>
    %dma_start3A_584 = tpu.memref_slice %arg8[%dma_start3A_573] : memref<4x!tpu.dma_semaphore, #tpu.memory_space<semaphore_mem>> -> memref<1x!tpu.dma_semaphore, #tpu.memory_space<semaphore_mem>>
    %dma_start3A_585 = tpu.memref_squeeze %dma_start3A_584 : memref<1x!tpu.dma_semaphore, #tpu.memory_space<semaphore_mem>> -> memref<!tpu.dma_semaphore, #tpu.memory_space<semaphore_mem>>
    tpu.enqueue_indirect_dma source(%dma_start3A_583 : memref<8192x64xf32, #tpu.memory_space<hbm>>) target(%dma_start3A_577 : memref<400x64xf32, #tpu.memory_space<vmem>>) offsets(%dma_start3A_580 : memref<400xi32, #tpu.memory_space<vmem>>) semaphore(%dma_start3A_585 : memref<!tpu.dma_semaphore, #tpu.memory_space<semaphore_mem>>)
    %dma_wait3A_586 = arith.constant 0 : i32
    %dma_wait3A_587 = arith.constant 0 : i32
    %dma_wait3A_588 = arith.constant 0 : i32
    %dma_wait3A_589 = arith.constant 0 : i32
    %dma_wait3A_590 = tpu.memref_slice %arg6[%dma_wait3A_586, %dma_wait3A_588, %dma_wait3A_589] : memref<4x400x64xf32, #tpu.memory_space<vmem>> -> memref<1x400x64xf32, #tpu.memory_space<vmem>>
    %dma_wait3A_591 = tpu.memref_squeeze %dma_wait3A_590 : memref<1x400x64xf32, #tpu.memory_space<vmem>> -> memref<400x64xf32, #tpu.memory_space<vmem>>
    %dma_wait3A_592 = arith.constant 0 : i32
    %dma_wait3A_593 = arith.constant 0 : i32
    %dma_wait3A_594 = tpu.memref_slice %arg2[%dma_wait3A_592, %dma_wait3A_593] : memref<8192x64xf32, #tpu.memory_space<hbm>> -> memref<400x64xf32, #tpu.memory_space<hbm>>
    %dma_wait3A_595 = tpu.memref_slice %arg8[%dma_wait3A_587] : memref<4x!tpu.dma_semaphore, #tpu.memory_space<semaphore_mem>> -> memref<1x!tpu.dma_semaphore, #tpu.memory_space<semaphore_mem>>
    %dma_wait3A_596 = tpu.memref_squeeze %dma_wait3A_595 : memref<1x!tpu.dma_semaphore, #tpu.memory_space<semaphore_mem>> -> memref<!tpu.dma_semaphore, #tpu.memory_space<semaphore_mem>>
    %dma_wait3A_597 = arith.constant 0 : i32
    %dma_wait3A_598 = arith.constant 0 : i32
    %dma_wait3A_599 = tpu.memref_slice %arg6[%dma_wait3A_586, %dma_wait3A_597, %dma_wait3A_598] : memref<4x400x64xf32, #tpu.memory_space<vmem>> -> memref<1x400x64xf32, #tpu.memory_space<vmem>>
    %dma_wait3A_600 = tpu.memref_squeeze %dma_wait3A_599 : memref<1x400x64xf32, #tpu.memory_space<vmem>> -> memref<400x64xf32, #tpu.memory_space<vmem>>
    %dma_wait3A_601 = arith.constant 0 : i32
    %dma_wait3A_602 = arith.constant 0 : i32
    %dma_wait3A_603 = tpu.memref_slice %arg2[%dma_wait3A_601, %dma_wait3A_602] : memref<8192x64xf32, #tpu.memory_space<hbm>> -> memref<400x64xf32, #tpu.memory_space<hbm>>
    tpu.wait_dma2 semaphore(%dma_wait3A_596 : memref<!tpu.dma_semaphore, #tpu.memory_space<semaphore_mem>>) src(%dma_wait3A_603 : memref<400x64xf32, #tpu.memory_space<hbm>>) dst(%dma_wait3A_600 : memref<400x64xf32, #tpu.memory_space<vmem>>)
    %add3A_604 = arith.constant 504 : i32
    %add3A_605 = arith.addi %mul3A_4, %add3A_604 : i32
    %add3A_606 = arith.constant 0 : i32
    %add3A_607 = arith.addi %add3A_605, %add3A_606 : i32
    %dma_start3A_608 = arith.constant 0 : i32
    %dma_start3A_609 = arith.constant 0 : i32
    %dma_start3A_610 = arith.constant 0 : i32
    %dma_start3A_611 = arith.constant 0 : i32
    %dma_start3A_612 = tpu.memref_slice %arg6[%dma_start3A_608, %dma_start3A_610, %dma_start3A_611] : memref<4x400x64xf32, #tpu.memory_space<vmem>> -> memref<1x200x64xf32, #tpu.memory_space<vmem>>
    %dma_start3A_613 = tpu.memref_squeeze %dma_start3A_612 : memref<1x200x64xf32, #tpu.memory_space<vmem>> -> memref<200x64xf32, #tpu.memory_space<vmem>>
    %dma_start3A_614 = arith.constant 0 : i32
    %dma_start3A_615 = arith.constant 0 : i32
    %dma_start3A_616 = tpu.memref_slice %arg4[%add3A_607, %dma_start3A_614, %dma_start3A_615] : memref<16384x200x64xf32, #tpu.memory_space<hbm>> -> memref<1x200x64xf32, #tpu.memory_space<hbm>>
    %dma_start3A_617 = tpu.memref_squeeze %dma_start3A_616 : memref<1x200x64xf32, #tpu.memory_space<hbm>> -> memref<200x64xf32, #tpu.memory_space<hbm>>
    %dma_start3A_618 = tpu.memref_slice %arg9[%dma_start3A_609] : memref<4x!tpu.dma_semaphore, #tpu.memory_space<semaphore_mem>> -> memref<1x!tpu.dma_semaphore, #tpu.memory_space<semaphore_mem>>
    %dma_start3A_619 = tpu.memref_squeeze %dma_start3A_618 : memref<1x!tpu.dma_semaphore, #tpu.memory_space<semaphore_mem>> -> memref<!tpu.dma_semaphore, #tpu.memory_space<semaphore_mem>>
    %dma_start3A_620 = arith.constant 0 : i32
    %dma_start3A_621 = arith.constant 0 : i32
    %dma_start3A_622 = tpu.memref_slice %arg4[%add3A_607, %dma_start3A_620, %dma_start3A_621] : memref<16384x200x64xf32, #tpu.memory_space<hbm>> -> memref<1x200x64xf32, #tpu.memory_space<hbm>>
    %dma_start3A_623 = tpu.memref_squeeze %dma_start3A_622 : memref<1x200x64xf32, #tpu.memory_space<hbm>> -> memref<200x64xf32, #tpu.memory_space<hbm>>
    %dma_start3A_624 = arith.constant 0 : i32
    %dma_start3A_625 = arith.constant 0 : i32
    %dma_start3A_626 = tpu.memref_slice %arg6[%dma_start3A_608, %dma_start3A_624, %dma_start3A_625] : memref<4x400x64xf32, #tpu.memory_space<vmem>> -> memref<1x200x64xf32, #tpu.memory_space<vmem>>
    %dma_start3A_627 = tpu.memref_squeeze %dma_start3A_626 : memref<1x200x64xf32, #tpu.memory_space<vmem>> -> memref<200x64xf32, #tpu.memory_space<vmem>>
    tpu.enqueue_dma source(%dma_start3A_627 : memref<200x64xf32, #tpu.memory_space<vmem>>) target(%dma_start3A_623 : memref<200x64xf32, #tpu.memory_space<hbm>>) target_semaphore(%dma_start3A_619 : memref<!tpu.dma_semaphore, #tpu.memory_space<semaphore_mem>>)
    %add3A_628 = arith.constant 1 : i32
    %add3A_629 = arith.addi %add3A_605, %add3A_628 : i32
    %dma_start3A_630 = arith.constant 0 : i32
    %dma_start3A_631 = arith.constant 0 : i32
    %dma_start3A_632 = arith.constant 200 : i32
    %dma_start3A_633 = arith.constant 0 : i32
    %dma_start3A_634 = tpu.memref_slice %arg6[%dma_start3A_630, %dma_start3A_632, %dma_start3A_633] : memref<4x400x64xf32, #tpu.memory_space<vmem>> -> memref<1x200x64xf32, #tpu.memory_space<vmem>>
    %dma_start3A_635 = tpu.memref_squeeze %dma_start3A_634 : memref<1x200x64xf32, #tpu.memory_space<vmem>> -> memref<200x64xf32, #tpu.memory_space<vmem>>
    %dma_start3A_636 = arith.constant 0 : i32
    %dma_start3A_637 = arith.constant 0 : i32
    %dma_start3A_638 = tpu.memref_slice %arg4[%add3A_629, %dma_start3A_636, %dma_start3A_637] : memref<16384x200x64xf32, #tpu.memory_space<hbm>> -> memref<1x200x64xf32, #tpu.memory_space<hbm>>
    %dma_start3A_639 = tpu.memref_squeeze %dma_start3A_638 : memref<1x200x64xf32, #tpu.memory_space<hbm>> -> memref<200x64xf32, #tpu.memory_space<hbm>>
    %dma_start3A_640 = tpu.memref_slice %arg9[%dma_start3A_631] : memref<4x!tpu.dma_semaphore, #tpu.memory_space<semaphore_mem>> -> memref<1x!tpu.dma_semaphore, #tpu.memory_space<semaphore_mem>>
    %dma_start3A_641 = tpu.memref_squeeze %dma_start3A_640 : memref<1x!tpu.dma_semaphore, #tpu.memory_space<semaphore_mem>> -> memref<!tpu.dma_semaphore, #tpu.memory_space<semaphore_mem>>
    %dma_start3A_642 = arith.constant 0 : i32
    %dma_start3A_643 = arith.constant 0 : i32
    %dma_start3A_644 = tpu.memref_slice %arg4[%add3A_629, %dma_start3A_642, %dma_start3A_643] : memref<16384x200x64xf32, #tpu.memory_space<hbm>> -> memref<1x200x64xf32, #tpu.memory_space<hbm>>
    %dma_start3A_645 = tpu.memref_squeeze %dma_start3A_644 : memref<1x200x64xf32, #tpu.memory_space<hbm>> -> memref<200x64xf32, #tpu.memory_space<hbm>>
    %dma_start3A_646 = arith.constant 200 : i32
    %dma_start3A_647 = arith.constant 0 : i32
    %dma_start3A_648 = tpu.memref_slice %arg6[%dma_start3A_630, %dma_start3A_646, %dma_start3A_647] : memref<4x400x64xf32, #tpu.memory_space<vmem>> -> memref<1x200x64xf32, #tpu.memory_space<vmem>>
    %dma_start3A_649 = tpu.memref_squeeze %dma_start3A_648 : memref<1x200x64xf32, #tpu.memory_space<vmem>> -> memref<200x64xf32, #tpu.memory_space<vmem>>
    tpu.enqueue_dma source(%dma_start3A_649 : memref<200x64xf32, #tpu.memory_space<vmem>>) target(%dma_start3A_645 : memref<200x64xf32, #tpu.memory_space<hbm>>) target_semaphore(%dma_start3A_641 : memref<!tpu.dma_semaphore, #tpu.memory_space<semaphore_mem>>)
    %dma_wait3A_650 = arith.constant 2 : i32
    %dma_wait3A_651 = arith.constant 2 : i32
    %dma_wait3A_652 = arith.constant 0 : i32
    %dma_wait3A_653 = tpu.memref_slice %arg5[%dma_wait3A_650, %dma_wait3A_652] : memref<4x400xi32, #tpu.memory_space<vmem>> -> memref<1x400xi32, #tpu.memory_space<vmem>>
    %dma_wait3A_654 = tpu.memref_squeeze %dma_wait3A_653 : memref<1x400xi32, #tpu.memory_space<vmem>> -> memref<400xi32, #tpu.memory_space<vmem>>
    %dma_wait3A_655 = arith.constant 0 : i32
    %dma_wait3A_656 = tpu.memref_slice %arg3[%dma_wait3A_655] : memref<3276800xi32, #tpu.memory_space<hbm>> -> memref<400xi32, #tpu.memory_space<hbm>>
    %dma_wait3A_657 = tpu.memref_slice %arg7[%dma_wait3A_651] : memref<4x!tpu.dma_semaphore, #tpu.memory_space<semaphore_mem>> -> memref<1x!tpu.dma_semaphore, #tpu.memory_space<semaphore_mem>>
    %dma_wait3A_658 = tpu.memref_squeeze %dma_wait3A_657 : memref<1x!tpu.dma_semaphore, #tpu.memory_space<semaphore_mem>> -> memref<!tpu.dma_semaphore, #tpu.memory_space<semaphore_mem>>
    %dma_wait3A_659 = arith.constant 0 : i32
    %dma_wait3A_660 = tpu.memref_slice %arg5[%dma_wait3A_650, %dma_wait3A_659] : memref<4x400xi32, #tpu.memory_space<vmem>> -> memref<1x400xi32, #tpu.memory_space<vmem>>
    %dma_wait3A_661 = tpu.memref_squeeze %dma_wait3A_660 : memref<1x400xi32, #tpu.memory_space<vmem>> -> memref<400xi32, #tpu.memory_space<vmem>>
    %dma_wait3A_662 = arith.constant 0 : i32
    %dma_wait3A_663 = tpu.memref_slice %arg3[%dma_wait3A_662] : memref<3276800xi32, #tpu.memory_space<hbm>> -> memref<400xi32, #tpu.memory_space<hbm>>
    tpu.wait_dma2 semaphore(%dma_wait3A_658 : memref<!tpu.dma_semaphore, #tpu.memory_space<semaphore_mem>>) src(%dma_wait3A_663 : memref<400xi32, #tpu.memory_space<hbm>>) dst(%dma_wait3A_661 : memref<400xi32, #tpu.memory_space<vmem>>)
    %dma_wait3A_664 = arith.constant 2 : i32
    %dma_wait3A_665 = arith.constant 2 : i32
    %dma_wait3A_666 = arith.constant 0 : i32
    %dma_wait3A_667 = arith.constant 0 : i32
    %dma_wait3A_668 = tpu.memref_slice %arg6[%dma_wait3A_664, %dma_wait3A_666, %dma_wait3A_667] : memref<4x400x64xf32, #tpu.memory_space<vmem>> -> memref<1x400x64xf32, #tpu.memory_space<vmem>>
    %dma_wait3A_669 = tpu.memref_squeeze %dma_wait3A_668 : memref<1x400x64xf32, #tpu.memory_space<vmem>> -> memref<400x64xf32, #tpu.memory_space<vmem>>
    %dma_wait3A_670 = arith.constant 0 : i32
    %dma_wait3A_671 = arith.constant 0 : i32
    %dma_wait3A_672 = tpu.memref_slice %arg2[%dma_wait3A_670, %dma_wait3A_671] : memref<8192x64xf32, #tpu.memory_space<hbm>> -> memref<400x64xf32, #tpu.memory_space<hbm>>
    %dma_wait3A_673 = tpu.memref_slice %arg9[%dma_wait3A_665] : memref<4x!tpu.dma_semaphore, #tpu.memory_space<semaphore_mem>> -> memref<1x!tpu.dma_semaphore, #tpu.memory_space<semaphore_mem>>
    %dma_wait3A_674 = tpu.memref_squeeze %dma_wait3A_673 : memref<1x!tpu.dma_semaphore, #tpu.memory_space<semaphore_mem>> -> memref<!tpu.dma_semaphore, #tpu.memory_space<semaphore_mem>>
    %dma_wait3A_675 = arith.constant 0 : i32
    %dma_wait3A_676 = arith.constant 0 : i32
    %dma_wait3A_677 = tpu.memref_slice %arg6[%dma_wait3A_664, %dma_wait3A_675, %dma_wait3A_676] : memref<4x400x64xf32, #tpu.memory_space<vmem>> -> memref<1x400x64xf32, #tpu.memory_space<vmem>>
    %dma_wait3A_678 = tpu.memref_squeeze %dma_wait3A_677 : memref<1x400x64xf32, #tpu.memory_space<vmem>> -> memref<400x64xf32, #tpu.memory_space<vmem>>
    %dma_wait3A_679 = arith.constant 0 : i32
    %dma_wait3A_680 = arith.constant 0 : i32
    %dma_wait3A_681 = tpu.memref_slice %arg2[%dma_wait3A_679, %dma_wait3A_680] : memref<8192x64xf32, #tpu.memory_space<hbm>> -> memref<400x64xf32, #tpu.memory_space<hbm>>
    tpu.wait_dma2 semaphore(%dma_wait3A_674 : memref<!tpu.dma_semaphore, #tpu.memory_space<semaphore_mem>>) src(%dma_wait3A_681 : memref<400x64xf32, #tpu.memory_space<hbm>>) dst(%dma_wait3A_678 : memref<400x64xf32, #tpu.memory_space<vmem>>)
    %dma_start3A_682 = arith.constant 2 : i32
    %dma_start3A_683 = arith.constant 2 : i32
    %dma_start3A_684 = arith.constant 2 : i32
    %dma_start3A_685 = arith.constant 0 : i32
    %dma_start3A_686 = arith.constant 0 : i32
    %dma_start3A_687 = tpu.memref_slice %arg6[%dma_start3A_683, %dma_start3A_685, %dma_start3A_686] : memref<4x400x64xf32, #tpu.memory_space<vmem>> -> memref<1x400x64xf32, #tpu.memory_space<vmem>>
    %dma_start3A_688 = tpu.memref_squeeze %dma_start3A_687 : memref<1x400x64xf32, #tpu.memory_space<vmem>> -> memref<400x64xf32, #tpu.memory_space<vmem>>
    %dma_start3A_689 = arith.constant 0 : i32
    %dma_start3A_690 = tpu.memref_slice %arg5[%dma_start3A_682, %dma_start3A_689] : memref<4x400xi32, #tpu.memory_space<vmem>> -> memref<1x400xi32, #tpu.memory_space<vmem>>
    %dma_start3A_691 = tpu.memref_squeeze %dma_start3A_690 : memref<1x400xi32, #tpu.memory_space<vmem>> -> memref<400xi32, #tpu.memory_space<vmem>>
    %dma_start3A_692 = arith.constant 0 : i32
    %dma_start3A_693 = arith.constant 0 : i32
    %dma_start3A_694 = tpu.memref_slice %arg2[%dma_start3A_692, %dma_start3A_693] : memref<8192x64xf32, #tpu.memory_space<hbm>> -> memref<8192x64xf32, #tpu.memory_space<hbm>>
    %dma_start3A_695 = tpu.memref_slice %arg8[%dma_start3A_684] : memref<4x!tpu.dma_semaphore, #tpu.memory_space<semaphore_mem>> -> memref<1x!tpu.dma_semaphore, #tpu.memory_space<semaphore_mem>>
    %dma_start3A_696 = tpu.memref_squeeze %dma_start3A_695 : memref<1x!tpu.dma_semaphore, #tpu.memory_space<semaphore_mem>> -> memref<!tpu.dma_semaphore, #tpu.memory_space<semaphore_mem>>
    tpu.enqueue_indirect_dma source(%dma_start3A_694 : memref<8192x64xf32, #tpu.memory_space<hbm>>) target(%dma_start3A_688 : memref<400x64xf32, #tpu.memory_space<vmem>>) offsets(%dma_start3A_691 : memref<400xi32, #tpu.memory_space<vmem>>) semaphore(%dma_start3A_696 : memref<!tpu.dma_semaphore, #tpu.memory_space<semaphore_mem>>)
    %dma_wait3A_697 = arith.constant 1 : i32
    %dma_wait3A_698 = arith.constant 1 : i32
    %dma_wait3A_699 = arith.constant 0 : i32
    %dma_wait3A_700 = arith.constant 0 : i32
    %dma_wait3A_701 = tpu.memref_slice %arg6[%dma_wait3A_697, %dma_wait3A_699, %dma_wait3A_700] : memref<4x400x64xf32, #tpu.memory_space<vmem>> -> memref<1x400x64xf32, #tpu.memory_space<vmem>>
    %dma_wait3A_702 = tpu.memref_squeeze %dma_wait3A_701 : memref<1x400x64xf32, #tpu.memory_space<vmem>> -> memref<400x64xf32, #tpu.memory_space<vmem>>
    %dma_wait3A_703 = arith.constant 0 : i32
    %dma_wait3A_704 = arith.constant 0 : i32
    %dma_wait3A_705 = tpu.memref_slice %arg2[%dma_wait3A_703, %dma_wait3A_704] : memref<8192x64xf32, #tpu.memory_space<hbm>> -> memref<400x64xf32, #tpu.memory_space<hbm>>
    %dma_wait3A_706 = tpu.memref_slice %arg8[%dma_wait3A_698] : memref<4x!tpu.dma_semaphore, #tpu.memory_space<semaphore_mem>> -> memref<1x!tpu.dma_semaphore, #tpu.memory_space<semaphore_mem>>
    %dma_wait3A_707 = tpu.memref_squeeze %dma_wait3A_706 : memref<1x!tpu.dma_semaphore, #tpu.memory_space<semaphore_mem>> -> memref<!tpu.dma_semaphore, #tpu.memory_space<semaphore_mem>>
    %dma_wait3A_708 = arith.constant 0 : i32
    %dma_wait3A_709 = arith.constant 0 : i32
    %dma_wait3A_710 = tpu.memref_slice %arg6[%dma_wait3A_697, %dma_wait3A_708, %dma_wait3A_709] : memref<4x400x64xf32, #tpu.memory_space<vmem>> -> memref<1x400x64xf32, #tpu.memory_space<vmem>>
    %dma_wait3A_711 = tpu.memref_squeeze %dma_wait3A_710 : memref<1x400x64xf32, #tpu.memory_space<vmem>> -> memref<400x64xf32, #tpu.memory_space<vmem>>
    %dma_wait3A_712 = arith.constant 0 : i32
    %dma_wait3A_713 = arith.constant 0 : i32
    %dma_wait3A_714 = tpu.memref_slice %arg2[%dma_wait3A_712, %dma_wait3A_713] : memref<8192x64xf32, #tpu.memory_space<hbm>> -> memref<400x64xf32, #tpu.memory_space<hbm>>
    tpu.wait_dma2 semaphore(%dma_wait3A_707 : memref<!tpu.dma_semaphore, #tpu.memory_space<semaphore_mem>>) src(%dma_wait3A_714 : memref<400x64xf32, #tpu.memory_space<hbm>>) dst(%dma_wait3A_711 : memref<400x64xf32, #tpu.memory_space<vmem>>)
    %add3A_715 = arith.constant 506 : i32
    %add3A_716 = arith.addi %mul3A_4, %add3A_715 : i32
    %add3A_717 = arith.constant 0 : i32
    %add3A_718 = arith.addi %add3A_716, %add3A_717 : i32
    %dma_start3A_719 = arith.constant 1 : i32
    %dma_start3A_720 = arith.constant 1 : i32
    %dma_start3A_721 = arith.constant 0 : i32
    %dma_start3A_722 = arith.constant 0 : i32
    %dma_start3A_723 = tpu.memref_slice %arg6[%dma_start3A_719, %dma_start3A_721, %dma_start3A_722] : memref<4x400x64xf32, #tpu.memory_space<vmem>> -> memref<1x200x64xf32, #tpu.memory_space<vmem>>
    %dma_start3A_724 = tpu.memref_squeeze %dma_start3A_723 : memref<1x200x64xf32, #tpu.memory_space<vmem>> -> memref<200x64xf32, #tpu.memory_space<vmem>>
    %dma_start3A_725 = arith.constant 0 : i32
    %dma_start3A_726 = arith.constant 0 : i32
    %dma_start3A_727 = tpu.memref_slice %arg4[%add3A_718, %dma_start3A_725, %dma_start3A_726] : memref<16384x200x64xf32, #tpu.memory_space<hbm>> -> memref<1x200x64xf32, #tpu.memory_space<hbm>>
    %dma_start3A_728 = tpu.memref_squeeze %dma_start3A_727 : memref<1x200x64xf32, #tpu.memory_space<hbm>> -> memref<200x64xf32, #tpu.memory_space<hbm>>
    %dma_start3A_729 = tpu.memref_slice %arg9[%dma_start3A_720] : memref<4x!tpu.dma_semaphore, #tpu.memory_space<semaphore_mem>> -> memref<1x!tpu.dma_semaphore, #tpu.memory_space<semaphore_mem>>
    %dma_start3A_730 = tpu.memref_squeeze %dma_start3A_729 : memref<1x!tpu.dma_semaphore, #tpu.memory_space<semaphore_mem>> -> memref<!tpu.dma_semaphore, #tpu.memory_space<semaphore_mem>>
    %dma_start3A_731 = arith.constant 0 : i32
    %dma_start3A_732 = arith.constant 0 : i32
    %dma_start3A_733 = tpu.memref_slice %arg4[%add3A_718, %dma_start3A_731, %dma_start3A_732] : memref<16384x200x64xf32, #tpu.memory_space<hbm>> -> memref<1x200x64xf32, #tpu.memory_space<hbm>>
    %dma_start3A_734 = tpu.memref_squeeze %dma_start3A_733 : memref<1x200x64xf32, #tpu.memory_space<hbm>> -> memref<200x64xf32, #tpu.memory_space<hbm>>
    %dma_start3A_735 = arith.constant 0 : i32
    %dma_start3A_736 = arith.constant 0 : i32
    %dma_start3A_737 = tpu.memref_slice %arg6[%dma_start3A_719, %dma_start3A_735, %dma_start3A_736] : memref<4x400x64xf32, #tpu.memory_space<vmem>> -> memref<1x200x64xf32, #tpu.memory_space<vmem>>
    %dma_start3A_738 = tpu.memref_squeeze %dma_start3A_737 : memref<1x200x64xf32, #tpu.memory_space<vmem>> -> memref<200x64xf32, #tpu.memory_space<vmem>>
    tpu.enqueue_dma source(%dma_start3A_738 : memref<200x64xf32, #tpu.memory_space<vmem>>) target(%dma_start3A_734 : memref<200x64xf32, #tpu.memory_space<hbm>>) target_semaphore(%dma_start3A_730 : memref<!tpu.dma_semaphore, #tpu.memory_space<semaphore_mem>>)
    %add3A_739 = arith.constant 1 : i32
    %add3A_740 = arith.addi %add3A_716, %add3A_739 : i32
    %dma_start3A_741 = arith.constant 1 : i32
    %dma_start3A_742 = arith.constant 1 : i32
    %dma_start3A_743 = arith.constant 200 : i32
    %dma_start3A_744 = arith.constant 0 : i32
    %dma_start3A_745 = tpu.memref_slice %arg6[%dma_start3A_741, %dma_start3A_743, %dma_start3A_744] : memref<4x400x64xf32, #tpu.memory_space<vmem>> -> memref<1x200x64xf32, #tpu.memory_space<vmem>>
    %dma_start3A_746 = tpu.memref_squeeze %dma_start3A_745 : memref<1x200x64xf32, #tpu.memory_space<vmem>> -> memref<200x64xf32, #tpu.memory_space<vmem>>
    %dma_start3A_747 = arith.constant 0 : i32
    %dma_start3A_748 = arith.constant 0 : i32
    %dma_start3A_749 = tpu.memref_slice %arg4[%add3A_740, %dma_start3A_747, %dma_start3A_748] : memref<16384x200x64xf32, #tpu.memory_space<hbm>> -> memref<1x200x64xf32, #tpu.memory_space<hbm>>
    %dma_start3A_750 = tpu.memref_squeeze %dma_start3A_749 : memref<1x200x64xf32, #tpu.memory_space<hbm>> -> memref<200x64xf32, #tpu.memory_space<hbm>>
    %dma_start3A_751 = tpu.memref_slice %arg9[%dma_start3A_742] : memref<4x!tpu.dma_semaphore, #tpu.memory_space<semaphore_mem>> -> memref<1x!tpu.dma_semaphore, #tpu.memory_space<semaphore_mem>>
    %dma_start3A_752 = tpu.memref_squeeze %dma_start3A_751 : memref<1x!tpu.dma_semaphore, #tpu.memory_space<semaphore_mem>> -> memref<!tpu.dma_semaphore, #tpu.memory_space<semaphore_mem>>
    %dma_start3A_753 = arith.constant 0 : i32
    %dma_start3A_754 = arith.constant 0 : i32
    %dma_start3A_755 = tpu.memref_slice %arg4[%add3A_740, %dma_start3A_753, %dma_start3A_754] : memref<16384x200x64xf32, #tpu.memory_space<hbm>> -> memref<1x200x64xf32, #tpu.memory_space<hbm>>
    %dma_start3A_756 = tpu.memref_squeeze %dma_start3A_755 : memref<1x200x64xf32, #tpu.memory_space<hbm>> -> memref<200x64xf32, #tpu.memory_space<hbm>>
    %dma_start3A_757 = arith.constant 200 : i32
    %dma_start3A_758 = arith.constant 0 : i32
    %dma_start3A_759 = tpu.memref_slice %arg6[%dma_start3A_741, %dma_start3A_757, %dma_start3A_758] : memref<4x400x64xf32, #tpu.memory_space<vmem>> -> memref<1x200x64xf32, #tpu.memory_space<vmem>>
    %dma_start3A_760 = tpu.memref_squeeze %dma_start3A_759 : memref<1x200x64xf32, #tpu.memory_space<vmem>> -> memref<200x64xf32, #tpu.memory_space<vmem>>
    tpu.enqueue_dma source(%dma_start3A_760 : memref<200x64xf32, #tpu.memory_space<vmem>>) target(%dma_start3A_756 : memref<200x64xf32, #tpu.memory_space<hbm>>) target_semaphore(%dma_start3A_752 : memref<!tpu.dma_semaphore, #tpu.memory_space<semaphore_mem>>)
    %dma_wait3A_761 = arith.constant 3 : i32
    %dma_wait3A_762 = arith.constant 3 : i32
    %dma_wait3A_763 = arith.constant 0 : i32
    %dma_wait3A_764 = tpu.memref_slice %arg5[%dma_wait3A_761, %dma_wait3A_763] : memref<4x400xi32, #tpu.memory_space<vmem>> -> memref<1x400xi32, #tpu.memory_space<vmem>>
    %dma_wait3A_765 = tpu.memref_squeeze %dma_wait3A_764 : memref<1x400xi32, #tpu.memory_space<vmem>> -> memref<400xi32, #tpu.memory_space<vmem>>
    %dma_wait3A_766 = arith.constant 0 : i32
    %dma_wait3A_767 = tpu.memref_slice %arg3[%dma_wait3A_766] : memref<3276800xi32, #tpu.memory_space<hbm>> -> memref<400xi32, #tpu.memory_space<hbm>>
    %dma_wait3A_768 = tpu.memref_slice %arg7[%dma_wait3A_762] : memref<4x!tpu.dma_semaphore, #tpu.memory_space<semaphore_mem>> -> memref<1x!tpu.dma_semaphore, #tpu.memory_space<semaphore_mem>>
    %dma_wait3A_769 = tpu.memref_squeeze %dma_wait3A_768 : memref<1x!tpu.dma_semaphore, #tpu.memory_space<semaphore_mem>> -> memref<!tpu.dma_semaphore, #tpu.memory_space<semaphore_mem>>
    %dma_wait3A_770 = arith.constant 0 : i32
    %dma_wait3A_771 = tpu.memref_slice %arg5[%dma_wait3A_761, %dma_wait3A_770] : memref<4x400xi32, #tpu.memory_space<vmem>> -> memref<1x400xi32, #tpu.memory_space<vmem>>
    %dma_wait3A_772 = tpu.memref_squeeze %dma_wait3A_771 : memref<1x400xi32, #tpu.memory_space<vmem>> -> memref<400xi32, #tpu.memory_space<vmem>>
    %dma_wait3A_773 = arith.constant 0 : i32
    %dma_wait3A_774 = tpu.memref_slice %arg3[%dma_wait3A_773] : memref<3276800xi32, #tpu.memory_space<hbm>> -> memref<400xi32, #tpu.memory_space<hbm>>
    tpu.wait_dma2 semaphore(%dma_wait3A_769 : memref<!tpu.dma_semaphore, #tpu.memory_space<semaphore_mem>>) src(%dma_wait3A_774 : memref<400xi32, #tpu.memory_space<hbm>>) dst(%dma_wait3A_772 : memref<400xi32, #tpu.memory_space<vmem>>)
    %dma_wait3A_775 = arith.constant 3 : i32
    %dma_wait3A_776 = arith.constant 3 : i32
    %dma_wait3A_777 = arith.constant 0 : i32
    %dma_wait3A_778 = arith.constant 0 : i32
    %dma_wait3A_779 = tpu.memref_slice %arg6[%dma_wait3A_775, %dma_wait3A_777, %dma_wait3A_778] : memref<4x400x64xf32, #tpu.memory_space<vmem>> -> memref<1x400x64xf32, #tpu.memory_space<vmem>>
    %dma_wait3A_780 = tpu.memref_squeeze %dma_wait3A_779 : memref<1x400x64xf32, #tpu.memory_space<vmem>> -> memref<400x64xf32, #tpu.memory_space<vmem>>
    %dma_wait3A_781 = arith.constant 0 : i32
    %dma_wait3A_782 = arith.constant 0 : i32
    %dma_wait3A_783 = tpu.memref_slice %arg2[%dma_wait3A_781, %dma_wait3A_782] : memref<8192x64xf32, #tpu.memory_space<hbm>> -> memref<400x64xf32, #tpu.memory_space<hbm>>
    %dma_wait3A_784 = tpu.memref_slice %arg9[%dma_wait3A_776] : memref<4x!tpu.dma_semaphore, #tpu.memory_space<semaphore_mem>> -> memref<1x!tpu.dma_semaphore, #tpu.memory_space<semaphore_mem>>
    %dma_wait3A_785 = tpu.memref_squeeze %dma_wait3A_784 : memref<1x!tpu.dma_semaphore, #tpu.memory_space<semaphore_mem>> -> memref<!tpu.dma_semaphore, #tpu.memory_space<semaphore_mem>>
    %dma_wait3A_786 = arith.constant 0 : i32
    %dma_wait3A_787 = arith.constant 0 : i32
    %dma_wait3A_788 = tpu.memref_slice %arg6[%dma_wait3A_775, %dma_wait3A_786, %dma_wait3A_787] : memref<4x400x64xf32, #tpu.memory_space<vmem>> -> memref<1x400x64xf32, #tpu.memory_space<vmem>>
    %dma_wait3A_789 = tpu.memref_squeeze %dma_wait3A_788 : memref<1x400x64xf32, #tpu.memory_space<vmem>> -> memref<400x64xf32, #tpu.memory_space<vmem>>
    %dma_wait3A_790 = arith.constant 0 : i32
    %dma_wait3A_791 = arith.constant 0 : i32
    %dma_wait3A_792 = tpu.memref_slice %arg2[%dma_wait3A_790, %dma_wait3A_791] : memref<8192x64xf32, #tpu.memory_space<hbm>> -> memref<400x64xf32, #tpu.memory_space<hbm>>
    tpu.wait_dma2 semaphore(%dma_wait3A_785 : memref<!tpu.dma_semaphore, #tpu.memory_space<semaphore_mem>>) src(%dma_wait3A_792 : memref<400x64xf32, #tpu.memory_space<hbm>>) dst(%dma_wait3A_789 : memref<400x64xf32, #tpu.memory_space<vmem>>)
    %dma_start3A_793 = arith.constant 3 : i32
    %dma_start3A_794 = arith.constant 3 : i32
    %dma_start3A_795 = arith.constant 3 : i32
    %dma_start3A_796 = arith.constant 0 : i32
    %dma_start3A_797 = arith.constant 0 : i32
    %dma_start3A_798 = tpu.memref_slice %arg6[%dma_start3A_794, %dma_start3A_796, %dma_start3A_797] : memref<4x400x64xf32, #tpu.memory_space<vmem>> -> memref<1x400x64xf32, #tpu.memory_space<vmem>>
    %dma_start3A_799 = tpu.memref_squeeze %dma_start3A_798 : memref<1x400x64xf32, #tpu.memory_space<vmem>> -> memref<400x64xf32, #tpu.memory_space<vmem>>
    %dma_start3A_800 = arith.constant 0 : i32
    %dma_start3A_801 = tpu.memref_slice %arg5[%dma_start3A_793, %dma_start3A_800] : memref<4x400xi32, #tpu.memory_space<vmem>> -> memref<1x400xi32, #tpu.memory_space<vmem>>
    %dma_start3A_802 = tpu.memref_squeeze %dma_start3A_801 : memref<1x400xi32, #tpu.memory_space<vmem>> -> memref<400xi32, #tpu.memory_space<vmem>>
    %dma_start3A_803 = arith.constant 0 : i32
    %dma_start3A_804 = arith.constant 0 : i32
    %dma_start3A_805 = tpu.memref_slice %arg2[%dma_start3A_803, %dma_start3A_804] : memref<8192x64xf32, #tpu.memory_space<hbm>> -> memref<8192x64xf32, #tpu.memory_space<hbm>>
    %dma_start3A_806 = tpu.memref_slice %arg8[%dma_start3A_795] : memref<4x!tpu.dma_semaphore, #tpu.memory_space<semaphore_mem>> -> memref<1x!tpu.dma_semaphore, #tpu.memory_space<semaphore_mem>>
    %dma_start3A_807 = tpu.memref_squeeze %dma_start3A_806 : memref<1x!tpu.dma_semaphore, #tpu.memory_space<semaphore_mem>> -> memref<!tpu.dma_semaphore, #tpu.memory_space<semaphore_mem>>
    tpu.enqueue_indirect_dma source(%dma_start3A_805 : memref<8192x64xf32, #tpu.memory_space<hbm>>) target(%dma_start3A_799 : memref<400x64xf32, #tpu.memory_space<vmem>>) offsets(%dma_start3A_802 : memref<400xi32, #tpu.memory_space<vmem>>) semaphore(%dma_start3A_807 : memref<!tpu.dma_semaphore, #tpu.memory_space<semaphore_mem>>)
    %dma_wait3A_808 = arith.constant 2 : i32
    %dma_wait3A_809 = arith.constant 2 : i32
    %dma_wait3A_810 = arith.constant 0 : i32
    %dma_wait3A_811 = arith.constant 0 : i32
    %dma_wait3A_812 = tpu.memref_slice %arg6[%dma_wait3A_808, %dma_wait3A_810, %dma_wait3A_811] : memref<4x400x64xf32, #tpu.memory_space<vmem>> -> memref<1x400x64xf32, #tpu.memory_space<vmem>>
    %dma_wait3A_813 = tpu.memref_squeeze %dma_wait3A_812 : memref<1x400x64xf32, #tpu.memory_space<vmem>> -> memref<400x64xf32, #tpu.memory_space<vmem>>
    %dma_wait3A_814 = arith.constant 0 : i32
    %dma_wait3A_815 = arith.constant 0 : i32
    %dma_wait3A_816 = tpu.memref_slice %arg2[%dma_wait3A_814, %dma_wait3A_815] : memref<8192x64xf32, #tpu.memory_space<hbm>> -> memref<400x64xf32, #tpu.memory_space<hbm>>
    %dma_wait3A_817 = tpu.memref_slice %arg8[%dma_wait3A_809] : memref<4x!tpu.dma_semaphore, #tpu.memory_space<semaphore_mem>> -> memref<1x!tpu.dma_semaphore, #tpu.memory_space<semaphore_mem>>
    %dma_wait3A_818 = tpu.memref_squeeze %dma_wait3A_817 : memref<1x!tpu.dma_semaphore, #tpu.memory_space<semaphore_mem>> -> memref<!tpu.dma_semaphore, #tpu.memory_space<semaphore_mem>>
    %dma_wait3A_819 = arith.constant 0 : i32
    %dma_wait3A_820 = arith.constant 0 : i32
    %dma_wait3A_821 = tpu.memref_slice %arg6[%dma_wait3A_808, %dma_wait3A_819, %dma_wait3A_820] : memref<4x400x64xf32, #tpu.memory_space<vmem>> -> memref<1x400x64xf32, #tpu.memory_space<vmem>>
    %dma_wait3A_822 = tpu.memref_squeeze %dma_wait3A_821 : memref<1x400x64xf32, #tpu.memory_space<vmem>> -> memref<400x64xf32, #tpu.memory_space<vmem>>
    %dma_wait3A_823 = arith.constant 0 : i32
    %dma_wait3A_824 = arith.constant 0 : i32
    %dma_wait3A_825 = tpu.memref_slice %arg2[%dma_wait3A_823, %dma_wait3A_824] : memref<8192x64xf32, #tpu.memory_space<hbm>> -> memref<400x64xf32, #tpu.memory_space<hbm>>
    tpu.wait_dma2 semaphore(%dma_wait3A_818 : memref<!tpu.dma_semaphore, #tpu.memory_space<semaphore_mem>>) src(%dma_wait3A_825 : memref<400x64xf32, #tpu.memory_space<hbm>>) dst(%dma_wait3A_822 : memref<400x64xf32, #tpu.memory_space<vmem>>)
    %add3A_826 = arith.constant 508 : i32
    %add3A_827 = arith.addi %mul3A_4, %add3A_826 : i32
    %add3A_828 = arith.constant 0 : i32
    %add3A_829 = arith.addi %add3A_827, %add3A_828 : i32
    %dma_start3A_830 = arith.constant 2 : i32
    %dma_start3A_831 = arith.constant 2 : i32
    %dma_start3A_832 = arith.constant 0 : i32
    %dma_start3A_833 = arith.constant 0 : i32
    %dma_start3A_834 = tpu.memref_slice %arg6[%dma_start3A_830, %dma_start3A_832, %dma_start3A_833] : memref<4x400x64xf32, #tpu.memory_space<vmem>> -> memref<1x200x64xf32, #tpu.memory_space<vmem>>
    %dma_start3A_835 = tpu.memref_squeeze %dma_start3A_834 : memref<1x200x64xf32, #tpu.memory_space<vmem>> -> memref<200x64xf32, #tpu.memory_space<vmem>>
    %dma_start3A_836 = arith.constant 0 : i32
    %dma_start3A_837 = arith.constant 0 : i32
    %dma_start3A_838 = tpu.memref_slice %arg4[%add3A_829, %dma_start3A_836, %dma_start3A_837] : memref<16384x200x64xf32, #tpu.memory_space<hbm>> -> memref<1x200x64xf32, #tpu.memory_space<hbm>>
    %dma_start3A_839 = tpu.memref_squeeze %dma_start3A_838 : memref<1x200x64xf32, #tpu.memory_space<hbm>> -> memref<200x64xf32, #tpu.memory_space<hbm>>
    %dma_start3A_840 = tpu.memref_slice %arg9[%dma_start3A_831] : memref<4x!tpu.dma_semaphore, #tpu.memory_space<semaphore_mem>> -> memref<1x!tpu.dma_semaphore, #tpu.memory_space<semaphore_mem>>
    %dma_start3A_841 = tpu.memref_squeeze %dma_start3A_840 : memref<1x!tpu.dma_semaphore, #tpu.memory_space<semaphore_mem>> -> memref<!tpu.dma_semaphore, #tpu.memory_space<semaphore_mem>>
    %dma_start3A_842 = arith.constant 0 : i32
    %dma_start3A_843 = arith.constant 0 : i32
    %dma_start3A_844 = tpu.memref_slice %arg4[%add3A_829, %dma_start3A_842, %dma_start3A_843] : memref<16384x200x64xf32, #tpu.memory_space<hbm>> -> memref<1x200x64xf32, #tpu.memory_space<hbm>>
    %dma_start3A_845 = tpu.memref_squeeze %dma_start3A_844 : memref<1x200x64xf32, #tpu.memory_space<hbm>> -> memref<200x64xf32, #tpu.memory_space<hbm>>
    %dma_start3A_846 = arith.constant 0 : i32
    %dma_start3A_847 = arith.constant 0 : i32
    %dma_start3A_848 = tpu.memref_slice %arg6[%dma_start3A_830, %dma_start3A_846, %dma_start3A_847] : memref<4x400x64xf32, #tpu.memory_space<vmem>> -> memref<1x200x64xf32, #tpu.memory_space<vmem>>
    %dma_start3A_849 = tpu.memref_squeeze %dma_start3A_848 : memref<1x200x64xf32, #tpu.memory_space<vmem>> -> memref<200x64xf32, #tpu.memory_space<vmem>>
    tpu.enqueue_dma source(%dma_start3A_849 : memref<200x64xf32, #tpu.memory_space<vmem>>) target(%dma_start3A_845 : memref<200x64xf32, #tpu.memory_space<hbm>>) target_semaphore(%dma_start3A_841 : memref<!tpu.dma_semaphore, #tpu.memory_space<semaphore_mem>>)
    %add3A_850 = arith.constant 1 : i32
    %add3A_851 = arith.addi %add3A_827, %add3A_850 : i32
    %dma_start3A_852 = arith.constant 2 : i32
    %dma_start3A_853 = arith.constant 2 : i32
    %dma_start3A_854 = arith.constant 200 : i32
    %dma_start3A_855 = arith.constant 0 : i32
    %dma_start3A_856 = tpu.memref_slice %arg6[%dma_start3A_852, %dma_start3A_854, %dma_start3A_855] : memref<4x400x64xf32, #tpu.memory_space<vmem>> -> memref<1x200x64xf32, #tpu.memory_space<vmem>>
    %dma_start3A_857 = tpu.memref_squeeze %dma_start3A_856 : memref<1x200x64xf32, #tpu.memory_space<vmem>> -> memref<200x64xf32, #tpu.memory_space<vmem>>
    %dma_start3A_858 = arith.constant 0 : i32
    %dma_start3A_859 = arith.constant 0 : i32
    %dma_start3A_860 = tpu.memref_slice %arg4[%add3A_851, %dma_start3A_858, %dma_start3A_859] : memref<16384x200x64xf32, #tpu.memory_space<hbm>> -> memref<1x200x64xf32, #tpu.memory_space<hbm>>
    %dma_start3A_861 = tpu.memref_squeeze %dma_start3A_860 : memref<1x200x64xf32, #tpu.memory_space<hbm>> -> memref<200x64xf32, #tpu.memory_space<hbm>>
    %dma_start3A_862 = tpu.memref_slice %arg9[%dma_start3A_853] : memref<4x!tpu.dma_semaphore, #tpu.memory_space<semaphore_mem>> -> memref<1x!tpu.dma_semaphore, #tpu.memory_space<semaphore_mem>>
    %dma_start3A_863 = tpu.memref_squeeze %dma_start3A_862 : memref<1x!tpu.dma_semaphore, #tpu.memory_space<semaphore_mem>> -> memref<!tpu.dma_semaphore, #tpu.memory_space<semaphore_mem>>
    %dma_start3A_864 = arith.constant 0 : i32
    %dma_start3A_865 = arith.constant 0 : i32
    %dma_start3A_866 = tpu.memref_slice %arg4[%add3A_851, %dma_start3A_864, %dma_start3A_865] : memref<16384x200x64xf32, #tpu.memory_space<hbm>> -> memref<1x200x64xf32, #tpu.memory_space<hbm>>
    %dma_start3A_867 = tpu.memref_squeeze %dma_start3A_866 : memref<1x200x64xf32, #tpu.memory_space<hbm>> -> memref<200x64xf32, #tpu.memory_space<hbm>>
    %dma_start3A_868 = arith.constant 200 : i32
    %dma_start3A_869 = arith.constant 0 : i32
    %dma_start3A_870 = tpu.memref_slice %arg6[%dma_start3A_852, %dma_start3A_868, %dma_start3A_869] : memref<4x400x64xf32, #tpu.memory_space<vmem>> -> memref<1x200x64xf32, #tpu.memory_space<vmem>>
    %dma_start3A_871 = tpu.memref_squeeze %dma_start3A_870 : memref<1x200x64xf32, #tpu.memory_space<vmem>> -> memref<200x64xf32, #tpu.memory_space<vmem>>
    tpu.enqueue_dma source(%dma_start3A_871 : memref<200x64xf32, #tpu.memory_space<vmem>>) target(%dma_start3A_867 : memref<200x64xf32, #tpu.memory_space<hbm>>) target_semaphore(%dma_start3A_863 : memref<!tpu.dma_semaphore, #tpu.memory_space<semaphore_mem>>)
    %dma_wait3A_872 = arith.constant 3 : i32
    %dma_wait3A_873 = arith.constant 3 : i32
    %dma_wait3A_874 = arith.constant 0 : i32
    %dma_wait3A_875 = arith.constant 0 : i32
    %dma_wait3A_876 = tpu.memref_slice %arg6[%dma_wait3A_872, %dma_wait3A_874, %dma_wait3A_875] : memref<4x400x64xf32, #tpu.memory_space<vmem>> -> memref<1x400x64xf32, #tpu.memory_space<vmem>>
    %dma_wait3A_877 = tpu.memref_squeeze %dma_wait3A_876 : memref<1x400x64xf32, #tpu.memory_space<vmem>> -> memref<400x64xf32, #tpu.memory_space<vmem>>
    %dma_wait3A_878 = arith.constant 0 : i32
    %dma_wait3A_879 = arith.constant 0 : i32
    %dma_wait3A_880 = tpu.memref_slice %arg2[%dma_wait3A_878, %dma_wait3A_879] : memref<8192x64xf32, #tpu.memory_space<hbm>> -> memref<400x64xf32, #tpu.memory_space<hbm>>
    %dma_wait3A_881 = tpu.memref_slice %arg8[%dma_wait3A_873] : memref<4x!tpu.dma_semaphore, #tpu.memory_space<semaphore_mem>> -> memref<1x!tpu.dma_semaphore, #tpu.memory_space<semaphore_mem>>
    %dma_wait3A_882 = tpu.memref_squeeze %dma_wait3A_881 : memref<1x!tpu.dma_semaphore, #tpu.memory_space<semaphore_mem>> -> memref<!tpu.dma_semaphore, #tpu.memory_space<semaphore_mem>>
    %dma_wait3A_883 = arith.constant 0 : i32
    %dma_wait3A_884 = arith.constant 0 : i32
    %dma_wait3A_885 = tpu.memref_slice %arg6[%dma_wait3A_872, %dma_wait3A_883, %dma_wait3A_884] : memref<4x400x64xf32, #tpu.memory_space<vmem>> -> memref<1x400x64xf32, #tpu.memory_space<vmem>>
    %dma_wait3A_886 = tpu.memref_squeeze %dma_wait3A_885 : memref<1x400x64xf32, #tpu.memory_space<vmem>> -> memref<400x64xf32, #tpu.memory_space<vmem>>
    %dma_wait3A_887 = arith.constant 0 : i32
    %dma_wait3A_888 = arith.constant 0 : i32
    %dma_wait3A_889 = tpu.memref_slice %arg2[%dma_wait3A_887, %dma_wait3A_888] : memref<8192x64xf32, #tpu.memory_space<hbm>> -> memref<400x64xf32, #tpu.memory_space<hbm>>
    tpu.wait_dma2 semaphore(%dma_wait3A_882 : memref<!tpu.dma_semaphore, #tpu.memory_space<semaphore_mem>>) src(%dma_wait3A_889 : memref<400x64xf32, #tpu.memory_space<hbm>>) dst(%dma_wait3A_886 : memref<400x64xf32, #tpu.memory_space<vmem>>)
    %add3A_890 = arith.constant 510 : i32
    %add3A_891 = arith.addi %mul3A_4, %add3A_890 : i32
    %add3A_892 = arith.constant 0 : i32
    %add3A_893 = arith.addi %add3A_891, %add3A_892 : i32
    %dma_start3A_894 = arith.constant 3 : i32
    %dma_start3A_895 = arith.constant 3 : i32
    %dma_start3A_896 = arith.constant 0 : i32
    %dma_start3A_897 = arith.constant 0 : i32
    %dma_start3A_898 = tpu.memref_slice %arg6[%dma_start3A_894, %dma_start3A_896, %dma_start3A_897] : memref<4x400x64xf32, #tpu.memory_space<vmem>> -> memref<1x200x64xf32, #tpu.memory_space<vmem>>
    %dma_start3A_899 = tpu.memref_squeeze %dma_start3A_898 : memref<1x200x64xf32, #tpu.memory_space<vmem>> -> memref<200x64xf32, #tpu.memory_space<vmem>>
    %dma_start3A_900 = arith.constant 0 : i32
    %dma_start3A_901 = arith.constant 0 : i32
    %dma_start3A_902 = tpu.memref_slice %arg4[%add3A_893, %dma_start3A_900, %dma_start3A_901] : memref<16384x200x64xf32, #tpu.memory_space<hbm>> -> memref<1x200x64xf32, #tpu.memory_space<hbm>>
    %dma_start3A_903 = tpu.memref_squeeze %dma_start3A_902 : memref<1x200x64xf32, #tpu.memory_space<hbm>> -> memref<200x64xf32, #tpu.memory_space<hbm>>
    %dma_start3A_904 = tpu.memref_slice %arg9[%dma_start3A_895] : memref<4x!tpu.dma_semaphore, #tpu.memory_space<semaphore_mem>> -> memref<1x!tpu.dma_semaphore, #tpu.memory_space<semaphore_mem>>
    %dma_start3A_905 = tpu.memref_squeeze %dma_start3A_904 : memref<1x!tpu.dma_semaphore, #tpu.memory_space<semaphore_mem>> -> memref<!tpu.dma_semaphore, #tpu.memory_space<semaphore_mem>>
    %dma_start3A_906 = arith.constant 0 : i32
    %dma_start3A_907 = arith.constant 0 : i32
    %dma_start3A_908 = tpu.memref_slice %arg4[%add3A_893, %dma_start3A_906, %dma_start3A_907] : memref<16384x200x64xf32, #tpu.memory_space<hbm>> -> memref<1x200x64xf32, #tpu.memory_space<hbm>>
    %dma_start3A_909 = tpu.memref_squeeze %dma_start3A_908 : memref<1x200x64xf32, #tpu.memory_space<hbm>> -> memref<200x64xf32, #tpu.memory_space<hbm>>
    %dma_start3A_910 = arith.constant 0 : i32
    %dma_start3A_911 = arith.constant 0 : i32
    %dma_start3A_912 = tpu.memref_slice %arg6[%dma_start3A_894, %dma_start3A_910, %dma_start3A_911] : memref<4x400x64xf32, #tpu.memory_space<vmem>> -> memref<1x200x64xf32, #tpu.memory_space<vmem>>
    %dma_start3A_913 = tpu.memref_squeeze %dma_start3A_912 : memref<1x200x64xf32, #tpu.memory_space<vmem>> -> memref<200x64xf32, #tpu.memory_space<vmem>>
    tpu.enqueue_dma source(%dma_start3A_913 : memref<200x64xf32, #tpu.memory_space<vmem>>) target(%dma_start3A_909 : memref<200x64xf32, #tpu.memory_space<hbm>>) target_semaphore(%dma_start3A_905 : memref<!tpu.dma_semaphore, #tpu.memory_space<semaphore_mem>>)
    %add3A_914 = arith.constant 1 : i32
    %add3A_915 = arith.addi %add3A_891, %add3A_914 : i32
    %dma_start3A_916 = arith.constant 3 : i32
    %dma_start3A_917 = arith.constant 3 : i32
    %dma_start3A_918 = arith.constant 200 : i32
    %dma_start3A_919 = arith.constant 0 : i32
    %dma_start3A_920 = tpu.memref_slice %arg6[%dma_start3A_916, %dma_start3A_918, %dma_start3A_919] : memref<4x400x64xf32, #tpu.memory_space<vmem>> -> memref<1x200x64xf32, #tpu.memory_space<vmem>>
    %dma_start3A_921 = tpu.memref_squeeze %dma_start3A_920 : memref<1x200x64xf32, #tpu.memory_space<vmem>> -> memref<200x64xf32, #tpu.memory_space<vmem>>
    %dma_start3A_922 = arith.constant 0 : i32
    %dma_start3A_923 = arith.constant 0 : i32
    %dma_start3A_924 = tpu.memref_slice %arg4[%add3A_915, %dma_start3A_922, %dma_start3A_923] : memref<16384x200x64xf32, #tpu.memory_space<hbm>> -> memref<1x200x64xf32, #tpu.memory_space<hbm>>
    %dma_start3A_925 = tpu.memref_squeeze %dma_start3A_924 : memref<1x200x64xf32, #tpu.memory_space<hbm>> -> memref<200x64xf32, #tpu.memory_space<hbm>>
    %dma_start3A_926 = tpu.memref_slice %arg9[%dma_start3A_917] : memref<4x!tpu.dma_semaphore, #tpu.memory_space<semaphore_mem>> -> memref<1x!tpu.dma_semaphore, #tpu.memory_space<semaphore_mem>>
    %dma_start3A_927 = tpu.memref_squeeze %dma_start3A_926 : memref<1x!tpu.dma_semaphore, #tpu.memory_space<semaphore_mem>> -> memref<!tpu.dma_semaphore, #tpu.memory_space<semaphore_mem>>
    %dma_start3A_928 = arith.constant 0 : i32
    %dma_start3A_929 = arith.constant 0 : i32
    %dma_start3A_930 = tpu.memref_slice %arg4[%add3A_915, %dma_start3A_928, %dma_start3A_929] : memref<16384x200x64xf32, #tpu.memory_space<hbm>> -> memref<1x200x64xf32, #tpu.memory_space<hbm>>
    %dma_start3A_931 = tpu.memref_squeeze %dma_start3A_930 : memref<1x200x64xf32, #tpu.memory_space<hbm>> -> memref<200x64xf32, #tpu.memory_space<hbm>>
    %dma_start3A_932 = arith.constant 200 : i32
    %dma_start3A_933 = arith.constant 0 : i32
    %dma_start3A_934 = tpu.memref_slice %arg6[%dma_start3A_916, %dma_start3A_932, %dma_start3A_933] : memref<4x400x64xf32, #tpu.memory_space<vmem>> -> memref<1x200x64xf32, #tpu.memory_space<vmem>>
    %dma_start3A_935 = tpu.memref_squeeze %dma_start3A_934 : memref<1x200x64xf32, #tpu.memory_space<vmem>> -> memref<200x64xf32, #tpu.memory_space<vmem>>
    tpu.enqueue_dma source(%dma_start3A_935 : memref<200x64xf32, #tpu.memory_space<vmem>>) target(%dma_start3A_931 : memref<200x64xf32, #tpu.memory_space<hbm>>) target_semaphore(%dma_start3A_927 : memref<!tpu.dma_semaphore, #tpu.memory_space<semaphore_mem>>)
    %dma_wait3A_936 = arith.constant 0 : i32
    %dma_wait3A_937 = arith.constant 0 : i32
    %dma_wait3A_938 = arith.constant 0 : i32
    %dma_wait3A_939 = arith.constant 0 : i32
    %dma_wait3A_940 = tpu.memref_slice %arg6[%dma_wait3A_936, %dma_wait3A_938, %dma_wait3A_939] : memref<4x400x64xf32, #tpu.memory_space<vmem>> -> memref<1x400x64xf32, #tpu.memory_space<vmem>>
    %dma_wait3A_941 = tpu.memref_squeeze %dma_wait3A_940 : memref<1x400x64xf32, #tpu.memory_space<vmem>> -> memref<400x64xf32, #tpu.memory_space<vmem>>
    %dma_wait3A_942 = arith.constant 0 : i32
    %dma_wait3A_943 = arith.constant 0 : i32
    %dma_wait3A_944 = tpu.memref_slice %arg2[%dma_wait3A_942, %dma_wait3A_943] : memref<8192x64xf32, #tpu.memory_space<hbm>> -> memref<400x64xf32, #tpu.memory_space<hbm>>
    %dma_wait3A_945 = tpu.memref_slice %arg9[%dma_wait3A_937] : memref<4x!tpu.dma_semaphore, #tpu.memory_space<semaphore_mem>> -> memref<1x!tpu.dma_semaphore, #tpu.memory_space<semaphore_mem>>
    %dma_wait3A_946 = tpu.memref_squeeze %dma_wait3A_945 : memref<1x!tpu.dma_semaphore, #tpu.memory_space<semaphore_mem>> -> memref<!tpu.dma_semaphore, #tpu.memory_space<semaphore_mem>>
    %dma_wait3A_947 = arith.constant 0 : i32
    %dma_wait3A_948 = arith.constant 0 : i32
    %dma_wait3A_949 = tpu.memref_slice %arg6[%dma_wait3A_936, %dma_wait3A_947, %dma_wait3A_948] : memref<4x400x64xf32, #tpu.memory_space<vmem>> -> memref<1x400x64xf32, #tpu.memory_space<vmem>>
    %dma_wait3A_950 = tpu.memref_squeeze %dma_wait3A_949 : memref<1x400x64xf32, #tpu.memory_space<vmem>> -> memref<400x64xf32, #tpu.memory_space<vmem>>
    %dma_wait3A_951 = arith.constant 0 : i32
    %dma_wait3A_952 = arith.constant 0 : i32
    %dma_wait3A_953 = tpu.memref_slice %arg2[%dma_wait3A_951, %dma_wait3A_952] : memref<8192x64xf32, #tpu.memory_space<hbm>> -> memref<400x64xf32, #tpu.memory_space<hbm>>
    tpu.wait_dma2 semaphore(%dma_wait3A_946 : memref<!tpu.dma_semaphore, #tpu.memory_space<semaphore_mem>>) src(%dma_wait3A_953 : memref<400x64xf32, #tpu.memory_space<hbm>>) dst(%dma_wait3A_950 : memref<400x64xf32, #tpu.memory_space<vmem>>)
    %dma_wait3A_954 = arith.constant 1 : i32
    %dma_wait3A_955 = arith.constant 1 : i32
    %dma_wait3A_956 = arith.constant 0 : i32
    %dma_wait3A_957 = arith.constant 0 : i32
    %dma_wait3A_958 = tpu.memref_slice %arg6[%dma_wait3A_954, %dma_wait3A_956, %dma_wait3A_957] : memref<4x400x64xf32, #tpu.memory_space<vmem>> -> memref<1x400x64xf32, #tpu.memory_space<vmem>>
    %dma_wait3A_959 = tpu.memref_squeeze %dma_wait3A_958 : memref<1x400x64xf32, #tpu.memory_space<vmem>> -> memref<400x64xf32, #tpu.memory_space<vmem>>
    %dma_wait3A_960 = arith.constant 0 : i32
    %dma_wait3A_961 = arith.constant 0 : i32
    %dma_wait3A_962 = tpu.memref_slice %arg2[%dma_wait3A_960, %dma_wait3A_961] : memref<8192x64xf32, #tpu.memory_space<hbm>> -> memref<400x64xf32, #tpu.memory_space<hbm>>
    %dma_wait3A_963 = tpu.memref_slice %arg9[%dma_wait3A_955] : memref<4x!tpu.dma_semaphore, #tpu.memory_space<semaphore_mem>> -> memref<1x!tpu.dma_semaphore, #tpu.memory_space<semaphore_mem>>
    %dma_wait3A_964 = tpu.memref_squeeze %dma_wait3A_963 : memref<1x!tpu.dma_semaphore, #tpu.memory_space<semaphore_mem>> -> memref<!tpu.dma_semaphore, #tpu.memory_space<semaphore_mem>>
    %dma_wait3A_965 = arith.constant 0 : i32
    %dma_wait3A_966 = arith.constant 0 : i32
    %dma_wait3A_967 = tpu.memref_slice %arg6[%dma_wait3A_954, %dma_wait3A_965, %dma_wait3A_966] : memref<4x400x64xf32, #tpu.memory_space<vmem>> -> memref<1x400x64xf32, #tpu.memory_space<vmem>>
    %dma_wait3A_968 = tpu.memref_squeeze %dma_wait3A_967 : memref<1x400x64xf32, #tpu.memory_space<vmem>> -> memref<400x64xf32, #tpu.memory_space<vmem>>
    %dma_wait3A_969 = arith.constant 0 : i32
    %dma_wait3A_970 = arith.constant 0 : i32
    %dma_wait3A_971 = tpu.memref_slice %arg2[%dma_wait3A_969, %dma_wait3A_970] : memref<8192x64xf32, #tpu.memory_space<hbm>> -> memref<400x64xf32, #tpu.memory_space<hbm>>
    tpu.wait_dma2 semaphore(%dma_wait3A_964 : memref<!tpu.dma_semaphore, #tpu.memory_space<semaphore_mem>>) src(%dma_wait3A_971 : memref<400x64xf32, #tpu.memory_space<hbm>>) dst(%dma_wait3A_968 : memref<400x64xf32, #tpu.memory_space<vmem>>)
    %dma_wait3A_972 = arith.constant 2 : i32
    %dma_wait3A_973 = arith.constant 2 : i32
    %dma_wait3A_974 = arith.constant 0 : i32
    %dma_wait3A_975 = arith.constant 0 : i32
    %dma_wait3A_976 = tpu.memref_slice %arg6[%dma_wait3A_972, %dma_wait3A_974, %dma_wait3A_975] : memref<4x400x64xf32, #tpu.memory_space<vmem>> -> memref<1x400x64xf32, #tpu.memory_space<vmem>>
    %dma_wait3A_977 = tpu.memref_squeeze %dma_wait3A_976 : memref<1x400x64xf32, #tpu.memory_space<vmem>> -> memref<400x64xf32, #tpu.memory_space<vmem>>
    %dma_wait3A_978 = arith.constant 0 : i32
    %dma_wait3A_979 = arith.constant 0 : i32
    %dma_wait3A_980 = tpu.memref_slice %arg2[%dma_wait3A_978, %dma_wait3A_979] : memref<8192x64xf32, #tpu.memory_space<hbm>> -> memref<400x64xf32, #tpu.memory_space<hbm>>
    %dma_wait3A_981 = tpu.memref_slice %arg9[%dma_wait3A_973] : memref<4x!tpu.dma_semaphore, #tpu.memory_space<semaphore_mem>> -> memref<1x!tpu.dma_semaphore, #tpu.memory_space<semaphore_mem>>
    %dma_wait3A_982 = tpu.memref_squeeze %dma_wait3A_981 : memref<1x!tpu.dma_semaphore, #tpu.memory_space<semaphore_mem>> -> memref<!tpu.dma_semaphore, #tpu.memory_space<semaphore_mem>>
    %dma_wait3A_983 = arith.constant 0 : i32
    %dma_wait3A_984 = arith.constant 0 : i32
    %dma_wait3A_985 = tpu.memref_slice %arg6[%dma_wait3A_972, %dma_wait3A_983, %dma_wait3A_984] : memref<4x400x64xf32, #tpu.memory_space<vmem>> -> memref<1x400x64xf32, #tpu.memory_space<vmem>>
    %dma_wait3A_986 = tpu.memref_squeeze %dma_wait3A_985 : memref<1x400x64xf32, #tpu.memory_space<vmem>> -> memref<400x64xf32, #tpu.memory_space<vmem>>
    %dma_wait3A_987 = arith.constant 0 : i32
    %dma_wait3A_988 = arith.constant 0 : i32
    %dma_wait3A_989 = tpu.memref_slice %arg2[%dma_wait3A_987, %dma_wait3A_988] : memref<8192x64xf32, #tpu.memory_space<hbm>> -> memref<400x64xf32, #tpu.memory_space<hbm>>
    tpu.wait_dma2 semaphore(%dma_wait3A_982 : memref<!tpu.dma_semaphore, #tpu.memory_space<semaphore_mem>>) src(%dma_wait3A_989 : memref<400x64xf32, #tpu.memory_space<hbm>>) dst(%dma_wait3A_986 : memref<400x64xf32, #tpu.memory_space<vmem>>)
    %dma_wait3A_990 = arith.constant 3 : i32
    %dma_wait3A_991 = arith.constant 3 : i32
    %dma_wait3A_992 = arith.constant 0 : i32
    %dma_wait3A_993 = arith.constant 0 : i32
    %dma_wait3A_994 = tpu.memref_slice %arg6[%dma_wait3A_990, %dma_wait3A_992, %dma_wait3A_993] : memref<4x400x64xf32, #tpu.memory_space<vmem>> -> memref<1x400x64xf32, #tpu.memory_space<vmem>>
    %dma_wait3A_995 = tpu.memref_squeeze %dma_wait3A_994 : memref<1x400x64xf32, #tpu.memory_space<vmem>> -> memref<400x64xf32, #tpu.memory_space<vmem>>
    %dma_wait3A_996 = arith.constant 0 : i32
    %dma_wait3A_997 = arith.constant 0 : i32
    %dma_wait3A_998 = tpu.memref_slice %arg2[%dma_wait3A_996, %dma_wait3A_997] : memref<8192x64xf32, #tpu.memory_space<hbm>> -> memref<400x64xf32, #tpu.memory_space<hbm>>
    %dma_wait3A_999 = tpu.memref_slice %arg9[%dma_wait3A_991] : memref<4x!tpu.dma_semaphore, #tpu.memory_space<semaphore_mem>> -> memref<1x!tpu.dma_semaphore, #tpu.memory_space<semaphore_mem>>
    %dma_wait3A_1000 = tpu.memref_squeeze %dma_wait3A_999 : memref<1x!tpu.dma_semaphore, #tpu.memory_space<semaphore_mem>> -> memref<!tpu.dma_semaphore, #tpu.memory_space<semaphore_mem>>
    %dma_wait3A_1001 = arith.constant 0 : i32
    %dma_wait3A_1002 = arith.constant 0 : i32
    %dma_wait3A_1003 = tpu.memref_slice %arg6[%dma_wait3A_990, %dma_wait3A_1001, %dma_wait3A_1002] : memref<4x400x64xf32, #tpu.memory_space<vmem>> -> memref<1x400x64xf32, #tpu.memory_space<vmem>>
    %dma_wait3A_1004 = tpu.memref_squeeze %dma_wait3A_1003 : memref<1x400x64xf32, #tpu.memory_space<vmem>> -> memref<400x64xf32, #tpu.memory_space<vmem>>
    %dma_wait3A_1005 = arith.constant 0 : i32
    %dma_wait3A_1006 = arith.constant 0 : i32
    %dma_wait3A_1007 = tpu.memref_slice %arg2[%dma_wait3A_1005, %dma_wait3A_1006] : memref<8192x64xf32, #tpu.memory_space<hbm>> -> memref<400x64xf32, #tpu.memory_space<hbm>>
    tpu.wait_dma2 semaphore(%dma_wait3A_1000 : memref<!tpu.dma_semaphore, #tpu.memory_space<semaphore_mem>>) src(%dma_wait3A_1007 : memref<400x64xf32, #tpu.memory_space<hbm>>) dst(%dma_wait3A_1004 : memref<400x64xf32, #tpu.memory_space<vmem>>)
    return
  }
}

</mosaic_0001>

<sc_bundles>
// kernel: _impl.3.cloned.1.call-start
scs
__scs_entry_jumppad:
0x0: {  	(pc) =	sbr.rel $0x88, $3  }
0x1: {  	(tag) =	ssettag $0x0;
	lr =	simm.s32 $0x1  }
0x2: {  	[smem:$0x3F9F] =	sst lr;
	_ =	strace $0xD0000000  }
0x3: {  	_ = 	snop  }
0x4: {  	_ = 	snop  }
0x5: {  	_ = 	snop  }
0x6: {  	_ = 	snop  }
0x7: {  	_ = 	snop  }
__scs_overlays_trampoline_lowered:
0x8: {  	[smem:$0x3FAE] =	sst s0  }
0x9: {  	[smem:$0x3FAF] =	sst s1  }
0xa: {  	[smem:$0x3FB0] =	sst s2  }
0xb: {  	[smem:$0x3FB1] =	sst s3  }
0xc: {  	[smem:$0x3FB2] =	sst s4  }
0xd: {  	[smem:$0x3FB3] =	sst s5  }
0xe: {  	[smem:$0x3FB4] =	sst s6  }
0xf: {  	[smem:$0x3FB5] =	sst s7  }
0x10: {  	[smem:$0x3FB6] =	sst s8  }
0x11: {  	[smem:$0x3FB7] =	sst s9;
	s0 =	simm.s32 @!p0 $0x0  }
0x12: {  	s1 =	sld [smem:$0x3F9D];
	s0 =	simm.s32 @p0 $0x1  }
0x13: {  	[smem:$0x3FB8] =	sst s0;
	s0 =	simm.s32 @!p1 $0x0  }
0x14: {  	s2 =	sld [smem:$0x3F9C];
	s0 =	simm.s32 @p1 $0x1  }
0x15: {  	[smem:$0x3FB9] =	sst s0;
	s0 =	simm.s32 @!p2 $0x0  }
0x16: {  	s3 =	sld [smem:$0x3FDB];
	s0 =	simm.s32 @p2 $0x1  }
0x17: {  	s4 =	simm.s32 $0x1BF5;
	[smem:$0x3FBB] =	sst s0  }
0x18: {  	s0 =	sld [smem:$0x3F9E];
	_ =	swait.ge [sflag:s4], $0x0  }
0x19: {  	s7 =	sld [smem:$0x3F9F]  }
0x1a: {  	s8 =	sadd.s32 $0xFFFFE003, lr  }
0x1b: {  	s9 =	sadd.s32 $0xFFFFFEF7, lr;
	s5 =	simm.s32 $0xFFFFFFFF;
	p2 =	slt.u32 s8, $0xFFFFF086  }
0x1c: {  	p1 =	slt.u32 s9, $0xF7A;
	s5 =	simm.s32 @!p2 $0x0  }
0x1d: {  	s5 =	simm.s32 @p1 $0x1;
	p0 =	seq.s32 s7, s2  }
0x1e: {  	s7 =	smul.u32 @!p0 $0xF7A, s2;
	p2 =	seq.s32 @!p0 s5, $0x0  }
0x1f: {  	s9 =	smul.u32 $0xF7A, s1;
	s8 =	simm.s32 @!p0 $0x1BF5;
	p2 =	por !p2, p0  }
0x20: {  	[sflag:s8] =	ssyncset.s32 @!p0 $0xFFFFF086;
	s6 =	sadd.s32 @!p0 s3, s7;
	s7 =	simm.s32 @!p0 $0x108  }
0x21: {  	s3 =	sadd.s32 s3, s9;
	s6 =	sadd.s32 @!p0 $0x88, s6;
	s7 =	simm.s32 @p2 $0x1082  }
0x22: {  	[simem:s7], [sflag:s8] =	dma.local @!p0 [hbm:s6], $0xF7A  }
0x23: {  	s9 =	sor.u32 $0xD0000000, s2;
	s6 =	simm.s32 $0x108;
	_ =	swait.ge @!p0 [sflag:s8], $0x0  }
0x24: {  	s3 =	sadd.s32 $0x88, s3;
	s6 =	simm.s32 @!p1 $0x1082;
	[sflag:s4] =	ssyncset.s32 $0xFFFFF086  }
0x25: {  	[simem:s6], [sflag:s4] =	dma.local [hbm:s3], $0xF7A  }
0x26: {  	[smem:$0x3F9F] =	sst s1;
	(tag) =	ssettag s2;
	_ =	strace s9  }
0x27: {  	s1 =	sld [smem:$0x3FAF]  }
0x28: {  	s2 =	sld [smem:$0x3FB0]  }
0x29: {  	s4 =	sld [smem:$0x3FB2]  }
0x2a: {  	p0 =	seq.s32 s5, $0x0;
	s5 =	sld [smem:$0x3FB3]  }
0x2b: {  	s6 =	sld [smem:$0x3FB4]  }
0x2c: {  	s7 =	sld [smem:$0x3FB5]  }
0x2d: {  	s3 =	simm.s32 $0x108;
	s8 =	sld [smem:$0x3FB6]  }
0x2e: {  	s3 =	simm.s32 @!p0 $0x1082;
	s9 =	sld [smem:$0x3FB7]  }
0x2f: {  	lr =	sadd.s32 s0, s3;
	s0 =	sld [smem:$0x3FAE]  }
0x30: {  	s3 =	sld [smem:$0x3FB1]  }
0x31: {  	[smem:$0x3FBA] =	sst s10  }
0x32: {  	s10 =	sld [smem:$0x3FB8];
	_ =	sdelay $0x3  }
0x33: {  	p0 =	seq.s32 s10, $0x1;
	s10 =	sld [smem:$0x3FBA];
	_ =	sdelay $0x3  }
0x34: {  	[smem:$0x3FBA] =	sst s10  }
0x35: {  	s10 =	sld [smem:$0x3FB9];
	_ =	sdelay $0x3  }
0x36: {  	p1 =	seq.s32 s10, $0x1;
	s10 =	sld [smem:$0x3FBA];
	_ =	sdelay $0x3  }
0x37: {  	[smem:$0x3FBA] =	sst s10  }
0x38: {  	s10 =	sld [smem:$0x3FBB]  }
0x39: {  	_ = 	snop;
	(pc) =	sbr.ind lr, $3  }
0x3a: {  	_ = 	snop  }
0x3b: {  	_ = 	snop  }
0x3c: {  	p2 =	seq.s32 s10, $0x1;
	s10 =	sld [smem:$0x3FBA]  }
0x3d: {  	_ =	shalt  }
0x3e: {  	_ =	shalt  }
0x3f: {  	_ =	shalt  }
0x40: {  	_ =	shalt  }
0x41: {  	_ =	shalt  }
0x42: {  	_ =	shalt  }
0x43: {  	_ =	shalt  }
0x44: {  	_ =	shalt  }
0x45: {  	_ =	shalt  }
0x46: {  	_ =	shalt  }
0x47: {  	_ =	shalt  }
0x48: {  	_ =	shalt  }
0x49: {  	_ =	shalt  }
0x4a: {  	_ =	shalt  }
0x4b: {  	_ =	shalt  }
0x4c: {  	_ =	shalt  }
0x4d: {  	_ =	shalt  }
0x4e: {  	_ =	shalt  }
0x4f: {  	_ =	shalt  }
0x50: {  	_ =	shalt  }
0x51: {  	_ =	shalt  }
0x52: {  	_ =	shalt  }
0x53: {  	_ =	shalt  }
0x54: {  	_ =	shalt  }
0x55: {  	_ =	shalt  }
0x56: {  	_ =	shalt  }
0x57: {  	_ =	shalt  }
0x58: {  	_ =	shalt  }
0x59: {  	_ =	shalt  }
0x5a: {  	_ =	shalt  }
0x5b: {  	_ =	shalt  }
0x5c: {  	_ =	shalt  }
0x5d: {  	_ =	shalt  }
0x5e: {  	_ =	shalt  }
0x5f: {  	_ =	shalt  }
0x60: {  	_ =	shalt  }
0x61: {  	_ =	shalt  }
0x62: {  	_ =	shalt  }
0x63: {  	_ =	shalt  }
0x64: {  	_ =	shalt  }
0x65: {  	_ =	shalt  }
0x66: {  	_ =	shalt  }
0x67: {  	_ =	shalt  }
0x68: {  	_ =	shalt  }
0x69: {  	_ =	shalt  }
0x6a: {  	_ =	shalt  }
0x6b: {  	_ =	shalt  }
0x6c: {  	_ =	shalt  }
0x6d: {  	_ =	shalt  }
0x6e: {  	_ =	shalt  }
0x6f: {  	_ =	shalt  }
0x70: {  	_ =	shalt  }
0x71: {  	_ =	shalt  }
0x72: {  	_ =	shalt  }
0x73: {  	_ =	shalt  }
0x74: {  	_ =	shalt  }
0x75: {  	_ =	shalt  }
0x76: {  	_ =	shalt  }
0x77: {  	_ =	shalt  }
0x78: {  	_ =	shalt  }
0x79: {  	_ =	shalt  }
0x7a: {  	_ =	shalt  }
0x7b: {  	_ =	shalt  }
0x7c: {  	_ =	shalt  }
0x7d: {  	_ =	shalt  }
0x7e: {  	_ =	shalt  }
0x7f: {  	_ =	shalt  }
0x80: {  	_ =	shalt  }
0x81: {  	_ =	shalt  }
0x82: {  	_ =	shalt  }
0x83: {  	_ =	shalt  }
0x84: {  	_ =	shalt  }
0x85: {  	_ =	shalt  }
0x86: {  	_ =	shalt  }
0x87: {  	_ =	shalt  }
.Lfunc_end0:
.L_simem_size_0:
called_computation.1_lowered:
.L_overlay_start_0:
0x88: {  	s2 =	sld [smem:$0x3FD9]  }
0x89: {  	s3 =	sld [smem:$0x3FFE];
	_ =	sdelay $0x1  }
0x8a: {  	s1 =	srdreg.scid  }
0x8b: {  	s0 =	sand.u32 $0x1, s1  }
0x8c: {  	s17 =	sshll.u32 s0, $0xA;
	s2 =	sadd.s32 s3, s2  }
0x8d: {  	s2 =	sadd.s32 s2, s17  }
0x8e: {  	[smem:$0x3FC6] =	sst s2  }
0x8f: {  	_ = 	snop  }
0x90: {  	s2 =	sld [smem:$0x3FD0];
	(tm) =	ssettm $0x1  }
0x91: {  	s18 =	sld [smem:$0x3FFB];
	_ =	sdelay $0x3  }
0x92: {  	_ =	strace s18  }
0x93: {  	s3 =	sld [smem:$0x3FFC];
	_ =	sdelay $0x3  }
0x94: {  	_ =	strace s3  }
0x95: {  	s3 =	sld [smem:$0x3FFD];
	_ =	sdelay $0x3  }
0x96: {  	_ =	strace s3  }
0x97: {  	_ =	strace $0x8FFFFFFF  }
0x98: {  	s19 =	sld [smem:$0x3FDB];
	_ =	sdelay $0x1  }
0x99: {  	s4 =	simm.s32 $_scs_section_size  }
0x9a: {  	s5 =	simm.s32 $_size__tile_overlayer_lowered;
	s6 =	simm.s32 $_tile_overlayer_lowered  }
0x9b: {  	s22 =	simm.s32 $0x1BFF;
	s21 =	sshll.u32 s6, $0x1;
	s3 =	sadd.s32 s4, s19  }
0x9c: {  	s7 =	simm.s32 $0x0;
	s20 =	sshll.u32 s5, $0x1;
	s5 =	sadd.s32 s21, s3  }
0x9d: {  	[timem:s7], [sflag:s22] =	dma.local [hbm:s5], s20  }
0x9e: {  	_ =	swait.ge [sflag:s22], s20  }
0x9f: {  	s4 =	ssub.s32 $0x0, s20;
	[sflag:s22] =	ssyncset.done $0x0  }
0xa0: {  	[sflag:s22] =	ssyncadd.s32 s4;
	_ =	sdelay $0x1  }
0xa1: {  	s23 =	simm.s32 $0x1B8B  }
0xa2: {  	_ =	swait.ge [sflag:s23], $0x1  }
0xa3: {  	[sflag:s23] =	ssyncset.done $0x0  }
0xa4: {  	s25 =	simm.s32 $0x1B8E;
	s24 =	sld [smem:$0x3FFE];
	[sflag:s23] =	ssyncadd.s32 $0xFFFFFFFF  }
0xa5: {  	s26 =	simm.s32 $execute0_lowered;
	[smem:$0x3FD2] =	sst s25  }
0xa6: {  	s5 =	sshll.u32 s26, $0x1;
	_ =	strace $0x80000046;
	[dreg:$0x1] =	wrdreg $0xFFFFFFFF  }
0xa7: {  	s28 =	simm.s32 $_size_execute0_lowered;
	s3 =	sadd.s32 s3, s5;
	[dreg:$0x0] =	wrdreg $0x0  }
0xa8: {  	s5 =	sshll.u32 s28, $0x1;
	[dreg:$0x2] =	wrdreg s3  }
0xa9: {  	[dreg:$0x3] =	wrdreg s5  }
0xaa: {  	[dreg:$0x4] =	wrdreg $0xC0  }
0xab: {  	_ =	task [dreg:s7], $0x5FFFF  }
0xac: {  	[dreg:$0x1] =	wrdreg $0xFFFFFFFF  }
0xad: {  	[dreg:$0x0] =	wrdreg $0x60  }
0xae: {  	[dreg:$0x2] =	wrdreg s24  }
0xaf: {  	[dreg:$0x3] =	wrdreg s2  }
0xb0: {  	[dreg:$0x4] =	wrdreg $0x9  }
0xb1: {  	_ =	task.clear_ibuf [dreg:s7], $0x5FFFF;
	_ =	strace $0x90000046  }
0xb2: {  	s29 =	simm.s32 $0x9;
	_ =	strace $0x80000048  }
0xb3: {  	_ =	swait.ge [sflag:s29], $0x1  }
0xb4: {  	[sflag:s29] =	ssyncadd.s32 $0xFFFFFFFF  }
0xb5: {  	_ =	strace $0x90000048  }
0xb6: {  	_ =	sfence  }
0xb7: {  	s30 =	sld [smem:$0x0];
	_ =	sdelay $0x2  }
0xb8: {  	s31 =	sshll.u32 s1, $0xD;
	s1 =	sshrl.u32 s1, $0x2  }
0xb9: {  	s3 =	sand.u32 $0x4000, s31;
	s1 =	sadd.s32 s1, s30  }
0xba: {  	s0 =	sor.u32 s3, s0;
	s1 =	sshll.u32 s1, $0x11  }
0xbb: {  	s0 =	sor.u32 s1, s0  }
0xbc: {  	s0 =	sadd.s32 $0x8F2B, s0  }
0xbd: {  	[sflag:s0] =	ssyncadd.remote.s32 $0x1  }
0xbe: {  	_ =	sfence.sel $0xFFFF  }
0xbf: {  	[dreg:$0x0] =	wrdreg $0xFFFFFFFF;
	(pc) =	sbr.abs _section_cstart, $3  }
0xc0: {  	[dreg:$0x1] =	wrdreg $0xFFFFFFFF  }
0xc1: {  	_ =	task.clear_ibuf [dreg:s7], $0x2FFFF;
	_ =	strace $0x9FFFFFFF  }
0xc2: {  	(tm) =	ssettm $0x7FFFFFFF  }
0xc3: {  	_ =	shalt  }
tec
execute0_lowered:
.L_overlay_start_1:
0x0: {  	(tag) =	ssettag $0x1  }
0x1: {  	s1 =	rddreg [dreg:$0x0]  }
0x2: {  	s2 =	srdreg.scid;
	s12 =	stileid.u32  }
0x3: {  	s0 =	rddreg [dreg:$0x1];
	s4 =	sand.u32 $0x1, s2;
	s3 =	sshll.u32 s12, $0x1  }
0x4: {  	s29 =	simm.s32 $0x10040;
	s23 =	smul.u32 $0x32000, s12;
	s5 =	sor.u32 s4, s3  }
0x5: {  	s28 =	simm.s32 $0x8;
	s30 =	simm.s32 $0xA;
	s6 =	smul.u32 $0x19000, s5  }
0x6: {  	s31 =	simm.s32 $0xB;
	s2 =	simm.s32 $0x0;
	s19 =	smul.u32 $0x640000, s5  }
0x7: {  	[smem:$0x7FF] =	sst s2;
	s3 =	sadd.s32 $0x800, s1;
	s5 =	smul.u32 $0xC8000, s5  }
0x8: {  	s7 =	ssub.s32 $0x2, s4;
	s1 =	sadd.s32 $0x10800, s1;
	s24 =	smul.u32 $0x19000, s4  }
0x9: {  	_ =	strace $0x80000047;
	s6 =	sshrl.u32 s6, $0x3;
	s14 =	sadd.s32 s0, s5  }
0xa: {  	s8 =	sshrl.u32 s7, $0x1;
	s13 =	sadd.s32 s1, s6;
	[dreg:$0xc] =	wrdreg s14  }
0xb: {  	s7 =	ssub.s32 s7, s8;
	s20 =	sadd.s32 $0x32, s13;
	[dreg:$0x8] =	wrdreg s13  }
0xc: {  	s6 =	sshrl.u32 s19, $0x3;
	s21 =	sadd.s32 $0x64, s13;
	[dreg:$0x9] =	wrdreg s20  }
0xd: {  	s22 =	sadd.s32 $0x96, s13;
	s5 =	sadd.s32 s0, s6;
	[dreg:$0xa] =	wrdreg s21  }
0xe: {  	s6 =	sadd.s32 s24, s23;
	[dreg:$0xb] =	wrdreg s22;
	s9 =	sadd.s32 $0xC3500, s5  }
0xf: {  	s25 =	sadd.s32 $0xC3B40, s5;
	s26 =	sadd.s32 $0xC4180, s5;
	[dreg:$0xd] =	wrdreg s9  }
0x10: {  	s10 =	sadd.s32 $0xC47C0, s5;
	s11 =	sadd.s32 $0xC4E00, s5;
	[dreg:$0xe] =	wrdreg s25  }
0x11: {  	s8 =	sor.u32 $0xE10, s6;
	s15 =	sor.u32 $0xC80, s6;
	[dreg:$0xf] =	wrdreg s26  }
0x12: {  	s17 =	sor.u32 $0xAF0, s6;
	s6 =	sor.u32 $0x960, s6;
	[dreg:$0x10] =	wrdreg s10  }
0x13: {  	s21 =	smul.u32 $0x190000, s12;
	s22 =	sadd.s32 $0xC5440, s5;
	[dreg:$0x11] =	wrdreg s11  }
0x14: {  	s10 =	smul.u32 $0xC80000, s12;
	[dreg:$0x16] =	wrdreg s22;
	s25 =	sadd.s32 $0xC5A80, s5  }
0x15: {  	s8 =	sshrl.u32 s8, $0x3;
	s12 =	sadd.s32 $0xC60C0, s5;
	[dreg:$0x17] =	wrdreg s25  }
0x16: {  	s9 =	sshrl.u32 s15, $0x3;
	s15 =	sadd.s32 $0xC6700, s5;
	[dreg:$0x18] =	wrdreg s12  }
0x17: {  	s11 =	smul.u32 $0x640000, s4;
	s22 =	sadd.s32 $0xC80, s14;
	[dreg:$0x19] =	wrdreg s15  }
0x18: {  	s6 =	sshrl.u32 s6, $0x3;
	s8 =	sadd.s32 s8, s1;
	[smem:$0x7F9] =	sst s22  }
0x19: {  	s4 =	smul.u32 $0xC8000, s4;
	s16 =	sadd.s32 s9, s1;
	[dreg:$0x12] =	wrdreg s8  }
0x1a: {  	s23 =	sadd.s32 s21, s0;
	s21 =	sadd.s32 $0xC8, s13;
	[dreg:$0x13] =	wrdreg s16  }
0x1b: {  	s25 =	sadd.s32 $0x319C, s13;
	s22 =	simm.s32 $0x4;
	[dreg:$0x1f] =	wrdreg s21  }
0x1c: {  	s8 =	sshrl.u32 s17, $0x3;
	s16 =	sadd.s32 $0xC6D40, s5;
	[smem:$0x7FC] =	sst s25  }
0x1d: {  	s18 =	sadd.s32 s11, s10;
	s17 =	sadd.s32 $0xC7380, s5;
	[dreg:$0x1a] =	wrdreg s16  }
0x1e: {  	s8 =	sadd.s32 s8, s1;
	s19 =	sor.u32 $0x15E00, s18;
	[dreg:$0x1b] =	wrdreg s17  }
0x1f: {  	s1 =	sadd.s32 s6, s1;
	s24 =	sor.u32 $0xFA00, s18;
	[dreg:$0x14] =	wrdreg s8  }
0x20: {  	s11 =	sor.u32 $0x1C200, s18;
	[dreg:$0x15] =	wrdreg s1;
	s20 =	sshrl.u32 s19, $0x3  }
0x21: {  	s26 =	sshrl.u32 s24, $0x3;
	s8 =	sor.u32 $0x22600, s18;
	s18 =	sadd.s32 $0xC79C0, s5  }
0x22: {  	s19 =	smax.u32 s7, $0x1;
	s24 =	sadd.s32 $0xFA, s13;
	s5 =	simm.s32 $0x190  }
0x23: {  	s7 =	simm.s32 $0x1;
	s1 =	sadd.s32 s20, s0;
	[dreg:$0x1c] =	wrdreg s18  }
0x24: {  	s6 =	sadd.s32 s26, s0;
	s10 =	sshrl.u32 s8, $0x3;
	[dreg:$0x1d] =	wrdreg s19  }
0x25: {  	s20 =	sadd.s32 $0x640, s14;
	[smem:$0x7FB] =	sst s24;
	s26 =	sadd.s32 $0x31CE, s13  }
0x26: {  	s13 =	simm.s32 $0x5;
	s19 =	simm.s32 $0x3;
	[dreg:$0x3] =	wrdreg s1  }
0x27: {  	s8 =	simm.s32 $0xCE40;
	s24 =	simm.s32 $0x7;
	[dreg:$0x5] =	wrdreg s6  }
0x28: {  	s1 =	sadd.s32 s4, s23;
	s4 =	sshrl.u32 s11, $0x3;
	[dreg:$0x1e] =	wrdreg s20  }
0x29: {  	s23 =	sadd.s32 $0x12C0, s14;
	[smem:$0x7FD] =	sst s26;
	s11 =	simm.s32 $0x2  }
0x2a: {  	s20 =	simm.s32 $0x6;
	s26 =	simm.s32 $0x9;
	[dreg:$0x4] =	wrdreg s1  }
0x2b: {  	s6 =	simm.s32 $0x16440;
	s1 =	sadd.s32 s10, s0;
	[smem:$0x7FA] =	sst s23  }
0x2c: {  	s0 =	sadd.s32 s4, s0;
	s23 =	simm.s32 $0x13240;
	[dreg:$0x6] =	wrdreg s1  }
0x2d: {  	s4 =	simm.s32 $0x0;
	[dreg:$0x7] =	wrdreg s0;
	s1 =	simm.s32 $0xC  }
.LBB2_1:
0x2e: {  	[smem:$0x7F8] =	sst s4  }
0x2f: {  	s0 =	rddreg [dreg:$0x8]  }
0x30: {  	[tilespmem:s2], [sflag:$0x1] =	stream.linear.gather [hbm4b:s0+s2], $0x190, $0x38;
	[tilespmem:$0x19640] =	vst v63  }
0x31: {  	s14 =	rddreg [dreg:$0x9]  }
0x32: {  	[tilespmem:s5], [sflag:$0x2] =	stream.linear.gather [hbm4b:s14+s2], $0x190, $0x38;
	[tilespmem:$0x19640] =	vst v63  }
0x33: {  	s15 =	rddreg [dreg:$0xa];
	s21 =	simm.s32 $0x320  }
0x34: {  	[tilespmem:s21], [sflag:$0x3] =	stream.linear.gather [hbm4b:s15+s2], $0x190, $0x38;
	[tilespmem:$0x19640] =	vst v63  }
0x35: {  	_ =	swait.ge [sflag:s7], $0x190  }
0x36: {  	[sflag:s7] =	ssyncset.done $0x0  }
0x37: {  	s9 =	simm.s32 $0x640;
	[sflag:s7] =	ssyncadd.s32 $0xFFFFFE70  }
0x38: {  	[tilespmem:s9], [sflag:$0x5] =	stream.indirect.gather [hbm4b:s3+s5], $0x40, s2, s5, $0xb8;
	[tilespmem:$0x19640] =	vst v63  }
0x39: {  	s10 =	simm.s32 $0x4B0;
	s16 =	rddreg [dreg:$0xb]  }
0x3a: {  	[tilespmem:s10], [sflag:$0x4] =	stream.linear.gather [hbm4b:s16+s2], $0x190, $0x38;
	[tilespmem:$0x19640] =	vst v63  }
0x3b: {  	_ =	swait.ge [sflag:s11], $0x190  }
0x3c: {  	[sflag:s11] =	ssyncset.done $0x0  }
0x3d: {  	s12 =	simm.s32 $0x6A40;
	[sflag:s11] =	ssyncadd.s32 $0xFFFFFE70  }
0x3e: {  	[tilespmem:s12], [sflag:$0x6] =	stream.indirect.gather [hbm4b:s3+s5], $0x40, s5, s5, $0xb8;
	[tilespmem:$0x19640] =	vst v63  }
0x3f: {  	_ =	swait.ge [sflag:s13], $0x6400  }
0x40: {  	[sflag:s13] =	ssyncset.done $0x0  }
0x41: {  	s17 =	rddreg [dreg:$0xc];
	[sflag:s13] =	ssyncadd.s32 $0xFFFF9C00  }
0x42: {  	[hbm4b:s17+s2] =	stream.linear.scatter [tilespmem:s9], [sflag:$0x9], $0x3200, $0x38;
	[tilespmem:$0x19640] =	vst v63  }
0x43: {  	s18 =	rddreg [dreg:$0x1e];
	s17 =	simm.s32 $0x3840  }
0x44: {  	[hbm4b:s18+s2] =	stream.linear.scatter [tilespmem:s17], [sflag:$0x9], $0x3200, $0x38;
	[tilespmem:$0x19640] =	vst v63  }
0x45: {  	s25 =	rddreg [dreg:$0x1f]  }
0x46: {  	[tilespmem:s2], [sflag:$0x1] =	stream.linear.gather [hbm4b:s25+s2], $0x190, $0x38;
	[tilespmem:$0x19640] =	vst v63  }
0x47: {  	_ =	swait.ge [sflag:s19], $0x190  }
0x48: {  	[sflag:s19] =	ssyncset.done $0x0  }
0x49: {  	[sflag:s19] =	ssyncadd.s32 $0xFFFFFE70  }
0x4a: {  	[tilespmem:s8], [sflag:$0x7] =	stream.indirect.gather [hbm4b:s3+s5], $0x40, s21, s5, $0xb8;
	[tilespmem:$0x19640] =	vst v63  }
0x4b: {  	_ =	swait.ge [sflag:s20], $0x6400  }
0x4c: {  	s4 =	sld [smem:$0x7F9]  }
0x4d: {  	[sflag:s20] =	ssyncset.done $0x0  }
0x4e: {  	s14 =	sld [smem:$0x7FA];
	[sflag:s20] =	ssyncadd.s32 $0xFFFF9C00  }
0x4f: {  	[hbm4b:s4+s2] =	stream.linear.scatter [tilespmem:s12], [sflag:$0xA], $0x3200, $0x38;
	[tilespmem:$0x19640] =	vst v63  }
0x50: {  	s18 =	simm.s32 $0x9C40;
	s15 =	sld [smem:$0x7FB]  }
0x51: {  	[hbm4b:s14+s2] =	stream.linear.scatter [tilespmem:s18], [sflag:$0xA], $0x3200, $0x38;
	[tilespmem:$0x19640] =	vst v63  }
0x52: {  	_ = 	snop  }
0x53: {  	[tilespmem:s5], [sflag:$0x2] =	stream.linear.gather [hbm4b:s15+s2], $0x190, $0x38;
	[tilespmem:$0x19640] =	vst v63  }
0x54: {  	_ =	swait.ge [sflag:s22], $0x190  }
0x55: {  	[sflag:s22] =	ssyncset.done $0x0  }
0x56: {  	[sflag:s22] =	ssyncadd.s32 $0xFFFFFE70  }
0x57: {  	[tilespmem:s23], [sflag:$0x8] =	stream.indirect.gather [hbm4b:s3+s5], $0x40, s10, s5, $0xb8;
	[tilespmem:$0x19640] =	vst v63  }
0x58: {  	_ =	swait.ge [sflag:s24], $0x6400  }
0x59: {  	s16 =	rddreg [dreg:$0x4]  }
0x5a: {  	[sflag:s24] =	ssyncset.done $0x0;
	s0 =	sadd.s32 $0x0, s16  }
0x5b: {  	s25 =	rddreg [dreg:$0x5];
	[sflag:s24] =	ssyncadd.s32 $0xFFFF9C00;
	s14 =	sadd.s32 $0x1900, s0  }
0x5c: {  	[hbm4b:s14+s2] =	stream.linear.scatter [tilespmem:s8], [sflag:$0xB], $0x3200, $0x38;
	[tilespmem:$0x19640] =	vst v63  }
0x5d: {  	s4 =	sadd.s32 $0x0, s25  }
0x5e: {  	[hbm4b:s4+s2] =	stream.linear.scatter [tilespmem:s29], [sflag:$0xB], $0x3200, $0x38;
	[tilespmem:$0x19640] =	vst v63  }
0x5f: {  	s16 =	rddreg [dreg:$0x15]  }
0x60: {  	[tilespmem:s21], [sflag:$0x3] =	stream.linear.gather [hbm4b:s16+s2], $0x190, $0x38;
	[tilespmem:$0x19640] =	vst v63  }
0x61: {  	_ =	swait.ge [sflag:s7], $0x190  }
0x62: {  	[sflag:s7] =	ssyncset.done $0x0  }
0x63: {  	[sflag:s7] =	ssyncadd.s32 $0xFFFFFE70  }
0x64: {  	_ =	swait.ge [sflag:s26], $0x6400  }
0x65: {  	[sflag:s26] =	ssyncset.done $0x0  }
0x66: {  	[sflag:s26] =	ssyncadd.s32 $0xFFFF9C00  }
0x67: {  	[tilespmem:s9], [sflag:$0x5] =	stream.indirect.gather [hbm4b:s3+s5], $0x40, s2, s5, $0xb8;
	[tilespmem:$0x19640] =	vst v63  }
0x68: {  	_ =	swait.ge [sflag:s28], $0x6400  }
0x69: {  	[sflag:s28] =	ssyncset.done $0x0  }
0x6a: {  	s25 =	sadd.s32 $0x2580, s0;
	s15 =	rddreg [dreg:$0x3];
	[sflag:s28] =	ssyncadd.s32 $0xFFFF9C00  }
0x6b: {  	[hbm4b:s25+s2] =	stream.linear.scatter [tilespmem:s23], [sflag:$0xC], $0x3200, $0x38;
	[tilespmem:$0x19640] =	vst v63  }
0x6c: {  	s4 =	sadd.s32 $0x0, s15  }
0x6d: {  	[hbm4b:s4+s2] =	stream.linear.scatter [tilespmem:s6], [sflag:$0xC], $0x3200, $0x38;
	[tilespmem:$0x19640] =	vst v63  }
0x6e: {  	s15 =	rddreg [dreg:$0x14]  }
0x6f: {  	[tilespmem:s10], [sflag:$0x4] =	stream.linear.gather [hbm4b:s15+s2], $0x190, $0x38;
	[tilespmem:$0x19640] =	vst v63  }
0x70: {  	_ =	swait.ge [sflag:s11], $0x190  }
0x71: {  	[sflag:s11] =	ssyncset.done $0x0  }
0x72: {  	[sflag:s11] =	ssyncadd.s32 $0xFFFFFE70  }
0x73: {  	_ =	swait.ge [sflag:s30], $0x6400  }
0x74: {  	[sflag:s30] =	ssyncset.done $0x0  }
0x75: {  	[sflag:s30] =	ssyncadd.s32 $0xFFFF9C00  }
0x76: {  	[tilespmem:s12], [sflag:$0x6] =	stream.indirect.gather [hbm4b:s3+s5], $0x40, s5, s5, $0xb8;
	[tilespmem:$0x19640] =	vst v63  }
0x77: {  	_ =	swait.ge [sflag:s13], $0x6400  }
0x78: {  	[sflag:s13] =	ssyncset.done $0x0  }
0x79: {  	s25 =	sadd.s32 $0x3200, s0;
	s10 =	rddreg [dreg:$0x7];
	[sflag:s13] =	ssyncadd.s32 $0xFFFF9C00  }
0x7a: {  	[hbm4b:s25+s2] =	stream.linear.scatter [tilespmem:s9], [sflag:$0x9], $0x3200, $0x38;
	[tilespmem:$0x19640] =	vst v63  }
0x7b: {  	s4 =	sadd.s32 $0x0, s10  }
0x7c: {  	[hbm4b:s4+s2] =	stream.linear.scatter [tilespmem:s17], [sflag:$0x9], $0x3200, $0x38;
	[tilespmem:$0x19640] =	vst v63  }
0x7d: {  	s10 =	rddreg [dreg:$0x13]  }
0x7e: {  	[tilespmem:s2], [sflag:$0x1] =	stream.linear.gather [hbm4b:s10+s2], $0x190, $0x38;
	[tilespmem:$0x19640] =	vst v63  }
0x7f: {  	_ =	swait.ge [sflag:s19], $0x190  }
0x80: {  	[sflag:s19] =	ssyncset.done $0x0  }
0x81: {  	[sflag:s19] =	ssyncadd.s32 $0xFFFFFE70  }
0x82: {  	_ =	swait.ge [sflag:s31], $0x6400  }
0x83: {  	[sflag:s31] =	ssyncset.done $0x0  }
0x84: {  	[sflag:s31] =	ssyncadd.s32 $0xFFFF9C00  }
0x85: {  	[tilespmem:s8], [sflag:$0x7] =	stream.indirect.gather [hbm4b:s3+s5], $0x40, s21, s5, $0xb8;
	[tilespmem:$0x19640] =	vst v63  }
0x86: {  	_ =	swait.ge [sflag:s20], $0x6400  }
0x87: {  	[sflag:s20] =	ssyncset.done $0x0  }
0x88: {  	s0 =	sadd.s32 $0x3E80, s0;
	s14 =	rddreg [dreg:$0x6];
	[sflag:s20] =	ssyncadd.s32 $0xFFFF9C00  }
0x89: {  	[hbm4b:s0+s2] =	stream.linear.scatter [tilespmem:s12], [sflag:$0xA], $0x3200, $0x38;
	[tilespmem:$0x19640] =	vst v63  }
0x8a: {  	s21 =	sadd.s32 $0x0, s14  }
0x8b: {  	[hbm4b:s21+s2] =	stream.linear.scatter [tilespmem:s18], [sflag:$0xA], $0x3200, $0x38;
	[tilespmem:$0x19640] =	vst v63  }
0x8c: {  	s25 =	rddreg [dreg:$0x12]  }
0x8d: {  	[tilespmem:s5], [sflag:$0x2] =	stream.linear.gather [hbm4b:s25+s2], $0x190, $0x38;
	[tilespmem:$0x19640] =	vst v63  }
0x8e: {  	_ =	swait.ge [sflag:s22], $0x190  }
0x8f: {  	[sflag:s22] =	ssyncset.done $0x0  }
0x90: {  	[sflag:s22] =	ssyncadd.s32 $0xFFFFFE70  }
0x91: {  	s4 =	simm.s32 $0x3200;
	_ =	swait.ge [sflag:s1], $0x6400  }
0x92: {  	s17 =	sadd.s32 $0xC8, s10;
	s14 =	sadd.s32 $0xC8, s15;
	[sflag:s1] =	ssyncset.done $0x0  }
0x93: {  	s15 =	sadd.s32 $0xC8, s16;
	s16 =	sadd.s32 $0xC8, s25;
	[sflag:s1] =	ssyncadd.s32 $0xFFFF9C00  }
.LBB2_2:
0x94: {  	s12 =	simm.s32 $0x4B0  }
0x95: {  	[tilespmem:s23], [sflag:$0x8] =	stream.indirect.gather [hbm4b:s3+s5], $0x40, s12, s5, $0xb8;
	[tilespmem:$0x19640] =	vst v63  }
0x96: {  	_ =	swait.ge [sflag:s24], $0x6400  }
0x97: {  	s0 =	smov.u32 s4;
	s18 =	rddreg [dreg:$0x4]  }
0x98: {  	[sflag:s24] =	ssyncset.done $0x0;
	s18 =	sadd.s32 s0, s18  }
0x99: {  	s21 =	rddreg [dreg:$0x5];
	[sflag:s24] =	ssyncadd.s32 $0xFFFF9C00;
	s25 =	sadd.s32 $0x1900, s18  }
0x9a: {  	[hbm4b:s25+s2] =	stream.linear.scatter [tilespmem:s8], [sflag:$0xB], $0x3200, $0x38;
	[tilespmem:$0x19640] =	vst v63  }
0x9b: {  	s21 =	sadd.s32 s0, s21  }
0x9c: {  	[hbm4b:s21+s2] =	stream.linear.scatter [tilespmem:s29], [sflag:$0xB], $0x3200, $0x38;
	[tilespmem:$0x19640] =	vst v63  }
0x9d: {  	s9 =	simm.s32 $0x320  }
0x9e: {  	[tilespmem:s9], [sflag:$0x3] =	stream.linear.gather [hbm4b:s15+s2], $0x190, $0x38;
	[tilespmem:$0x19640] =	vst v63  }
0x9f: {  	_ =	swait.ge [sflag:s7], $0x190  }
0xa0: {  	[sflag:s7] =	ssyncset.done $0x0  }
0xa1: {  	[sflag:s7] =	ssyncadd.s32 $0xFFFFFE70  }
0xa2: {  	_ =	swait.ge [sflag:s26], $0x6400  }
0xa3: {  	[sflag:s26] =	ssyncset.done $0x0  }
0xa4: {  	s10 =	simm.s32 $0x640;
	[sflag:s26] =	ssyncadd.s32 $0xFFFF9C00  }
0xa5: {  	[tilespmem:s10], [sflag:$0x5] =	stream.indirect.gather [hbm4b:s3+s5], $0x40, s2, s5, $0xb8;
	[tilespmem:$0x19640] =	vst v63  }
0xa6: {  	_ =	swait.ge [sflag:s28], $0x6400  }
0xa7: {  	[sflag:s28] =	ssyncset.done $0x0  }
0xa8: {  	s25 =	sadd.s32 $0x2580, s18;
	s21 =	rddreg [dreg:$0x3];
	[sflag:s28] =	ssyncadd.s32 $0xFFFF9C00  }
0xa9: {  	[hbm4b:s25+s2] =	stream.linear.scatter [tilespmem:s23], [sflag:$0xC], $0x3200, $0x38;
	[tilespmem:$0x19640] =	vst v63  }
0xaa: {  	s21 =	sadd.s32 s0, s21  }
0xab: {  	[hbm4b:s21+s2] =	stream.linear.scatter [tilespmem:s6], [sflag:$0xC], $0x3200, $0x38;
	[tilespmem:$0x19640] =	vst v63  }
0xac: {  	_ = 	snop  }
0xad: {  	[tilespmem:s12], [sflag:$0x4] =	stream.linear.gather [hbm4b:s14+s2], $0x190, $0x38;
	[tilespmem:$0x19640] =	vst v63  }
0xae: {  	_ =	swait.ge [sflag:s11], $0x190  }
0xaf: {  	[sflag:s11] =	ssyncset.done $0x0  }
0xb0: {  	[sflag:s11] =	ssyncadd.s32 $0xFFFFFE70  }
0xb1: {  	_ =	swait.ge [sflag:s30], $0x6400  }
0xb2: {  	[sflag:s30] =	ssyncset.done $0x0  }
0xb3: {  	s12 =	simm.s32 $0x6A40;
	[sflag:s30] =	ssyncadd.s32 $0xFFFF9C00  }
0xb4: {  	[tilespmem:s12], [sflag:$0x6] =	stream.indirect.gather [hbm4b:s3+s5], $0x40, s5, s5, $0xb8;
	[tilespmem:$0x19640] =	vst v63  }
0xb5: {  	_ =	swait.ge [sflag:s13], $0x6400  }
0xb6: {  	[sflag:s13] =	ssyncset.done $0x0  }
0xb7: {  	s25 =	sadd.s32 $0x3200, s18;
	s21 =	rddreg [dreg:$0x7];
	[sflag:s13] =	ssyncadd.s32 $0xFFFF9C00  }
0xb8: {  	[hbm4b:s25+s2] =	stream.linear.scatter [tilespmem:s10], [sflag:$0x9], $0x3200, $0x38;
	[tilespmem:$0x19640] =	vst v63  }
0xb9: {  	s21 =	sadd.s32 s0, s21;
	s10 =	simm.s32 $0x3840  }
0xba: {  	[hbm4b:s21+s2] =	stream.linear.scatter [tilespmem:s10], [sflag:$0x9], $0x3200, $0x38;
	[tilespmem:$0x19640] =	vst v63  }
0xbb: {  	_ = 	snop  }
0xbc: {  	[tilespmem:s2], [sflag:$0x1] =	stream.linear.gather [hbm4b:s17+s2], $0x190, $0x38;
	[tilespmem:$0x19640] =	vst v63  }
0xbd: {  	_ =	swait.ge [sflag:s19], $0x190  }
0xbe: {  	[sflag:s19] =	ssyncset.done $0x0  }
0xbf: {  	[sflag:s19] =	ssyncadd.s32 $0xFFFFFE70  }
0xc0: {  	_ =	swait.ge [sflag:s31], $0x6400  }
0xc1: {  	[sflag:s31] =	ssyncset.done $0x0  }
0xc2: {  	[sflag:s31] =	ssyncadd.s32 $0xFFFF9C00  }
0xc3: {  	[tilespmem:s8], [sflag:$0x7] =	stream.indirect.gather [hbm4b:s3+s5], $0x40, s9, s5, $0xb8;
	[tilespmem:$0x19640] =	vst v63  }
0xc4: {  	_ =	swait.ge [sflag:s20], $0x6400  }
0xc5: {  	[sflag:s20] =	ssyncset.done $0x0  }
0xc6: {  	s18 =	sadd.s32 $0x3E80, s18;
	s10 =	rddreg [dreg:$0x6];
	[sflag:s20] =	ssyncadd.s32 $0xFFFF9C00  }
0xc7: {  	[hbm4b:s18+s2] =	stream.linear.scatter [tilespmem:s12], [sflag:$0xA], $0x3200, $0x38;
	[tilespmem:$0x19640] =	vst v63  }
0xc8: {  	s25 =	simm.s32 $0x9C40;
	s0 =	sadd.s32 s0, s10  }
0xc9: {  	[hbm4b:s0+s2] =	stream.linear.scatter [tilespmem:s25], [sflag:$0xA], $0x3200, $0x38;
	[tilespmem:$0x19640] =	vst v63  }
0xca: {  	_ = 	snop  }
0xcb: {  	[tilespmem:s5], [sflag:$0x2] =	stream.linear.gather [hbm4b:s16+s2], $0x190, $0x38;
	[tilespmem:$0x19640] =	vst v63  }
0xcc: {  	p0 =	sne.s32 s4, $0xBEA00;
	_ =	swait.ge [sflag:s22], $0x190  }
.Ltmp0:
0xcd: {  	[sflag:s22] =	ssyncset.done $0x0;
	(pc) =	sbr.rel @p0 .LBB2_2-.Ltmp0, $4  }
0xce: {  	[sflag:s22] =	ssyncadd.s32 $0xFFFFFE70  }
0xcf: {  	s4 =	sadd.s32 $0x3200, s4;
	_ =	swait.ge [sflag:s1], $0x6400  }
0xd0: {  	s15 =	sadd.s32 $0xC8, s15;
	s14 =	sadd.s32 $0xC8, s14;
	[sflag:s1] =	ssyncset.done $0x0  }
0xd1: {  	s17 =	sadd.s32 $0xC8, s17;
	s16 =	sadd.s32 $0xC8, s16;
	[sflag:s1] =	ssyncadd.s32 $0xFFFF9C00  }
0xd2: {  	s9 =	simm.s32 $0x4B0  }
0xd3: {  	[tilespmem:s23], [sflag:$0x8] =	stream.indirect.gather [hbm4b:s3+s5], $0x40, s9, s5, $0xb8;
	[tilespmem:$0x19640] =	vst v63  }
0xd4: {  	_ =	swait.ge [sflag:s24], $0x6400  }
0xd5: {  	[sflag:s24] =	ssyncset.done $0x0;
	s0 =	rddreg [dreg:$0xd]  }
0xd6: {  	s10 =	rddreg [dreg:$0xe];
	[sflag:s24] =	ssyncadd.s32 $0xFFFF9C00  }
0xd7: {  	[hbm4b:s0+s2] =	stream.linear.scatter [tilespmem:s8], [sflag:$0xB], $0x3200, $0x38;
	[tilespmem:$0x19640] =	vst v63  }
0xd8: {  	s14 =	simm.s32 $0x10040;
	s12 =	sld [smem:$0x7FC]  }
0xd9: {  	[hbm4b:s10+s2] =	stream.linear.scatter [tilespmem:s14], [sflag:$0xB], $0x3200, $0x38;
	[tilespmem:$0x19640] =	vst v63  }
0xda: {  	s6 =	simm.s32 $0x320  }
0xdb: {  	[tilespmem:s6], [sflag:$0x3] =	stream.linear.gather [hbm4b:s12+s2], $0x190, $0x38;
	[tilespmem:$0x19640] =	vst v63  }
0xdc: {  	_ =	swait.ge [sflag:s7], $0x190  }
0xdd: {  	[sflag:s7] =	ssyncset.done $0x0  }
0xde: {  	[sflag:s7] =	ssyncadd.s32 $0xFFFFFE70  }
0xdf: {  	_ =	swait.ge [sflag:s26], $0x6400  }
0xe0: {  	[sflag:s26] =	ssyncset.done $0x0  }
0xe1: {  	s4 =	simm.s32 $0x640;
	[sflag:s26] =	ssyncadd.s32 $0xFFFF9C00  }
0xe2: {  	[tilespmem:s4], [sflag:$0x5] =	stream.indirect.gather [hbm4b:s3+s5], $0x40, s2, s5, $0xb8;
	[tilespmem:$0x19640] =	vst v63  }
0xe3: {  	_ =	swait.ge [sflag:s28], $0x6400  }
0xe4: {  	[sflag:s28] =	ssyncset.done $0x0;
	s15 =	rddreg [dreg:$0xf]  }
0xe5: {  	s16 =	rddreg [dreg:$0x10];
	[sflag:s28] =	ssyncadd.s32 $0xFFFF9C00  }
0xe6: {  	[hbm4b:s15+s2] =	stream.linear.scatter [tilespmem:s23], [sflag:$0xC], $0x3200, $0x38;
	[tilespmem:$0x19640] =	vst v63  }
0xe7: {  	s17 =	sld [smem:$0x7FD];
	s15 =	simm.s32 $0x16440  }
0xe8: {  	[hbm4b:s16+s2] =	stream.linear.scatter [tilespmem:s15], [sflag:$0xC], $0x3200, $0x38;
	[tilespmem:$0x19640] =	vst v63  }
0xe9: {  	_ = 	snop  }
0xea: {  	[tilespmem:s9], [sflag:$0x4] =	stream.linear.gather [hbm4b:s17+s2], $0x190, $0x38;
	[tilespmem:$0x19640] =	vst v63  }
0xeb: {  	_ =	swait.ge [sflag:s11], $0x190  }
0xec: {  	[sflag:s11] =	ssyncset.done $0x0  }
0xed: {  	[sflag:s11] =	ssyncadd.s32 $0xFFFFFE70  }
0xee: {  	_ =	swait.ge [sflag:s30], $0x6400  }
0xef: {  	[sflag:s30] =	ssyncset.done $0x0  }
0xf0: {  	s10 =	simm.s32 $0x6A40;
	[sflag:s30] =	ssyncadd.s32 $0xFFFF9C00  }
0xf1: {  	[tilespmem:s10], [sflag:$0x6] =	stream.indirect.gather [hbm4b:s3+s5], $0x40, s5, s5, $0xb8;
	[tilespmem:$0x19640] =	vst v63  }
0xf2: {  	_ =	swait.ge [sflag:s13], $0x6400  }
0xf3: {  	[sflag:s13] =	ssyncset.done $0x0  }
0xf4: {  	s18 =	rddreg [dreg:$0x11];
	[sflag:s13] =	ssyncadd.s32 $0xFFFF9C00  }
0xf5: {  	[hbm4b:s18+s2] =	stream.linear.scatter [tilespmem:s4], [sflag:$0x9], $0x3200, $0x38;
	[tilespmem:$0x19640] =	vst v63  }
0xf6: {  	s25 =	simm.s32 $0x3840;
	s21 =	rddreg [dreg:$0x16]  }
0xf7: {  	[hbm4b:s21+s2] =	stream.linear.scatter [tilespmem:s25], [sflag:$0x9], $0x3200, $0x38;
	[tilespmem:$0x19640] =	vst v63  }
0xf8: {  	_ =	swait.ge [sflag:s19], $0x190  }
0xf9: {  	[sflag:s19] =	ssyncset.done $0x0  }
0xfa: {  	[sflag:s19] =	ssyncadd.s32 $0xFFFFFE70  }
0xfb: {  	_ =	swait.ge [sflag:s31], $0x6400  }
0xfc: {  	[sflag:s31] =	ssyncset.done $0x0  }
0xfd: {  	[sflag:s31] =	ssyncadd.s32 $0xFFFF9C00  }
0xfe: {  	[tilespmem:s8], [sflag:$0x7] =	stream.indirect.gather [hbm4b:s3+s5], $0x40, s6, s5, $0xb8;
	[tilespmem:$0x19640] =	vst v63  }
0xff: {  	_ =	swait.ge [sflag:s20], $0x6400  }
0x100: {  	[sflag:s20] =	ssyncset.done $0x0  }
0x101: {  	s4 =	rddreg [dreg:$0x17];
	[sflag:s20] =	ssyncadd.s32 $0xFFFF9C00  }
0x102: {  	[hbm4b:s4+s2] =	stream.linear.scatter [tilespmem:s10], [sflag:$0xA], $0x3200, $0x38;
	[tilespmem:$0x19640] =	vst v63  }
0x103: {  	s6 =	rddreg [dreg:$0x18];
	s10 =	simm.s32 $0x9C40  }
0x104: {  	[hbm4b:s6+s2] =	stream.linear.scatter [tilespmem:s10], [sflag:$0xA], $0x3200, $0x38;
	[tilespmem:$0x19640] =	vst v63  }
0x105: {  	_ =	swait.ge [sflag:s22], $0x190  }
0x106: {  	[sflag:s22] =	ssyncset.done $0x0  }
0x107: {  	[sflag:s22] =	ssyncadd.s32 $0xFFFFFE70  }
0x108: {  	_ =	swait.ge [sflag:s1], $0x6400  }
0x109: {  	[sflag:s1] =	ssyncset.done $0x0  }
0x10a: {  	[sflag:s1] =	ssyncadd.s32 $0xFFFF9C00  }
0x10b: {  	[tilespmem:s23], [sflag:$0x8] =	stream.indirect.gather [hbm4b:s3+s5], $0x40, s9, s5, $0xb8;
	[tilespmem:$0x19640] =	vst v63  }
0x10c: {  	_ =	swait.ge [sflag:s24], $0x6400  }
0x10d: {  	[sflag:s24] =	ssyncset.done $0x0  }
0x10e: {  	s12 =	rddreg [dreg:$0x19];
	[sflag:s24] =	ssyncadd.s32 $0xFFFF9C00  }
0x10f: {  	[hbm4b:s12+s2] =	stream.linear.scatter [tilespmem:s8], [sflag:$0xB], $0x3200, $0x38;
	[tilespmem:$0x19640] =	vst v63  }
0x110: {  	s16 =	rddreg [dreg:$0x1a]  }
0x111: {  	[hbm4b:s16+s2] =	stream.linear.scatter [tilespmem:s14], [sflag:$0xB], $0x3200, $0x38;
	[tilespmem:$0x19640] =	vst v63  }
0x112: {  	_ =	swait.ge [sflag:s28], $0x6400  }
0x113: {  	[sflag:s28] =	ssyncset.done $0x0  }
0x114: {  	s17 =	rddreg [dreg:$0x1b];
	[sflag:s28] =	ssyncadd.s32 $0xFFFF9C00  }
0x115: {  	[hbm4b:s17+s2] =	stream.linear.scatter [tilespmem:s23], [sflag:$0xC], $0x3200, $0x38;
	[tilespmem:$0x19640] =	vst v63  }
0x116: {  	s18 =	rddreg [dreg:$0x1c]  }
0x117: {  	[hbm4b:s18+s2] =	stream.linear.scatter [tilespmem:s15], [sflag:$0xC], $0x3200, $0x38;
	[tilespmem:$0x19640] =	vst v63  }
0x118: {  	_ =	swait.ge [sflag:s26], $0x6400  }
0x119: {  	[sflag:s26] =	ssyncset.done $0x0  }
0x11a: {  	[sflag:s26] =	ssyncadd.s32 $0xFFFF9C00  }
0x11b: {  	_ =	swait.ge [sflag:s30], $0x6400  }
0x11c: {  	[sflag:s30] =	ssyncset.done $0x0  }
0x11d: {  	[sflag:s30] =	ssyncadd.s32 $0xFFFF9C00  }
0x11e: {  	_ =	swait.ge [sflag:s31], $0x6400  }
0x11f: {  	[sflag:s31] =	ssyncset.done $0x0  }
0x120: {  	[sflag:s31] =	ssyncadd.s32 $0xFFFF9C00  }
0x121: {  	_ =	swait.ge [sflag:s1], $0x6400  }
0x122: {  	s21 =	sld [smem:$0x7F8];
	_ =	sdelay $0x2  }
0x123: {  	s25 =	rddreg [dreg:$0x1d];
	s4 =	sadd.s32 $0x1, s21  }
0x124: {  	p0 =	sne.s32 s4, s25  }
.Ltmp1:
0x125: {  	_ = 	snop;
	(pc) =	sbr.rel @p0 .LBB2_1-.Ltmp1, $3  }
0x126: {  	_ =	sdelay $0x1  }
0x127: {  	[sflag:s1] =	ssyncset.done $0x0  }
0x128: {  	s29 =	simm.s32 $0x10040;
	s6 =	simm.s32 $0x16440;
	[sflag:s1] =	ssyncadd.s32 $0xFFFF9C00  }
0x129: {  	_ =	sfence.sel $0x180000  }
0x12a: {  	[bflag:$0x0] =	sbarrier.arrive $0xFFFF  }
0x12b: {  	_ =	strace $0x90000047  }
0x12c: {  	s0 =	stileid.u32;
	[bflag:$0x2] =	sbarrier.arrive $0xFFFF  }
0x12d: {  	p0 =	sne.s32 s0, $0x0;
	s0 =	rddreg [dreg:$0x2]  }
0x12e: {  	s0 =	sadd.s32 @!p0 $0x100000, s0  }
0x12f: {  	[sflag:s0] =	ssyncadd.tile.s32 @!p0 $0x1;
	_ =	shalt  }
.Lfunc_end2:
_tile_overlayer_lowered:
.L_overlay_start_2:
0x130: {  	(tag) =	ssettag $0x2  }
0x131: {  	s0 =	rddreg [dreg:$0x0];
	s2 =	stileid.u32  }
0x132: {  	s1 =	rddreg [dreg:$0x1];
	p0 =	sne.s32 s2, $0x0  }
0x133: {  	s3 =	rddreg [dreg:$0x2];
	[bflag:$0x3] =	sbarrier.arrive $0xFFFF;
	s2 =	simm.s32 @!p0 $0x1C0D  }
0x134: {  	[timem:s3], [sflag:s2] =	dma.local @!p0 [hbm:s0], s1  }
0x135: {  	s0 =	simm.s32 @!p0 $0xD  }
0x136: {  	_ =	swait.ge @!p0 [sflag:s0], s1  }
0x137: {  	s1 =	ssub.s32 @!p0 $0x0, s1;
	[sflag:s0] =	ssyncset.done @!p0 $0x0  }
0x138: {  	[sflag:s0] =	ssyncadd.s32 @!p0 s1  }
0x139: {  	[bflag:$0x3] =	sbarrier.arrive $0xFFFF  }
0x13a: {  	_ =	shalt  }

// kernel: sparse-core-data-format-call.cloned.1.call-start
scs
called_computation_lowered:
.L_overlay_start_0:
0x0: {  	s2 =	sld [smem:$0x3FD9]  }
0x1: {  	s3 =	sld [smem:$0x3FFE];
	_ =	sdelay $0x1  }
0x2: {  	s1 =	srdreg.scid  }
0x3: {  	s0 =	sand.u32 $0x1, s1  }
0x4: {  	s18 =	sshll.u32 s0, $0xA;
	s2 =	sadd.s32 s3, s2  }
0x5: {  	s2 =	sadd.s32 s2, s18  }
0x6: {  	[smem:$0x3FC6] =	sst s2  }
0x7: {  	_ = 	snop  }
0x8: {  	s2 =	sld [smem:$0x3FD0];
	(tm) =	ssettm $0x1  }
0x9: {  	s19 =	sld [smem:$0x3FFB];
	_ =	sdelay $0x3  }
0xa: {  	_ =	strace s19  }
0xb: {  	s3 =	sld [smem:$0x3FFC];
	_ =	sdelay $0x3  }
0xc: {  	_ =	strace s3  }
0xd: {  	s3 =	sld [smem:$0x3FFD];
	_ =	sdelay $0x3  }
0xe: {  	_ =	strace s3  }
0xf: {  	_ =	strace $0x8FFFFFFF  }
0x10: {  	s20 =	sld [smem:$0x3FDB];
	_ =	sdelay $0x1  }
0x11: {  	s4 =	simm.s32 $_scs_section_size  }
0x12: {  	s5 =	simm.s32 $_size__tile_overlayer_lowered;
	s6 =	simm.s32 $_tile_overlayer_lowered  }
0x13: {  	s23 =	simm.s32 $0x1BFF;
	s22 =	sshll.u32 s6, $0x1;
	s3 =	sadd.s32 s4, s20  }
0x14: {  	s7 =	simm.s32 $0x0;
	s21 =	sshll.u32 s5, $0x1;
	s5 =	sadd.s32 s22, s3  }
0x15: {  	[timem:s7], [sflag:s23] =	dma.local [hbm:s5], s21  }
0x16: {  	_ =	swait.ge [sflag:s23], s21  }
0x17: {  	s4 =	ssub.s32 $0x0, s21;
	[sflag:s23] =	ssyncset.done $0x0  }
0x18: {  	[sflag:s23] =	ssyncadd.s32 s4;
	_ =	sdelay $0x1  }
0x19: {  	s24 =	simm.s32 $0x1B8B  }
0x1a: {  	_ =	swait.ge [sflag:s24], $0x1  }
0x1b: {  	[sflag:s24] =	ssyncset.done $0x0  }
0x1c: {  	s26 =	simm.s32 $0x1B8E;
	s25 =	sld [smem:$0x3FFE];
	[sflag:s24] =	ssyncadd.s32 $0xFFFFFFFF  }
0x1d: {  	s27 =	simm.s32 $execute0_lowered;
	[smem:$0x3FD2] =	sst s26  }
0x1e: {  	s5 =	sshll.u32 s27, $0x1;
	_ =	strace $0x80000049;
	[dreg:$0x1] =	wrdreg $0xFFFFFFFF  }
0x1f: {  	s28 =	simm.s32 $_size_execute0_lowered;
	s3 =	sadd.s32 s3, s5;
	[dreg:$0x0] =	wrdreg $0x0  }
0x20: {  	s5 =	sshll.u32 s28, $0x1;
	[dreg:$0x2] =	wrdreg s3  }
0x21: {  	[dreg:$0x3] =	wrdreg s5  }
0x22: {  	[dreg:$0x4] =	wrdreg $0xC0  }
0x23: {  	_ =	task [dreg:s7], $0x5FFFF  }
0x24: {  	[dreg:$0x1] =	wrdreg $0xFFFFFFFF  }
0x25: {  	[dreg:$0x0] =	wrdreg $0x60  }
0x26: {  	[dreg:$0x2] =	wrdreg s25  }
0x27: {  	[dreg:$0x3] =	wrdreg s2  }
0x28: {  	[dreg:$0x4] =	wrdreg $0x9  }
0x29: {  	_ =	task.clear_ibuf [dreg:s7], $0x5FFFF;
	_ =	strace $0x90000049  }
0x2a: {  	s29 =	simm.s32 $0x9;
	_ =	strace $0x8000004B  }
0x2b: {  	_ =	swait.ge [sflag:s29], $0x1  }
0x2c: {  	[sflag:s29] =	ssyncadd.s32 $0xFFFFFFFF  }
0x2d: {  	_ =	strace $0x9000004B  }
0x2e: {  	_ =	sfence  }
0x2f: {  	s30 =	sld [smem:$0x0];
	_ =	sdelay $0x2  }
0x30: {  	s31 =	sshll.u32 s1, $0xD;
	s1 =	sshrl.u32 s1, $0x2  }
0x31: {  	s3 =	sand.u32 $0x4000, s31;
	s1 =	sadd.s32 s1, s30  }
0x32: {  	s0 =	sor.u32 s3, s0;
	s1 =	sshll.u32 s1, $0x11  }
0x33: {  	s0 =	sor.u32 s1, s0  }
0x34: {  	s0 =	sadd.s32 $0x8F2B, s0  }
0x35: {  	[sflag:s0] =	ssyncadd.remote.s32 $0x1  }
0x36: {  	_ =	sfence.sel $0xFFFF  }
0x37: {  	[dreg:$0x0] =	wrdreg $0xFFFFFFFF;
	(pc) =	sbr.abs _section_cstart, $3  }
0x38: {  	[dreg:$0x1] =	wrdreg $0xFFFFFFFF  }
0x39: {  	_ =	task.clear_ibuf [dreg:s7], $0x2FFFF;
	_ =	strace $0x9FFFFFFF  }
0x3a: {  	(tm) =	ssettm $0x7FFFFFFF  }
0x3b: {  	_ =	shalt  }
tec
execute0_lowered:
.L_overlay_start_1:
0x0: {  	(tag) =	ssettag $0x1  }
0x1: {  	s0 =	srdreg.scid  }
0x2: {  	s1 =	sshll.u32 s0, $0x4  }
0x3: {  	s0 =	stileid.u32;
	s1 =	sand.u32 $0x10, s1  }
0x4: {  	s1 =	sor.u32 s0, s1  }
0x5: {  	s6 =	rddreg [dreg:$0x0];
	s4 =	simm.s32 $0x1;
	s2 =	sshll.u32 s1, $0x7  }
0x6: {  	s7 =	simm.s32 $0x2;
	s12 =	simm.s32 $0x0;
	s1 =	ssub.s32 $0x4000, s2  }
0x7: {  	s8 =	simm.s32 $0x20000;
	s13 =	simm.s32 $0x0;
	s3 =	sand.u32 $0xF80, s1  }
0x8: {  	s9 =	simm.s32 $0x0;
	s5 =	sshrl.u32 s1, $0xC;
	p0 =	sne.s32 s3, $0x0  }
.Ltmp0:
0x9: {  	s1 =	rddreg [dreg:$0x2];
	s4 =	simm.s32 @!p0 $0x0;
	(pc) =	sbr.rel .LBB1_1-.Ltmp0, $4  }
0xa: {  	s11 =	simm.s32 $0x0;
	s3 =	rddreg [dreg:$0x1];
	s5 =	sadd.s32 s4, s5  }
0xb: {  	_ =	strace $0x8000004A;
	s4 =	simm.s32 $0x1;
	s5 =	smul.u32 $0xC8, s5  }
0xc: {  	s6 =	sadd.s32 $0x800, s6;
	s10 =	smov.u32 s2;
	[sflag:s4] =	ssyncpa.u1 $0x0  }
0xd: {  	p0 =	por $0x0, $0x0;
	[sflag:s7] =	ssyncpa.u1 $0x0;
	s7 =	sor.u32 $0x1, s5  }
.LBB1_4:
0xe: {  	s16 =	sshll.u32 s13, $0x3;
	s17 =	sand.u32 $0x78, s13  }
0xf: {  	s30 =	sand.u32 $0x1F800, s13;
	s12 =	sshll.u32 s12, $0x11;
	s16 =	sand.u32 $0x3C00, s16  }
0x10: {  	[tilespmem:s15+$0x810 ss:$0x81] =	vst.msk $0xffff, v2;
	s31 =	sand.u32 $0x7, s13;
	s16 =	sor.u32 s17, s16;
	s17 =	sadd.s32 s3, s30  }
0x11: {  	[tilespmem:s15+$0x1020 ss:$0x81] =	vst.msk $0xffff, v0;
	s13 =	sshll.u32 s31, $0x12;
	s12 =	sadd.s32 s12, s17;
	s16 =	sshrl.u32 s16, $0x3  }
0x12: {  	[tilespmem:s15+$0x0 ss:$0x81] =	vst.msk $0xffff, v1;
	s13 =	sor.u32 $0x400, s13;
	s12 =	sadd.s32 s16, s12  }
0x13: {  	[hbm4b:s12+s13] =	stream.strided.scatter [tilespmem:s14], [sflag:$0x2], $0x2000, s8, s13, $0x20;
	[tilespmem:$0x8080] =	vst v63  }
.LBB1_5:
0x14: {  	s14 =	sadd.s32 $0x1, s9  }
0x15: {  	s12 =	sadd.s32 $0x1000, s10;
	s16 =	smov.u32 s10;
	p2 =	sgt.s32 s14, $0xC7  }
0x16: {  	s16 =	smov.u32 @p2 s12  }
0x17: {  	s14 =	simm.s32 @p2 $0x0;
	p2 =	sgt.s32 s16, $0x3FFF  }
0x18: {  	s16 =	smov.u32 @p2 s2;
	p2 =	sne.s32 s11, s7  }
.Ltmp1:
0x19: {  	p1 =	slt.u32 s11, $0x2;
	(pc) =	sbr.rel @!p2 .LBB1_6-.Ltmp1, $4  }
0x1a: {  	s15 =	simm.s32 @!p1 $0x2  }
0x1b: {  	s13 =	smov.u32 s10;
	p0 =	por !p0, !p0;
	_ =	swait.ge @!p1 [sflag:s15], $0x2000  }
0x1c: {  	s12 =	smov.u32 s9;
	[sflag:s15] =	ssyncset.done @!p1 $0x0;
	s9 =	smov.u32 s14  }
0x1d: {  	s11 =	sadd.s32 $0x1, s11;
	[sflag:s15] =	ssyncadd.s32 @!p1 $0xFFFFE000;
	s10 =	smov.u32 s16  }
.LBB1_1:
0x1e: {  	p1 =	sge.u32 s11, s5  }
0x1f: {  	s14 =	sand.u32 @!p1 $0x1FFFFFF, s9  }
0x20: {  	s15 =	smulhi.u32 @!p1 $0x147AE15, s14;
	_ =	sdelay $0x1  }
0x21: {  	s15 =	smul.u32 @!p1 $0xC8, s15  }
0x22: {  	s16 =	sxor.u32 @!p1 $0xFFFFFFFF, s11;
	s17 =	smul.u32 @!p1 $0xC80, s10  }
0x23: {  	s31 =	sadd.s32 $0xFFFFFFFF, s11;
	s16 =	sshll.u32 @!p1 s16, $0xD;
	s14 =	ssub.s32 @!p1 s14, s15  }
0x24: {  	s15 =	sand.u32 @!p1 $0x2000, s16;
	s16 =	sadd.s32 @!p1 s6, s17;
	s14 =	sshll.u32 @!p1 s14, $0x4  }
0x25: {  	s17 =	simm.s32 @!p1 $0x6400;
	s14 =	sadd.s32 @!p1 s14, s16;
	s16 =	simm.s32 @!p1 $0x40  }
0x26: {  	[tilespmem:s15], [sflag:$0x1] =	stream.strided.gather @!p1 [hbm4b:s14+s16], $0x2000, s17, s16, $0x38;
	[tilespmem:$0x8080] =	vst v63  }
0x27: {  	p1 =	sge.u32 s31, s5  }
.Ltmp2:
0x28: {  	_ = 	snop;
	(pc) =	sbr.rel @p1 .LBB1_5-.Ltmp2, $1  }
0x29: {  	_ =	sdelay $0x3  }
0x2a: {  	s14 =	simm.s32 $0x1  }
0x2b: {  	_ =	swait.ge [sflag:s4], $0x2000;
	s14 =	simm.s32 @!p0 $0x0  }
0x2c: {  	[sflag:s4] =	ssyncset.done $0x0;
	s15 =	sshll.u32 s14, $0xD  }
0x2d: {  	[sflag:s4] =	ssyncadd.s32 $0xFFFFE000;
	s18 =	sor.u32 $0x20, s15  }
0x2e: {  	s14 =	smul.u32 $0x8100, s14;
	v3 =	vld [tilespmem:s18+$0x10]  }
0x2f: {  	s30 =	sand.u32 $0x1, s11;
	v2 =	vld [tilespmem:s18+$0xFFFFFFF0]  }
0x30: {  	s15 =	smul.u32 $0x8100, s30;
	s14 =	sshrl.u32 s14, $0x2;
	v0 =	vld [tilespmem:s18+$0x0]  }
0x31: {  	v1 =	vld [tilespmem:s18+$0xFFFFFFE0];
	s16 =	sor.u32 $0x4000, s14  }
0x32: {  	s31 =	sshrl.u32 s15, $0x2;
	s15 =	sadd.s32 $0x0, s16  }
0x33: {  	s17 =	simm.s32 $0x4;
	s18 =	sadd.s32 $0x40, s18;
	s14 =	sor.u32 $0x4000, s31;
	[tilespmem:s15+$0x1830 ss:$0x81] =	vst.msk $0xffff, v3  }
.LBB1_3:
0x34: {  	v3 =	vld [tilespmem:s18+$0x10];
	p1 =	sne.s32 s17, $0x1FC;
	[tilespmem:s15+$0x810 ss:$0x81] =	vst.msk $0xffff, v2;
	s19 =	smov.u32 s17;
	s17 =	sadd.s32 $0x4, s17  }
.Ltmp3:
0x35: {  	v2 =	vld [tilespmem:s18+$0xFFFFFFF0];
	[tilespmem:s15+$0x1020 ss:$0x81] =	vst.msk $0xffff, v0;
	(pc) =	sbr.rel @p1 .LBB1_3-.Ltmp3, $4  }
0x36: {  	v0 =	vld [tilespmem:s18+$0x0];
	[tilespmem:s15+$0x0 ss:$0x81] =	vst.msk $0xffff, v1  }
0x37: {  	s15 =	sshra.s32 s19, $0x2;
	v1 =	vld [tilespmem:s18+$0xFFFFFFE0]  }
0x38: {  	s15 =	sadd.s32 s15, s16  }
0x39: {  	s18 =	sadd.s32 $0x40, s18;
	[tilespmem:s15+$0x1830 ss:$0x81] =	vst.msk $0xffff, v3  }
.Ltmp4:
0x3a: {  	_ = 	snop;
	(pc) =	sbr.rel .LBB1_4-.Ltmp4, $1  }
0x3b: {  	_ =	sdelay $0x3  }
.LBB1_6:
0x3c: {  	_ =	sfence.sel $0x180000  }
0x3d: {  	s2 =	simm.s32 $0x1;
	[bflag:$0x0] =	sbarrier.arrive $0xFFFF  }
0x3e: {  	s31 =	simm.s32 $0x2;
	[sflag:s2] =	ssyncpa.u1 $0x1  }
0x3f: {  	[sflag:s31] =	ssyncpa.u1 $0x1  }
0x40: {  	p0 =	sne.s32 s0, $0x0;
	_ =	strace $0x9000004A  }
0x41: {  	s0 =	sadd.s32 @!p0 $0x100000, s1;
	[bflag:$0x2] =	sbarrier.arrive $0xFFFF  }
0x42: {  	[sflag:s0] =	ssyncadd.tile.s32 @!p0 $0x1;
	_ =	shalt  }
.Lfunc_end1:
_tile_overlayer_lowered:
.L_overlay_start_2:
0x43: {  	(tag) =	ssettag $0x2  }
0x44: {  	s0 =	rddreg [dreg:$0x0];
	s2 =	stileid.u32  }
0x45: {  	s1 =	rddreg [dreg:$0x1];
	p0 =	sne.s32 s2, $0x0  }
0x46: {  	s3 =	rddreg [dreg:$0x2];
	[bflag:$0x3] =	sbarrier.arrive $0xFFFF;
	s2 =	simm.s32 @!p0 $0x1C01  }
0x47: {  	[timem:s3], [sflag:s2] =	dma.local @!p0 [hbm:s0], s1  }
0x48: {  	s0 =	simm.s32 @!p0 $0x1  }
0x49: {  	_ =	swait.ge @!p0 [sflag:s0], s1  }
0x4a: {  	s1 =	ssub.s32 @!p0 $0x0, s1;
	[sflag:s0] =	ssyncset.done @!p0 $0x0  }
0x4b: {  	[sflag:s0] =	ssyncadd.s32 @!p0 s1  }
0x4c: {  	[bflag:$0x3] =	sbarrier.arrive $0xFFFF  }
0x4d: {  	_ =	shalt  }

</sc_bundles>
